<compile_context>
chip_gen: v7x
topology: tpu7x:2x2x1
jax: 0.10.2.dev20260603
libtpu: 0.0.44.dev20260713+nightly
codegen_flags: <defaults>
</compile_context>

<pallas_src>
import functools

import jax
import jax.numpy as jnp
from jax import lax
from jax.experimental import pallas as pl
from jax.experimental.pallas import tpu as pltpu
from jax.experimental.pallas import tpu_sc as plsc

B, S, D, F, K, NBINS, MAXMEL = 16, 512, 512, 512, 3, 256, 4096
TBL = S + 1


def _ln(h, g, be):
    mu = jnp.mean(h, axis=1, keepdims=True)
    c = h - mu
    v = jnp.mean(c * c, axis=1, keepdims=True)
    return c * lax.rsqrt(v + 1e-5) * g + be


def _mm3(v, wr):
    rows = lax.broadcasted_iota(jnp.int32, (S, 1), 0)
    vm1 = jnp.where(rows == 0, 0.0, pltpu.roll(v, 1, 0))
    vp1 = jnp.where(rows == S - 1, 0.0, pltpu.roll(v, S - 1, 0))
    y = jnp.dot(v, wr[1], preferred_element_type=jnp.float32,
                precision=lax.Precision.DEFAULT)
    y = y + jnp.dot(vm1, wr[0], preferred_element_type=jnp.float32,
                    precision=lax.Precision.DEFAULT)
    y = y + jnp.dot(vp1, wr[2], preferred_element_type=jnp.float32,
                    precision=lax.Precision.DEFAULT)
    return y


def _predict(v, w1, b1, g1, be1, w2, b2, g2, be2, wl, bl):
    h = jnp.maximum(_mm3(v, w1) + b1[...], 0.0)
    h = _ln(h, g1[...], be1[...])
    h = jnp.maximum(_mm3(h, w2) + b2[...], 0.0)
    h = _ln(h, g2[...], be2[...])
    return jnp.sum(h * wl[...], axis=1, keepdims=True) + bl[0, 0]


def _bucket_add(truth_col, bins_row, emb):
    idx = jnp.sum((bins_row[...] < truth_col).astype(jnp.float32), axis=1,
                  keepdims=True)
    oh = (lax.broadcasted_iota(jnp.int32, (S, NBINS), 1).astype(jnp.float32)
          == idx)
    return jnp.dot(oh.astype(jnp.float32), emb[...],
                   preferred_element_type=jnp.float32)


def _tc_body(xr, ptr, etr, durr, pbins, ebins, pemb, eemb,
             xaugr, gidxr, mlenr):
    b = pl.program_id(0)
    x2 = (xr[0] + _bucket_add(ptr[0], pbins, pemb)
          + _bucket_add(etr[0], ebins, eemb))
    xaugr[0, :S, :] = x2
    xaugr[0, S:, :] = jnp.zeros((1, D), jnp.float32)

    dur_row = durr[0]
    r = lax.broadcasted_iota(jnp.int32, (S, S), 0)
    c = lax.broadcasted_iota(jnp.int32, (S, S), 1)
    tri = (r <= c).astype(jnp.float32)
    cum = jnp.dot(dur_row, tri, preferred_element_type=jnp.float32)
    total = cum[:, S - 1:S]
    trow = lax.broadcasted_iota(jnp.int32, (MAXMEL, 1), 0).astype(jnp.float32)
    idx = jnp.sum((cum <= trow).astype(jnp.float32), axis=1, keepdims=True)
    gidx = jnp.where(trow < total, idx, float(S)) + (b * TBL).astype(
        jnp.float32)
    gidxr[0] = gidx.astype(jnp.int32)
    mlenr[0] = total.astype(jnp.int32)


def _wspec(shape):
    n = len(shape)
    return pl.BlockSpec(shape, lambda b: (0,) * n)


def _tc_call(x, ptc, etc_, durr, pbins, ebins, pemb, eemb):
    in_specs = [
        pl.BlockSpec((1, S, D), lambda b: (b, 0, 0)),
        pl.BlockSpec((1, S, 1), lambda b: (b, 0, 0)),
        pl.BlockSpec((1, S, 1), lambda b: (b, 0, 0)),
        pl.BlockSpec((1, 1, S), lambda b: (b, 0, 0)),
        _wspec((1, NBINS)), _wspec((1, NBINS)),
        _wspec((NBINS, D)), _wspec((NBINS, D)),
    ]
    out_specs = [
        pl.BlockSpec((1, TBL, D), lambda b: (b, 0, 0)),
        pl.BlockSpec((1, MAXMEL, 1), lambda b: (b, 0, 0)),
        pl.BlockSpec((1, 1, 1), lambda b: (b, 0, 0)),
    ]
    out_shapes = [
        jax.ShapeDtypeStruct((B, TBL, D), jnp.float32),
        jax.ShapeDtypeStruct((B, MAXMEL, 1), jnp.int32),
        jax.ShapeDtypeStruct((B, 1, 1), jnp.int32),
    ]
    return pl.pallas_call(
        _tc_body,
        grid=(B,),
        in_specs=in_specs,
        out_specs=out_specs,
        out_shape=out_shapes,
        compiler_params=pltpu.CompilerParams(
            dimension_semantics=("arbitrary",),
            vmem_limit_bytes=110 * 1024 * 1024,
        ),
    )(x, ptc, etc_, durr, pbins, ebins, pemb, eemb)


def _tcp_body(xr, ptr, etr, pbins, ebins, pemb, eemb,
              pw1, pb1, pg1, pbe1, pw2, pb2, pg2, pbe2, pwl, pbl,
              ew1, eb1, eg1, ebe1, ew2, eb2, eg2, ebe2, ewl, ebl,
              dw1, db1, dg1, dbe1, dw2, db2, dg2, dbe2, dwl, dbl,
              ppredr, epredr, dpredr):
    x0 = xr[0]
    ppredr[0] = _predict(x0, pw1, pb1, pg1, pbe1, pw2, pb2, pg2, pbe2,
                         pwl, pbl)
    x1 = x0 + _bucket_add(ptr[0], pbins, pemb)
    epredr[0] = _predict(x1, ew1, eb1, eg1, ebe1, ew2, eb2, eg2, ebe2,
                         ewl, ebl)
    x2 = x1 + _bucket_add(etr[0], ebins, eemb)
    dpredr[0] = _predict(x2, dw1, db1, dg1, dbe1, dw2, db2, dg2, dbe2,
                         dwl, dbl)


def _tcp_call(x, ptc, etc_, pbins, ebins, pemb, eemb, wlist):
    in_specs = [
        pl.BlockSpec((1, S, D), lambda b: (b, 0, 0)),
        pl.BlockSpec((1, S, 1), lambda b: (b, 0, 0)),
        pl.BlockSpec((1, S, 1), lambda b: (b, 0, 0)),
        _wspec((1, NBINS)), _wspec((1, NBINS)),
        _wspec((NBINS, D)), _wspec((NBINS, D)),
    ]
    for _ in range(3):
        in_specs += [
            _wspec((K, D, F)), _wspec((1, F)), _wspec((1, F)), _wspec((1, F)),
            _wspec((K, F, F)), _wspec((1, F)), _wspec((1, F)), _wspec((1, F)),
            _wspec((1, F)), _wspec((1, 1)),
        ]
    out_specs = [
        pl.BlockSpec((1, S, 1), lambda b: (b, 0, 0)),
        pl.BlockSpec((1, S, 1), lambda b: (b, 0, 0)),
        pl.BlockSpec((1, S, 1), lambda b: (b, 0, 0)),
    ]
    out_shapes = [
        jax.ShapeDtypeStruct((B, S, 1), jnp.float32),
        jax.ShapeDtypeStruct((B, S, 1), jnp.float32),
        jax.ShapeDtypeStruct((B, S, 1), jnp.float32),
    ]
    return pl.pallas_call(
        _tcp_body,
        grid=(B,),
        in_specs=in_specs,
        out_specs=out_specs,
        out_shape=out_shapes,
        compiler_params=pltpu.CompilerParams(
            dimension_semantics=("arbitrary",),
            vmem_limit_bytes=110 * 1024 * 1024,
        ),
    )(x, ptc, etc_, pbins, ebins, pemb, eemb, *wlist)


_ROWS_PER_W = B * MAXMEL // 32
_CH = 64
_NIT = _ROWS_PER_W // _CH
_NBUF = 3


def _sc_body(table_hbm, gidx_hbm, out_hbm, idx_v, b0, b1, b2,
             g0, g1, g2, s0, s1, s2):
    wid = lax.axis_index("c") * 16 + lax.axis_index("s")
    base = wid * _ROWS_PER_W
    bufs, gsems, ssems = (b0, b1, b2), (g0, g1, g2), (s0, s1, s2)
    pltpu.sync_copy(gidx_hbm.at[pl.ds(base, _ROWS_PER_W)], idx_v)

    def gather(c, b):
        pltpu.async_copy(
            table_hbm.at[idx_v.at[pl.ds(c * _CH, _CH)]], bufs[b], gsems[b])

    for c in range(_NBUF):
        gather(c, c)
    for c in range(_NIT):
        b = c % _NBUF
        pltpu.make_async_copy(
            table_hbm.at[idx_v.at[pl.ds(0, _CH)]], bufs[b], gsems[b]).wait()
        dst = out_hbm.at[pl.ds(base + c * _CH, _CH)]
        pltpu.async_copy(bufs[b], dst, ssems[b])
        pltpu.make_async_copy(bufs[b], dst, ssems[b]).wait()
        if c + _NBUF < _NIT:
            gather(c + _NBUF, b)


@functools.partial(jax.jit, static_argnums=())
def _sc_call(table, gidx):
    return pl.kernel(
        _sc_body,
        mesh=plsc.VectorSubcoreMesh(core_axis_name="c", subcore_axis_name="s"),
        out_type=jax.ShapeDtypeStruct((B * MAXMEL, D), jnp.float32),
        scratch_types=[
            pltpu.VMEM((_ROWS_PER_W,), jnp.int32),
            pltpu.VMEM((_CH, D), jnp.float32),
            pltpu.VMEM((_CH, D), jnp.float32),
            pltpu.VMEM((_CH, D), jnp.float32),
            pltpu.SemaphoreType.DMA, pltpu.SemaphoreType.DMA,
            pltpu.SemaphoreType.DMA, pltpu.SemaphoreType.DMA,
            pltpu.SemaphoreType.DMA, pltpu.SemaphoreType.DMA,
        ],
    )(table, gidx)


def _prep_pred(p):
    return [
        jnp.transpose(p['W1'], (2, 1, 0)), p['b1'].reshape(1, F),
        p['g1'].reshape(1, F), p['be1'].reshape(1, F),
        jnp.transpose(p['W2'], (2, 1, 0)), p['b2'].reshape(1, F),
        p['g2'].reshape(1, F), p['be2'].reshape(1, F),
        p['Wl'].reshape(1, F), p['bl'].reshape(1, 1),
    ]


def kernel(x, src_mask, mel_mask, max_mel_len, pitch_truth, energy_truth,
           duration_truth, dur_params, pitch_params, energy_params,
           pitch_emb, energy_emb, pitch_bins, energy_bins):
    ptc = pitch_truth.reshape(B, S, 1)
    etc_ = energy_truth.reshape(B, S, 1)
    durr = duration_truth.astype(jnp.float32).reshape(B, 1, S)
    big = jnp.full((1, 1), 3.0e38, jnp.float32)
    pbins = jnp.concatenate([pitch_bins.reshape(1, NBINS - 1), big], axis=1)
    ebins = jnp.concatenate([energy_bins.reshape(1, NBINS - 1), big], axis=1)
    wlist = (_prep_pred(pitch_params) + _prep_pred(energy_params)
             + _prep_pred(dur_params))

    xaug, gidx, mlen = _tc_call(
        x, ptc, etc_, durr, pbins, ebins, pitch_emb, energy_emb)

    x_out = _sc_call(xaug.reshape(B * TBL, D),
                     gidx.reshape(B * MAXMEL)).reshape(B, MAXMEL, D)
    ppred, epred, dpred = _tcp_call(
        x, ptc, etc_, pbins, ebins, pitch_emb, energy_emb, wlist)

    zero = jnp.float32(0.0)
    pitch_pred = jnp.where(src_mask, zero, ppred.reshape(B, S))
    energy_pred = jnp.where(src_mask, zero, epred.reshape(B, S))
    log_dur_pred = jnp.where(src_mask, zero, dpred.reshape(B, S))
    mel_len = mlen.reshape(B)
    return (x_out, pitch_pred, energy_pred, log_dur_pred, mel_len, mel_mask)

# --- scband reference (transcript-rebuilt; emitter-appended) ---
"""Pipeline reference for scband-variance-adaptor-23605140259247 (READ-ONLY COPY).

The authoritative reference and input builder live on the scoring server;
editing this copy changes nothing except your own understanding.
"""

import jax, jax.numpy as jnp
import numpy as np

B, S, D, F, K, NBINS, MAXMEL = 16, 512, 512, 512, 3, 256, 4096


def _predictor_params(key, d_in, f, k):
    ks = jax.random.split(key, 3)
    return {
        'W1': jax.random.normal(ks[0], (f, d_in, k), dtype=jnp.float32) / float(np.sqrt(d_in * k)),
        'b1': jnp.zeros((f,), jnp.float32),
        'g1': jnp.ones((f,), jnp.float32), 'be1': jnp.zeros((f,), jnp.float32),
        'W2': jax.random.normal(ks[1], (f, f, k), dtype=jnp.float32) / float(np.sqrt(f * k)),
        'b2': jnp.zeros((f,), jnp.float32),
        'g2': jnp.ones((f,), jnp.float32), 'be2': jnp.zeros((f,), jnp.float32),
        'Wl': jax.random.normal(ks[2], (f, 1), dtype=jnp.float32) / float(np.sqrt(f)),
        'bl': jnp.zeros((1,), jnp.float32),
    }


def setup_inputs(seed: int = 0):
    key = jax.random.key(seed)
    ks = jax.random.split(key, 10)
    return {
        'x': jax.random.normal(ks[0], (B, S, D), dtype=jnp.float32),
        'src_mask': jnp.zeros((B, S), dtype=bool),
        'mel_mask': jnp.zeros((B, MAXMEL), dtype=bool),
        'max_mel_len': MAXMEL,
        'pitch_truth': jax.random.normal(ks[1], (B, S), dtype=jnp.float32),
        'energy_truth': jax.random.normal(ks[2], (B, S), dtype=jnp.float32),
        'duration_truth': jax.random.randint(ks[3], (B, S), 0, 8, dtype=jnp.int32),
        'dur_params': _predictor_params(ks[4], D, F, K),
        'pitch_params': _predictor_params(ks[5], D, F, K),
        'energy_params': _predictor_params(ks[6], D, F, K),
        'pitch_emb': jax.random.normal(ks[7], (NBINS, D), dtype=jnp.float32),
        'energy_emb': jax.random.normal(ks[8], (NBINS, D), dtype=jnp.float32),
        'pitch_bins': jnp.linspace(-3.0, 3.0, NBINS - 1, dtype=jnp.float32),
        'energy_bins': jnp.linspace(-3.0, 3.0, NBINS - 1, dtype=jnp.float32),
    }


def _conv1d(x, W, b, pad):
    y = jax.lax.conv_general_dilated(x.transpose(0, 2, 1), W, (1,), [(pad, pad)],
                                     dimension_numbers=('NCH', 'OIH', 'NCH'))
    return y.transpose(0, 2, 1) + b


def _layer_norm(h, g, b, eps=1e-5):
    mu = h.mean(-1, keepdims=True)
    v = ((h - mu) ** 2).mean(-1, keepdims=True)
    return (h - mu) / jnp.sqrt(v + eps) * g + b


def _predictor(x, mask, p):
    h = jax.nn.relu(_conv1d(x, p['W1'], p['b1'], (K - 1) // 2))
    h = _layer_norm(h, p['g1'], p['be1'])
    h = jax.nn.relu(_conv1d(h, p['W2'], p['b2'], 1))
    h = _layer_norm(h, p['g2'], p['be2'])
    out = (h @ p['Wl'] + p['bl'])[..., 0]
    return jnp.where(mask, 0.0, out)


def _length_regulate(x, dur, max_mel):
    cum = jnp.cumsum(dur, axis=1)
    def one(xb, cb):
        t = jnp.arange(max_mel)
        idx = jnp.searchsorted(cb, t, side='right')
        valid = t < cb[-1]
        g = xb[jnp.clip(idx, 0, xb.shape[0] - 1)]
        return jnp.where(valid[:, None], g, 0.0)
    out = jax.vmap(one)(x, cum)
    return out, cum[:, -1]


def reference(x, src_mask, mel_mask, max_mel_len, pitch_truth, energy_truth, duration_truth,
              dur_params, pitch_params, energy_params, pitch_emb, energy_emb, pitch_bins, energy_bins):
    pitch_pred = _predictor(x, src_mask, pitch_params)
    p_idx = jnp.searchsorted(pitch_bins, pitch_truth, side='left')
    x = x + pitch_emb[p_idx]
    energy_pred = _predictor(x, src_mask, energy_params)
    e_idx = jnp.searchsorted(energy_bins, energy_truth, side='left')
    x = x + energy_emb[e_idx]
    log_dur_pred = _predictor(x, src_mask, dur_params)
    x_out, mel_len = _length_regulate(x, duration_truth, mel_mask.shape[1])
    mel_len = mel_len + 0 * jnp.asarray(max_mel_len, dtype=mel_len.dtype)
    return (x_out, pitch_pred, energy_pred, log_dur_pred, mel_len, mel_mask)

if __name__ == "__main__":
    import jax
    _d = setup_inputs()
    print(jax.jit(kernel)(*tuple(_d.values())))

</pallas_src>

<mosaic_0001>
#map = affine_map<(d0, d1) -> (0, 0)>
#map1 = affine_map<(d0, d1) -> (0)>
module attributes {stable_mosaic.version = 14 : i64} {
  func.func @_sc_body(%arg0: i32, %arg1: i32, %arg2: memref<8208x512xf32, #tpu.memory_space<hbm>>, %arg3: memref<65536xi32, #tpu.memory_space<hbm>>, %arg4: memref<65536x512xf32, #tpu.memory_space<hbm>>, %arg5: memref<2048xi32, #tpu.memory_space<vmem>>, %arg6: memref<64x512xf32, #tpu.memory_space<vmem>>, %arg7: memref<64x512xf32, #tpu.memory_space<vmem>>, %arg8: memref<64x512xf32, #tpu.memory_space<vmem>>, %arg9: memref<!tpu.dma_semaphore, #tpu.memory_space<semaphore_mem>>, %arg10: memref<!tpu.dma_semaphore, #tpu.memory_space<semaphore_mem>>, %arg11: memref<!tpu.dma_semaphore, #tpu.memory_space<semaphore_mem>>, %arg12: memref<!tpu.dma_semaphore, #tpu.memory_space<semaphore_mem>>, %arg13: memref<!tpu.dma_semaphore, #tpu.memory_space<semaphore_mem>>, %arg14: memref<!tpu.dma_semaphore, #tpu.memory_space<semaphore_mem>>) attributes {dimension_semantics = [#tpu.dimension_semantics<core_parallel>, #tpu.dimension_semantics<subcore_parallel>], iteration_bounds = array<i64: 2, 16>, scalar_prefetch = 0 : i64, scratch_operands = 10 : i64, tpu.core_type = #tpu.core_type<sc_vector_subcore>, window_params = [{transform_indices = #map}, {transform_indices = #map1}, {transform_indices = #map}]} {
    %mul3A = arith.constant 16 : i32
    %mul3A_0 = arith.muli %arg0, %mul3A : i32
    %add3A = arith.addi %mul3A_0, %arg1 : i32
    %mul3A_1 = arith.constant 2048 : i32
    %mul3A_2 = arith.muli %add3A, %mul3A_1 : i32
    "tpu.region"() ({
      %run_scoped3A = tpu.sem_alloc : memref<!tpu.dma_semaphore, #tpu.memory_space<semaphore_mem>>
      %dma_start3A_641 = tpu.memref_slice %arg3[%mul3A_2] : memref<65536xi32, #tpu.memory_space<hbm>> -> memref<2048xi32, #tpu.memory_space<hbm>>
      %dma_start3A_642 = tpu.memref_slice %arg3[%mul3A_2] : memref<65536xi32, #tpu.memory_space<hbm>> -> memref<2048xi32, #tpu.memory_space<hbm>>
      tpu.enqueue_dma source(%dma_start3A_642 : memref<2048xi32, #tpu.memory_space<hbm>>) target(%arg5 : memref<2048xi32, #tpu.memory_space<vmem>>) target_semaphore(%run_scoped3A : memref<!tpu.dma_semaphore, #tpu.memory_space<semaphore_mem>>)
      %dma_wait3A_643 = tpu.memref_slice %arg3[%mul3A_2] : memref<65536xi32, #tpu.memory_space<hbm>> -> memref<2048xi32, #tpu.memory_space<hbm>>
      %dma_wait3A_644 = tpu.memref_slice %arg3[%mul3A_2] : memref<65536xi32, #tpu.memory_space<hbm>> -> memref<2048xi32, #tpu.memory_space<hbm>>
      tpu.wait_dma2 semaphore(%run_scoped3A : memref<!tpu.dma_semaphore, #tpu.memory_space<semaphore_mem>>) src(%dma_wait3A_644 : memref<2048xi32, #tpu.memory_space<hbm>>) dst(%arg5 : memref<2048xi32, #tpu.memory_space<vmem>>)
      tpu.yield
    }) : () -> ()
    %dma_start3A = arith.constant 0 : i32
    %dma_start3A_3 = tpu.memref_slice %arg5[%dma_start3A] : memref<2048xi32, #tpu.memory_space<vmem>> -> memref<64xi32, #tpu.memory_space<vmem>>
    %dma_start3A_4 = arith.constant 0 : i32
    %dma_start3A_5 = arith.constant 0 : i32
    %dma_start3A_6 = tpu.memref_slice %arg2[%dma_start3A_4, %dma_start3A_5] : memref<8208x512xf32, #tpu.memory_space<hbm>> -> memref<8208x512xf32, #tpu.memory_space<hbm>>
    tpu.enqueue_indirect_dma source(%dma_start3A_6 : memref<8208x512xf32, #tpu.memory_space<hbm>>) target(%arg6 : memref<64x512xf32, #tpu.memory_space<vmem>>) offsets(%dma_start3A_3 : memref<64xi32, #tpu.memory_space<vmem>>) semaphore(%arg9 : memref<!tpu.dma_semaphore, #tpu.memory_space<semaphore_mem>>)
    %dma_start3A_7 = arith.constant 64 : i32
    %dma_start3A_8 = tpu.memref_slice %arg5[%dma_start3A_7] : memref<2048xi32, #tpu.memory_space<vmem>> -> memref<64xi32, #tpu.memory_space<vmem>>
    %dma_start3A_9 = arith.constant 0 : i32
    %dma_start3A_10 = arith.constant 0 : i32
    %dma_start3A_11 = tpu.memref_slice %arg2[%dma_start3A_9, %dma_start3A_10] : memref<8208x512xf32, #tpu.memory_space<hbm>> -> memref<8208x512xf32, #tpu.memory_space<hbm>>
    tpu.enqueue_indirect_dma source(%dma_start3A_11 : memref<8208x512xf32, #tpu.memory_space<hbm>>) target(%arg7 : memref<64x512xf32, #tpu.memory_space<vmem>>) offsets(%dma_start3A_8 : memref<64xi32, #tpu.memory_space<vmem>>) semaphore(%arg10 : memref<!tpu.dma_semaphore, #tpu.memory_space<semaphore_mem>>)
    %dma_start3A_12 = arith.constant 128 : i32
    %dma_start3A_13 = tpu.memref_slice %arg5[%dma_start3A_12] : memref<2048xi32, #tpu.memory_space<vmem>> -> memref<64xi32, #tpu.memory_space<vmem>>
    %dma_start3A_14 = arith.constant 0 : i32
    %dma_start3A_15 = arith.constant 0 : i32
    %dma_start3A_16 = tpu.memref_slice %arg2[%dma_start3A_14, %dma_start3A_15] : memref<8208x512xf32, #tpu.memory_space<hbm>> -> memref<8208x512xf32, #tpu.memory_space<hbm>>
    tpu.enqueue_indirect_dma source(%dma_start3A_16 : memref<8208x512xf32, #tpu.memory_space<hbm>>) target(%arg8 : memref<64x512xf32, #tpu.memory_space<vmem>>) offsets(%dma_start3A_13 : memref<64xi32, #tpu.memory_space<vmem>>) semaphore(%arg11 : memref<!tpu.dma_semaphore, #tpu.memory_space<semaphore_mem>>)
    %dma_wait3A = arith.constant 0 : i32
    %dma_wait3A_17 = tpu.memref_slice %arg5[%dma_wait3A] : memref<2048xi32, #tpu.memory_space<vmem>> -> memref<64xi32, #tpu.memory_space<vmem>>
    %dma_wait3A_18 = arith.constant 0 : i32
    %dma_wait3A_19 = arith.constant 0 : i32
    %dma_wait3A_20 = tpu.memref_slice %arg2[%dma_wait3A_18, %dma_wait3A_19] : memref<8208x512xf32, #tpu.memory_space<hbm>> -> memref<8208x512xf32, #tpu.memory_space<hbm>>
    tpu.wait_indirect_dma semaphore(%arg9 : memref<!tpu.dma_semaphore, #tpu.memory_space<semaphore_mem>>) src(%dma_wait3A_20 : memref<8208x512xf32, #tpu.memory_space<hbm>>) dst(%arg6 : memref<64x512xf32, #tpu.memory_space<vmem>>)
    %add3A_21 = arith.constant 0 : i32
    %add3A_22 = arith.addi %mul3A_2, %add3A_21 : i32
    %dma_start3A_23 = arith.constant 0 : i32
    %dma_start3A_24 = tpu.memref_slice %arg4[%add3A_22, %dma_start3A_23] : memref<65536x512xf32, #tpu.memory_space<hbm>> -> memref<64x512xf32, #tpu.memory_space<hbm>>
    %dma_start3A_25 = arith.constant 0 : i32
    %dma_start3A_26 = tpu.memref_slice %arg4[%add3A_22, %dma_start3A_25] : memref<65536x512xf32, #tpu.memory_space<hbm>> -> memref<64x512xf32, #tpu.memory_space<hbm>>
    tpu.enqueue_dma source(%arg6 : memref<64x512xf32, #tpu.memory_space<vmem>>) target(%dma_start3A_26 : memref<64x512xf32, #tpu.memory_space<hbm>>) target_semaphore(%arg12 : memref<!tpu.dma_semaphore, #tpu.memory_space<semaphore_mem>>)
    %dma_wait3A_27 = arith.constant 0 : i32
    %dma_wait3A_28 = tpu.memref_slice %arg4[%add3A_22, %dma_wait3A_27] : memref<65536x512xf32, #tpu.memory_space<hbm>> -> memref<64x512xf32, #tpu.memory_space<hbm>>
    %dma_wait3A_29 = arith.constant 0 : i32
    %dma_wait3A_30 = tpu.memref_slice %arg4[%add3A_22, %dma_wait3A_29] : memref<65536x512xf32, #tpu.memory_space<hbm>> -> memref<64x512xf32, #tpu.memory_space<hbm>>
    tpu.wait_dma2 semaphore(%arg12 : memref<!tpu.dma_semaphore, #tpu.memory_space<semaphore_mem>>) src(%arg6 : memref<64x512xf32, #tpu.memory_space<vmem>>) dst(%dma_wait3A_30 : memref<64x512xf32, #tpu.memory_space<hbm>>)
    %dma_start3A_31 = arith.constant 192 : i32
    %dma_start3A_32 = tpu.memref_slice %arg5[%dma_start3A_31] : memref<2048xi32, #tpu.memory_space<vmem>> -> memref<64xi32, #tpu.memory_space<vmem>>
    %dma_start3A_33 = arith.constant 0 : i32
    %dma_start3A_34 = arith.constant 0 : i32
    %dma_start3A_35 = tpu.memref_slice %arg2[%dma_start3A_33, %dma_start3A_34] : memref<8208x512xf32, #tpu.memory_space<hbm>> -> memref<8208x512xf32, #tpu.memory_space<hbm>>
    tpu.enqueue_indirect_dma source(%dma_start3A_35 : memref<8208x512xf32, #tpu.memory_space<hbm>>) target(%arg6 : memref<64x512xf32, #tpu.memory_space<vmem>>) offsets(%dma_start3A_32 : memref<64xi32, #tpu.memory_space<vmem>>) semaphore(%arg9 : memref<!tpu.dma_semaphore, #tpu.memory_space<semaphore_mem>>)
    %dma_wait3A_36 = arith.constant 0 : i32
    %dma_wait3A_37 = tpu.memref_slice %arg5[%dma_wait3A_36] : memref<2048xi32, #tpu.memory_space<vmem>> -> memref<64xi32, #tpu.memory_space<vmem>>
    %dma_wait3A_38 = arith.constant 0 : i32
    %dma_wait3A_39 = arith.constant 0 : i32
    %dma_wait3A_40 = tpu.memref_slice %arg2[%dma_wait3A_38, %dma_wait3A_39] : memref<8208x512xf32, #tpu.memory_space<hbm>> -> memref<8208x512xf32, #tpu.memory_space<hbm>>
    tpu.wait_indirect_dma semaphore(%arg10 : memref<!tpu.dma_semaphore, #tpu.memory_space<semaphore_mem>>) src(%dma_wait3A_40 : memref<8208x512xf32, #tpu.memory_space<hbm>>) dst(%arg7 : memref<64x512xf32, #tpu.memory_space<vmem>>)
    %add3A_41 = arith.constant 64 : i32
    %add3A_42 = arith.addi %mul3A_2, %add3A_41 : i32
    %dma_start3A_43 = arith.constant 0 : i32
    %dma_start3A_44 = tpu.memref_slice %arg4[%add3A_42, %dma_start3A_43] : memref<65536x512xf32, #tpu.memory_space<hbm>> -> memref<64x512xf32, #tpu.memory_space<hbm>>
    %dma_start3A_45 = arith.constant 0 : i32
    %dma_start3A_46 = tpu.memref_slice %arg4[%add3A_42, %dma_start3A_45] : memref<65536x512xf32, #tpu.memory_space<hbm>> -> memref<64x512xf32, #tpu.memory_space<hbm>>
    tpu.enqueue_dma source(%arg7 : memref<64x512xf32, #tpu.memory_space<vmem>>) target(%dma_start3A_46 : memref<64x512xf32, #tpu.memory_space<hbm>>) target_semaphore(%arg13 : memref<!tpu.dma_semaphore, #tpu.memory_space<semaphore_mem>>)
    %dma_wait3A_47 = arith.constant 0 : i32
    %dma_wait3A_48 = tpu.memref_slice %arg4[%add3A_42, %dma_wait3A_47] : memref<65536x512xf32, #tpu.memory_space<hbm>> -> memref<64x512xf32, #tpu.memory_space<hbm>>
    %dma_wait3A_49 = arith.constant 0 : i32
    %dma_wait3A_50 = tpu.memref_slice %arg4[%add3A_42, %dma_wait3A_49] : memref<65536x512xf32, #tpu.memory_space<hbm>> -> memref<64x512xf32, #tpu.memory_space<hbm>>
    tpu.wait_dma2 semaphore(%arg13 : memref<!tpu.dma_semaphore, #tpu.memory_space<semaphore_mem>>) src(%arg7 : memref<64x512xf32, #tpu.memory_space<vmem>>) dst(%dma_wait3A_50 : memref<64x512xf32, #tpu.memory_space<hbm>>)
    %dma_start3A_51 = arith.constant 256 : i32
    %dma_start3A_52 = tpu.memref_slice %arg5[%dma_start3A_51] : memref<2048xi32, #tpu.memory_space<vmem>> -> memref<64xi32, #tpu.memory_space<vmem>>
    %dma_start3A_53 = arith.constant 0 : i32
    %dma_start3A_54 = arith.constant 0 : i32
    %dma_start3A_55 = tpu.memref_slice %arg2[%dma_start3A_53, %dma_start3A_54] : memref<8208x512xf32, #tpu.memory_space<hbm>> -> memref<8208x512xf32, #tpu.memory_space<hbm>>
    tpu.enqueue_indirect_dma source(%dma_start3A_55 : memref<8208x512xf32, #tpu.memory_space<hbm>>) target(%arg7 : memref<64x512xf32, #tpu.memory_space<vmem>>) offsets(%dma_start3A_52 : memref<64xi32, #tpu.memory_space<vmem>>) semaphore(%arg10 : memref<!tpu.dma_semaphore, #tpu.memory_space<semaphore_mem>>)
    %dma_wait3A_56 = arith.constant 0 : i32
    %dma_wait3A_57 = tpu.memref_slice %arg5[%dma_wait3A_56] : memref<2048xi32, #tpu.memory_space<vmem>> -> memref<64xi32, #tpu.memory_space<vmem>>
    %dma_wait3A_58 = arith.constant 0 : i32
    %dma_wait3A_59 = arith.constant 0 : i32
    %dma_wait3A_60 = tpu.memref_slice %arg2[%dma_wait3A_58, %dma_wait3A_59] : memref<8208x512xf32, #tpu.memory_space<hbm>> -> memref<8208x512xf32, #tpu.memory_space<hbm>>
    tpu.wait_indirect_dma semaphore(%arg11 : memref<!tpu.dma_semaphore, #tpu.memory_space<semaphore_mem>>) src(%dma_wait3A_60 : memref<8208x512xf32, #tpu.memory_space<hbm>>) dst(%arg8 : memref<64x512xf32, #tpu.memory_space<vmem>>)
    %add3A_61 = arith.constant 128 : i32
    %add3A_62 = arith.addi %mul3A_2, %add3A_61 : i32
    %dma_start3A_63 = arith.constant 0 : i32
    %dma_start3A_64 = tpu.memref_slice %arg4[%add3A_62, %dma_start3A_63] : memref<65536x512xf32, #tpu.memory_space<hbm>> -> memref<64x512xf32, #tpu.memory_space<hbm>>
    %dma_start3A_65 = arith.constant 0 : i32
    %dma_start3A_66 = tpu.memref_slice %arg4[%add3A_62, %dma_start3A_65] : memref<65536x512xf32, #tpu.memory_space<hbm>> -> memref<64x512xf32, #tpu.memory_space<hbm>>
    tpu.enqueue_dma source(%arg8 : memref<64x512xf32, #tpu.memory_space<vmem>>) target(%dma_start3A_66 : memref<64x512xf32, #tpu.memory_space<hbm>>) target_semaphore(%arg14 : memref<!tpu.dma_semaphore, #tpu.memory_space<semaphore_mem>>)
    %dma_wait3A_67 = arith.constant 0 : i32
    %dma_wait3A_68 = tpu.memref_slice %arg4[%add3A_62, %dma_wait3A_67] : memref<65536x512xf32, #tpu.memory_space<hbm>> -> memref<64x512xf32, #tpu.memory_space<hbm>>
    %dma_wait3A_69 = arith.constant 0 : i32
    %dma_wait3A_70 = tpu.memref_slice %arg4[%add3A_62, %dma_wait3A_69] : memref<65536x512xf32, #tpu.memory_space<hbm>> -> memref<64x512xf32, #tpu.memory_space<hbm>>
    tpu.wait_dma2 semaphore(%arg14 : memref<!tpu.dma_semaphore, #tpu.memory_space<semaphore_mem>>) src(%arg8 : memref<64x512xf32, #tpu.memory_space<vmem>>) dst(%dma_wait3A_70 : memref<64x512xf32, #tpu.memory_space<hbm>>)
    %dma_start3A_71 = arith.constant 320 : i32
    %dma_start3A_72 = tpu.memref_slice %arg5[%dma_start3A_71] : memref<2048xi32, #tpu.memory_space<vmem>> -> memref<64xi32, #tpu.memory_space<vmem>>
    %dma_start3A_73 = arith.constant 0 : i32
    %dma_start3A_74 = arith.constant 0 : i32
    %dma_start3A_75 = tpu.memref_slice %arg2[%dma_start3A_73, %dma_start3A_74] : memref<8208x512xf32, #tpu.memory_space<hbm>> -> memref<8208x512xf32, #tpu.memory_space<hbm>>
    tpu.enqueue_indirect_dma source(%dma_start3A_75 : memref<8208x512xf32, #tpu.memory_space<hbm>>) target(%arg8 : memref<64x512xf32, #tpu.memory_space<vmem>>) offsets(%dma_start3A_72 : memref<64xi32, #tpu.memory_space<vmem>>) semaphore(%arg11 : memref<!tpu.dma_semaphore, #tpu.memory_space<semaphore_mem>>)
    %dma_wait3A_76 = arith.constant 0 : i32
    %dma_wait3A_77 = tpu.memref_slice %arg5[%dma_wait3A_76] : memref<2048xi32, #tpu.memory_space<vmem>> -> memref<64xi32, #tpu.memory_space<vmem>>
    %dma_wait3A_78 = arith.constant 0 : i32
    %dma_wait3A_79 = arith.constant 0 : i32
    %dma_wait3A_80 = tpu.memref_slice %arg2[%dma_wait3A_78, %dma_wait3A_79] : memref<8208x512xf32, #tpu.memory_space<hbm>> -> memref<8208x512xf32, #tpu.memory_space<hbm>>
    tpu.wait_indirect_dma semaphore(%arg9 : memref<!tpu.dma_semaphore, #tpu.memory_space<semaphore_mem>>) src(%dma_wait3A_80 : memref<8208x512xf32, #tpu.memory_space<hbm>>) dst(%arg6 : memref<64x512xf32, #tpu.memory_space<vmem>>)
    %add3A_81 = arith.constant 192 : i32
    %add3A_82 = arith.addi %mul3A_2, %add3A_81 : i32
    %dma_start3A_83 = arith.constant 0 : i32
    %dma_start3A_84 = tpu.memref_slice %arg4[%add3A_82, %dma_start3A_83] : memref<65536x512xf32, #tpu.memory_space<hbm>> -> memref<64x512xf32, #tpu.memory_space<hbm>>
    %dma_start3A_85 = arith.constant 0 : i32
    %dma_start3A_86 = tpu.memref_slice %arg4[%add3A_82, %dma_start3A_85] : memref<65536x512xf32, #tpu.memory_space<hbm>> -> memref<64x512xf32, #tpu.memory_space<hbm>>
    tpu.enqueue_dma source(%arg6 : memref<64x512xf32, #tpu.memory_space<vmem>>) target(%dma_start3A_86 : memref<64x512xf32, #tpu.memory_space<hbm>>) target_semaphore(%arg12 : memref<!tpu.dma_semaphore, #tpu.memory_space<semaphore_mem>>)
    %dma_wait3A_87 = arith.constant 0 : i32
    %dma_wait3A_88 = tpu.memref_slice %arg4[%add3A_82, %dma_wait3A_87] : memref<65536x512xf32, #tpu.memory_space<hbm>> -> memref<64x512xf32, #tpu.memory_space<hbm>>
    %dma_wait3A_89 = arith.constant 0 : i32
    %dma_wait3A_90 = tpu.memref_slice %arg4[%add3A_82, %dma_wait3A_89] : memref<65536x512xf32, #tpu.memory_space<hbm>> -> memref<64x512xf32, #tpu.memory_space<hbm>>
    tpu.wait_dma2 semaphore(%arg12 : memref<!tpu.dma_semaphore, #tpu.memory_space<semaphore_mem>>) src(%arg6 : memref<64x512xf32, #tpu.memory_space<vmem>>) dst(%dma_wait3A_90 : memref<64x512xf32, #tpu.memory_space<hbm>>)
    %dma_start3A_91 = arith.constant 384 : i32
    %dma_start3A_92 = tpu.memref_slice %arg5[%dma_start3A_91] : memref<2048xi32, #tpu.memory_space<vmem>> -> memref<64xi32, #tpu.memory_space<vmem>>
    %dma_start3A_93 = arith.constant 0 : i32
    %dma_start3A_94 = arith.constant 0 : i32
    %dma_start3A_95 = tpu.memref_slice %arg2[%dma_start3A_93, %dma_start3A_94] : memref<8208x512xf32, #tpu.memory_space<hbm>> -> memref<8208x512xf32, #tpu.memory_space<hbm>>
    tpu.enqueue_indirect_dma source(%dma_start3A_95 : memref<8208x512xf32, #tpu.memory_space<hbm>>) target(%arg6 : memref<64x512xf32, #tpu.memory_space<vmem>>) offsets(%dma_start3A_92 : memref<64xi32, #tpu.memory_space<vmem>>) semaphore(%arg9 : memref<!tpu.dma_semaphore, #tpu.memory_space<semaphore_mem>>)
    %dma_wait3A_96 = arith.constant 0 : i32
    %dma_wait3A_97 = tpu.memref_slice %arg5[%dma_wait3A_96] : memref<2048xi32, #tpu.memory_space<vmem>> -> memref<64xi32, #tpu.memory_space<vmem>>
    %dma_wait3A_98 = arith.constant 0 : i32
    %dma_wait3A_99 = arith.constant 0 : i32
    %dma_wait3A_100 = tpu.memref_slice %arg2[%dma_wait3A_98, %dma_wait3A_99] : memref<8208x512xf32, #tpu.memory_space<hbm>> -> memref<8208x512xf32, #tpu.memory_space<hbm>>
    tpu.wait_indirect_dma semaphore(%arg10 : memref<!tpu.dma_semaphore, #tpu.memory_space<semaphore_mem>>) src(%dma_wait3A_100 : memref<8208x512xf32, #tpu.memory_space<hbm>>) dst(%arg7 : memref<64x512xf32, #tpu.memory_space<vmem>>)
    %add3A_101 = arith.constant 256 : i32
    %add3A_102 = arith.addi %mul3A_2, %add3A_101 : i32
    %dma_start3A_103 = arith.constant 0 : i32
    %dma_start3A_104 = tpu.memref_slice %arg4[%add3A_102, %dma_start3A_103] : memref<65536x512xf32, #tpu.memory_space<hbm>> -> memref<64x512xf32, #tpu.memory_space<hbm>>
    %dma_start3A_105 = arith.constant 0 : i32
    %dma_start3A_106 = tpu.memref_slice %arg4[%add3A_102, %dma_start3A_105] : memref<65536x512xf32, #tpu.memory_space<hbm>> -> memref<64x512xf32, #tpu.memory_space<hbm>>
    tpu.enqueue_dma source(%arg7 : memref<64x512xf32, #tpu.memory_space<vmem>>) target(%dma_start3A_106 : memref<64x512xf32, #tpu.memory_space<hbm>>) target_semaphore(%arg13 : memref<!tpu.dma_semaphore, #tpu.memory_space<semaphore_mem>>)
    %dma_wait3A_107 = arith.constant 0 : i32
    %dma_wait3A_108 = tpu.memref_slice %arg4[%add3A_102, %dma_wait3A_107] : memref<65536x512xf32, #tpu.memory_space<hbm>> -> memref<64x512xf32, #tpu.memory_space<hbm>>
    %dma_wait3A_109 = arith.constant 0 : i32
    %dma_wait3A_110 = tpu.memref_slice %arg4[%add3A_102, %dma_wait3A_109] : memref<65536x512xf32, #tpu.memory_space<hbm>> -> memref<64x512xf32, #tpu.memory_space<hbm>>
    tpu.wait_dma2 semaphore(%arg13 : memref<!tpu.dma_semaphore, #tpu.memory_space<semaphore_mem>>) src(%arg7 : memref<64x512xf32, #tpu.memory_space<vmem>>) dst(%dma_wait3A_110 : memref<64x512xf32, #tpu.memory_space<hbm>>)
    %dma_start3A_111 = arith.constant 448 : i32
    %dma_start3A_112 = tpu.memref_slice %arg5[%dma_start3A_111] : memref<2048xi32, #tpu.memory_space<vmem>> -> memref<64xi32, #tpu.memory_space<vmem>>
    %dma_start3A_113 = arith.constant 0 : i32
    %dma_start3A_114 = arith.constant 0 : i32
    %dma_start3A_115 = tpu.memref_slice %arg2[%dma_start3A_113, %dma_start3A_114] : memref<8208x512xf32, #tpu.memory_space<hbm>> -> memref<8208x512xf32, #tpu.memory_space<hbm>>
    tpu.enqueue_indirect_dma source(%dma_start3A_115 : memref<8208x512xf32, #tpu.memory_space<hbm>>) target(%arg7 : memref<64x512xf32, #tpu.memory_space<vmem>>) offsets(%dma_start3A_112 : memref<64xi32, #tpu.memory_space<vmem>>) semaphore(%arg10 : memref<!tpu.dma_semaphore, #tpu.memory_space<semaphore_mem>>)
    %dma_wait3A_116 = arith.constant 0 : i32
    %dma_wait3A_117 = tpu.memref_slice %arg5[%dma_wait3A_116] : memref<2048xi32, #tpu.memory_space<vmem>> -> memref<64xi32, #tpu.memory_space<vmem>>
    %dma_wait3A_118 = arith.constant 0 : i32
    %dma_wait3A_119 = arith.constant 0 : i32
    %dma_wait3A_120 = tpu.memref_slice %arg2[%dma_wait3A_118, %dma_wait3A_119] : memref<8208x512xf32, #tpu.memory_space<hbm>> -> memref<8208x512xf32, #tpu.memory_space<hbm>>
    tpu.wait_indirect_dma semaphore(%arg11 : memref<!tpu.dma_semaphore, #tpu.memory_space<semaphore_mem>>) src(%dma_wait3A_120 : memref<8208x512xf32, #tpu.memory_space<hbm>>) dst(%arg8 : memref<64x512xf32, #tpu.memory_space<vmem>>)
    %add3A_121 = arith.constant 320 : i32
    %add3A_122 = arith.addi %mul3A_2, %add3A_121 : i32
    %dma_start3A_123 = arith.constant 0 : i32
    %dma_start3A_124 = tpu.memref_slice %arg4[%add3A_122, %dma_start3A_123] : memref<65536x512xf32, #tpu.memory_space<hbm>> -> memref<64x512xf32, #tpu.memory_space<hbm>>
    %dma_start3A_125 = arith.constant 0 : i32
    %dma_start3A_126 = tpu.memref_slice %arg4[%add3A_122, %dma_start3A_125] : memref<65536x512xf32, #tpu.memory_space<hbm>> -> memref<64x512xf32, #tpu.memory_space<hbm>>
    tpu.enqueue_dma source(%arg8 : memref<64x512xf32, #tpu.memory_space<vmem>>) target(%dma_start3A_126 : memref<64x512xf32, #tpu.memory_space<hbm>>) target_semaphore(%arg14 : memref<!tpu.dma_semaphore, #tpu.memory_space<semaphore_mem>>)
    %dma_wait3A_127 = arith.constant 0 : i32
    %dma_wait3A_128 = tpu.memref_slice %arg4[%add3A_122, %dma_wait3A_127] : memref<65536x512xf32, #tpu.memory_space<hbm>> -> memref<64x512xf32, #tpu.memory_space<hbm>>
    %dma_wait3A_129 = arith.constant 0 : i32
    %dma_wait3A_130 = tpu.memref_slice %arg4[%add3A_122, %dma_wait3A_129] : memref<65536x512xf32, #tpu.memory_space<hbm>> -> memref<64x512xf32, #tpu.memory_space<hbm>>
    tpu.wait_dma2 semaphore(%arg14 : memref<!tpu.dma_semaphore, #tpu.memory_space<semaphore_mem>>) src(%arg8 : memref<64x512xf32, #tpu.memory_space<vmem>>) dst(%dma_wait3A_130 : memref<64x512xf32, #tpu.memory_space<hbm>>)
    %dma_start3A_131 = arith.constant 512 : i32
    %dma_start3A_132 = tpu.memref_slice %arg5[%dma_start3A_131] : memref<2048xi32, #tpu.memory_space<vmem>> -> memref<64xi32, #tpu.memory_space<vmem>>
    %dma_start3A_133 = arith.constant 0 : i32
    %dma_start3A_134 = arith.constant 0 : i32
    %dma_start3A_135 = tpu.memref_slice %arg2[%dma_start3A_133, %dma_start3A_134] : memref<8208x512xf32, #tpu.memory_space<hbm>> -> memref<8208x512xf32, #tpu.memory_space<hbm>>
    tpu.enqueue_indirect_dma source(%dma_start3A_135 : memref<8208x512xf32, #tpu.memory_space<hbm>>) target(%arg8 : memref<64x512xf32, #tpu.memory_space<vmem>>) offsets(%dma_start3A_132 : memref<64xi32, #tpu.memory_space<vmem>>) semaphore(%arg11 : memref<!tpu.dma_semaphore, #tpu.memory_space<semaphore_mem>>)
    %dma_wait3A_136 = arith.constant 0 : i32
    %dma_wait3A_137 = tpu.memref_slice %arg5[%dma_wait3A_136] : memref<2048xi32, #tpu.memory_space<vmem>> -> memref<64xi32, #tpu.memory_space<vmem>>
    %dma_wait3A_138 = arith.constant 0 : i32
    %dma_wait3A_139 = arith.constant 0 : i32
    %dma_wait3A_140 = tpu.memref_slice %arg2[%dma_wait3A_138, %dma_wait3A_139] : memref<8208x512xf32, #tpu.memory_space<hbm>> -> memref<8208x512xf32, #tpu.memory_space<hbm>>
    tpu.wait_indirect_dma semaphore(%arg9 : memref<!tpu.dma_semaphore, #tpu.memory_space<semaphore_mem>>) src(%dma_wait3A_140 : memref<8208x512xf32, #tpu.memory_space<hbm>>) dst(%arg6 : memref<64x512xf32, #tpu.memory_space<vmem>>)
    %add3A_141 = arith.constant 384 : i32
    %add3A_142 = arith.addi %mul3A_2, %add3A_141 : i32
    %dma_start3A_143 = arith.constant 0 : i32
    %dma_start3A_144 = tpu.memref_slice %arg4[%add3A_142, %dma_start3A_143] : memref<65536x512xf32, #tpu.memory_space<hbm>> -> memref<64x512xf32, #tpu.memory_space<hbm>>
    %dma_start3A_145 = arith.constant 0 : i32
    %dma_start3A_146 = tpu.memref_slice %arg4[%add3A_142, %dma_start3A_145] : memref<65536x512xf32, #tpu.memory_space<hbm>> -> memref<64x512xf32, #tpu.memory_space<hbm>>
    tpu.enqueue_dma source(%arg6 : memref<64x512xf32, #tpu.memory_space<vmem>>) target(%dma_start3A_146 : memref<64x512xf32, #tpu.memory_space<hbm>>) target_semaphore(%arg12 : memref<!tpu.dma_semaphore, #tpu.memory_space<semaphore_mem>>)
    %dma_wait3A_147 = arith.constant 0 : i32
    %dma_wait3A_148 = tpu.memref_slice %arg4[%add3A_142, %dma_wait3A_147] : memref<65536x512xf32, #tpu.memory_space<hbm>> -> memref<64x512xf32, #tpu.memory_space<hbm>>
    %dma_wait3A_149 = arith.constant 0 : i32
    %dma_wait3A_150 = tpu.memref_slice %arg4[%add3A_142, %dma_wait3A_149] : memref<65536x512xf32, #tpu.memory_space<hbm>> -> memref<64x512xf32, #tpu.memory_space<hbm>>
    tpu.wait_dma2 semaphore(%arg12 : memref<!tpu.dma_semaphore, #tpu.memory_space<semaphore_mem>>) src(%arg6 : memref<64x512xf32, #tpu.memory_space<vmem>>) dst(%dma_wait3A_150 : memref<64x512xf32, #tpu.memory_space<hbm>>)
    %dma_start3A_151 = arith.constant 576 : i32
    %dma_start3A_152 = tpu.memref_slice %arg5[%dma_start3A_151] : memref<2048xi32, #tpu.memory_space<vmem>> -> memref<64xi32, #tpu.memory_space<vmem>>
    %dma_start3A_153 = arith.constant 0 : i32
    %dma_start3A_154 = arith.constant 0 : i32
    %dma_start3A_155 = tpu.memref_slice %arg2[%dma_start3A_153, %dma_start3A_154] : memref<8208x512xf32, #tpu.memory_space<hbm>> -> memref<8208x512xf32, #tpu.memory_space<hbm>>
    tpu.enqueue_indirect_dma source(%dma_start3A_155 : memref<8208x512xf32, #tpu.memory_space<hbm>>) target(%arg6 : memref<64x512xf32, #tpu.memory_space<vmem>>) offsets(%dma_start3A_152 : memref<64xi32, #tpu.memory_space<vmem>>) semaphore(%arg9 : memref<!tpu.dma_semaphore, #tpu.memory_space<semaphore_mem>>)
    %dma_wait3A_156 = arith.constant 0 : i32
    %dma_wait3A_157 = tpu.memref_slice %arg5[%dma_wait3A_156] : memref<2048xi32, #tpu.memory_space<vmem>> -> memref<64xi32, #tpu.memory_space<vmem>>
    %dma_wait3A_158 = arith.constant 0 : i32
    %dma_wait3A_159 = arith.constant 0 : i32
    %dma_wait3A_160 = tpu.memref_slice %arg2[%dma_wait3A_158, %dma_wait3A_159] : memref<8208x512xf32, #tpu.memory_space<hbm>> -> memref<8208x512xf32, #tpu.memory_space<hbm>>
    tpu.wait_indirect_dma semaphore(%arg10 : memref<!tpu.dma_semaphore, #tpu.memory_space<semaphore_mem>>) src(%dma_wait3A_160 : memref<8208x512xf32, #tpu.memory_space<hbm>>) dst(%arg7 : memref<64x512xf32, #tpu.memory_space<vmem>>)
    %add3A_161 = arith.constant 448 : i32
    %add3A_162 = arith.addi %mul3A_2, %add3A_161 : i32
    %dma_start3A_163 = arith.constant 0 : i32
    %dma_start3A_164 = tpu.memref_slice %arg4[%add3A_162, %dma_start3A_163] : memref<65536x512xf32, #tpu.memory_space<hbm>> -> memref<64x512xf32, #tpu.memory_space<hbm>>
    %dma_start3A_165 = arith.constant 0 : i32
    %dma_start3A_166 = tpu.memref_slice %arg4[%add3A_162, %dma_start3A_165] : memref<65536x512xf32, #tpu.memory_space<hbm>> -> memref<64x512xf32, #tpu.memory_space<hbm>>
    tpu.enqueue_dma source(%arg7 : memref<64x512xf32, #tpu.memory_space<vmem>>) target(%dma_start3A_166 : memref<64x512xf32, #tpu.memory_space<hbm>>) target_semaphore(%arg13 : memref<!tpu.dma_semaphore, #tpu.memory_space<semaphore_mem>>)
    %dma_wait3A_167 = arith.constant 0 : i32
    %dma_wait3A_168 = tpu.memref_slice %arg4[%add3A_162, %dma_wait3A_167] : memref<65536x512xf32, #tpu.memory_space<hbm>> -> memref<64x512xf32, #tpu.memory_space<hbm>>
    %dma_wait3A_169 = arith.constant 0 : i32
    %dma_wait3A_170 = tpu.memref_slice %arg4[%add3A_162, %dma_wait3A_169] : memref<65536x512xf32, #tpu.memory_space<hbm>> -> memref<64x512xf32, #tpu.memory_space<hbm>>
    tpu.wait_dma2 semaphore(%arg13 : memref<!tpu.dma_semaphore, #tpu.memory_space<semaphore_mem>>) src(%arg7 : memref<64x512xf32, #tpu.memory_space<vmem>>) dst(%dma_wait3A_170 : memref<64x512xf32, #tpu.memory_space<hbm>>)
    %dma_start3A_171 = arith.constant 640 : i32
    %dma_start3A_172 = tpu.memref_slice %arg5[%dma_start3A_171] : memref<2048xi32, #tpu.memory_space<vmem>> -> memref<64xi32, #tpu.memory_space<vmem>>
    %dma_start3A_173 = arith.constant 0 : i32
    %dma_start3A_174 = arith.constant 0 : i32
    %dma_start3A_175 = tpu.memref_slice %arg2[%dma_start3A_173, %dma_start3A_174] : memref<8208x512xf32, #tpu.memory_space<hbm>> -> memref<8208x512xf32, #tpu.memory_space<hbm>>
    tpu.enqueue_indirect_dma source(%dma_start3A_175 : memref<8208x512xf32, #tpu.memory_space<hbm>>) target(%arg7 : memref<64x512xf32, #tpu.memory_space<vmem>>) offsets(%dma_start3A_172 : memref<64xi32, #tpu.memory_space<vmem>>) semaphore(%arg10 : memref<!tpu.dma_semaphore, #tpu.memory_space<semaphore_mem>>)
    %dma_wait3A_176 = arith.constant 0 : i32
    %dma_wait3A_177 = tpu.memref_slice %arg5[%dma_wait3A_176] : memref<2048xi32, #tpu.memory_space<vmem>> -> memref<64xi32, #tpu.memory_space<vmem>>
    %dma_wait3A_178 = arith.constant 0 : i32
    %dma_wait3A_179 = arith.constant 0 : i32
    %dma_wait3A_180 = tpu.memref_slice %arg2[%dma_wait3A_178, %dma_wait3A_179] : memref<8208x512xf32, #tpu.memory_space<hbm>> -> memref<8208x512xf32, #tpu.memory_space<hbm>>
    tpu.wait_indirect_dma semaphore(%arg11 : memref<!tpu.dma_semaphore, #tpu.memory_space<semaphore_mem>>) src(%dma_wait3A_180 : memref<8208x512xf32, #tpu.memory_space<hbm>>) dst(%arg8 : memref<64x512xf32, #tpu.memory_space<vmem>>)
    %add3A_181 = arith.constant 512 : i32
    %add3A_182 = arith.addi %mul3A_2, %add3A_181 : i32
    %dma_start3A_183 = arith.constant 0 : i32
    %dma_start3A_184 = tpu.memref_slice %arg4[%add3A_182, %dma_start3A_183] : memref<65536x512xf32, #tpu.memory_space<hbm>> -> memref<64x512xf32, #tpu.memory_space<hbm>>
    %dma_start3A_185 = arith.constant 0 : i32
    %dma_start3A_186 = tpu.memref_slice %arg4[%add3A_182, %dma_start3A_185] : memref<65536x512xf32, #tpu.memory_space<hbm>> -> memref<64x512xf32, #tpu.memory_space<hbm>>
    tpu.enqueue_dma source(%arg8 : memref<64x512xf32, #tpu.memory_space<vmem>>) target(%dma_start3A_186 : memref<64x512xf32, #tpu.memory_space<hbm>>) target_semaphore(%arg14 : memref<!tpu.dma_semaphore, #tpu.memory_space<semaphore_mem>>)
    %dma_wait3A_187 = arith.constant 0 : i32
    %dma_wait3A_188 = tpu.memref_slice %arg4[%add3A_182, %dma_wait3A_187] : memref<65536x512xf32, #tpu.memory_space<hbm>> -> memref<64x512xf32, #tpu.memory_space<hbm>>
    %dma_wait3A_189 = arith.constant 0 : i32
    %dma_wait3A_190 = tpu.memref_slice %arg4[%add3A_182, %dma_wait3A_189] : memref<65536x512xf32, #tpu.memory_space<hbm>> -> memref<64x512xf32, #tpu.memory_space<hbm>>
    tpu.wait_dma2 semaphore(%arg14 : memref<!tpu.dma_semaphore, #tpu.memory_space<semaphore_mem>>) src(%arg8 : memref<64x512xf32, #tpu.memory_space<vmem>>) dst(%dma_wait3A_190 : memref<64x512xf32, #tpu.memory_space<hbm>>)
    %dma_start3A_191 = arith.constant 704 : i32
    %dma_start3A_192 = tpu.memref_slice %arg5[%dma_start3A_191] : memref<2048xi32, #tpu.memory_space<vmem>> -> memref<64xi32, #tpu.memory_space<vmem>>
    %dma_start3A_193 = arith.constant 0 : i32
    %dma_start3A_194 = arith.constant 0 : i32
    %dma_start3A_195 = tpu.memref_slice %arg2[%dma_start3A_193, %dma_start3A_194] : memref<8208x512xf32, #tpu.memory_space<hbm>> -> memref<8208x512xf32, #tpu.memory_space<hbm>>
    tpu.enqueue_indirect_dma source(%dma_start3A_195 : memref<8208x512xf32, #tpu.memory_space<hbm>>) target(%arg8 : memref<64x512xf32, #tpu.memory_space<vmem>>) offsets(%dma_start3A_192 : memref<64xi32, #tpu.memory_space<vmem>>) semaphore(%arg11 : memref<!tpu.dma_semaphore, #tpu.memory_space<semaphore_mem>>)
    %dma_wait3A_196 = arith.constant 0 : i32
    %dma_wait3A_197 = tpu.memref_slice %arg5[%dma_wait3A_196] : memref<2048xi32, #tpu.memory_space<vmem>> -> memref<64xi32, #tpu.memory_space<vmem>>
    %dma_wait3A_198 = arith.constant 0 : i32
    %dma_wait3A_199 = arith.constant 0 : i32
    %dma_wait3A_200 = tpu.memref_slice %arg2[%dma_wait3A_198, %dma_wait3A_199] : memref<8208x512xf32, #tpu.memory_space<hbm>> -> memref<8208x512xf32, #tpu.memory_space<hbm>>
    tpu.wait_indirect_dma semaphore(%arg9 : memref<!tpu.dma_semaphore, #tpu.memory_space<semaphore_mem>>) src(%dma_wait3A_200 : memref<8208x512xf32, #tpu.memory_space<hbm>>) dst(%arg6 : memref<64x512xf32, #tpu.memory_space<vmem>>)
    %add3A_201 = arith.constant 576 : i32
    %add3A_202 = arith.addi %mul3A_2, %add3A_201 : i32
    %dma_start3A_203 = arith.constant 0 : i32
    %dma_start3A_204 = tpu.memref_slice %arg4[%add3A_202, %dma_start3A_203] : memref<65536x512xf32, #tpu.memory_space<hbm>> -> memref<64x512xf32, #tpu.memory_space<hbm>>
    %dma_start3A_205 = arith.constant 0 : i32
    %dma_start3A_206 = tpu.memref_slice %arg4[%add3A_202, %dma_start3A_205] : memref<65536x512xf32, #tpu.memory_space<hbm>> -> memref<64x512xf32, #tpu.memory_space<hbm>>
    tpu.enqueue_dma source(%arg6 : memref<64x512xf32, #tpu.memory_space<vmem>>) target(%dma_start3A_206 : memref<64x512xf32, #tpu.memory_space<hbm>>) target_semaphore(%arg12 : memref<!tpu.dma_semaphore, #tpu.memory_space<semaphore_mem>>)
    %dma_wait3A_207 = arith.constant 0 : i32
    %dma_wait3A_208 = tpu.memref_slice %arg4[%add3A_202, %dma_wait3A_207] : memref<65536x512xf32, #tpu.memory_space<hbm>> -> memref<64x512xf32, #tpu.memory_space<hbm>>
    %dma_wait3A_209 = arith.constant 0 : i32
    %dma_wait3A_210 = tpu.memref_slice %arg4[%add3A_202, %dma_wait3A_209] : memref<65536x512xf32, #tpu.memory_space<hbm>> -> memref<64x512xf32, #tpu.memory_space<hbm>>
    tpu.wait_dma2 semaphore(%arg12 : memref<!tpu.dma_semaphore, #tpu.memory_space<semaphore_mem>>) src(%arg6 : memref<64x512xf32, #tpu.memory_space<vmem>>) dst(%dma_wait3A_210 : memref<64x512xf32, #tpu.memory_space<hbm>>)
    %dma_start3A_211 = arith.constant 768 : i32
    %dma_start3A_212 = tpu.memref_slice %arg5[%dma_start3A_211] : memref<2048xi32, #tpu.memory_space<vmem>> -> memref<64xi32, #tpu.memory_space<vmem>>
    %dma_start3A_213 = arith.constant 0 : i32
    %dma_start3A_214 = arith.constant 0 : i32
    %dma_start3A_215 = tpu.memref_slice %arg2[%dma_start3A_213, %dma_start3A_214] : memref<8208x512xf32, #tpu.memory_space<hbm>> -> memref<8208x512xf32, #tpu.memory_space<hbm>>
    tpu.enqueue_indirect_dma source(%dma_start3A_215 : memref<8208x512xf32, #tpu.memory_space<hbm>>) target(%arg6 : memref<64x512xf32, #tpu.memory_space<vmem>>) offsets(%dma_start3A_212 : memref<64xi32, #tpu.memory_space<vmem>>) semaphore(%arg9 : memref<!tpu.dma_semaphore, #tpu.memory_space<semaphore_mem>>)
    %dma_wait3A_216 = arith.constant 0 : i32
    %dma_wait3A_217 = tpu.memref_slice %arg5[%dma_wait3A_216] : memref<2048xi32, #tpu.memory_space<vmem>> -> memref<64xi32, #tpu.memory_space<vmem>>
    %dma_wait3A_218 = arith.constant 0 : i32
    %dma_wait3A_219 = arith.constant 0 : i32
    %dma_wait3A_220 = tpu.memref_slice %arg2[%dma_wait3A_218, %dma_wait3A_219] : memref<8208x512xf32, #tpu.memory_space<hbm>> -> memref<8208x512xf32, #tpu.memory_space<hbm>>
    tpu.wait_indirect_dma semaphore(%arg10 : memref<!tpu.dma_semaphore, #tpu.memory_space<semaphore_mem>>) src(%dma_wait3A_220 : memref<8208x512xf32, #tpu.memory_space<hbm>>) dst(%arg7 : memref<64x512xf32, #tpu.memory_space<vmem>>)
    %add3A_221 = arith.constant 640 : i32
    %add3A_222 = arith.addi %mul3A_2, %add3A_221 : i32
    %dma_start3A_223 = arith.constant 0 : i32
    %dma_start3A_224 = tpu.memref_slice %arg4[%add3A_222, %dma_start3A_223] : memref<65536x512xf32, #tpu.memory_space<hbm>> -> memref<64x512xf32, #tpu.memory_space<hbm>>
    %dma_start3A_225 = arith.constant 0 : i32
    %dma_start3A_226 = tpu.memref_slice %arg4[%add3A_222, %dma_start3A_225] : memref<65536x512xf32, #tpu.memory_space<hbm>> -> memref<64x512xf32, #tpu.memory_space<hbm>>
    tpu.enqueue_dma source(%arg7 : memref<64x512xf32, #tpu.memory_space<vmem>>) target(%dma_start3A_226 : memref<64x512xf32, #tpu.memory_space<hbm>>) target_semaphore(%arg13 : memref<!tpu.dma_semaphore, #tpu.memory_space<semaphore_mem>>)
    %dma_wait3A_227 = arith.constant 0 : i32
    %dma_wait3A_228 = tpu.memref_slice %arg4[%add3A_222, %dma_wait3A_227] : memref<65536x512xf32, #tpu.memory_space<hbm>> -> memref<64x512xf32, #tpu.memory_space<hbm>>
    %dma_wait3A_229 = arith.constant 0 : i32
    %dma_wait3A_230 = tpu.memref_slice %arg4[%add3A_222, %dma_wait3A_229] : memref<65536x512xf32, #tpu.memory_space<hbm>> -> memref<64x512xf32, #tpu.memory_space<hbm>>
    tpu.wait_dma2 semaphore(%arg13 : memref<!tpu.dma_semaphore, #tpu.memory_space<semaphore_mem>>) src(%arg7 : memref<64x512xf32, #tpu.memory_space<vmem>>) dst(%dma_wait3A_230 : memref<64x512xf32, #tpu.memory_space<hbm>>)
    %dma_start3A_231 = arith.constant 832 : i32
    %dma_start3A_232 = tpu.memref_slice %arg5[%dma_start3A_231] : memref<2048xi32, #tpu.memory_space<vmem>> -> memref<64xi32, #tpu.memory_space<vmem>>
    %dma_start3A_233 = arith.constant 0 : i32
    %dma_start3A_234 = arith.constant 0 : i32
    %dma_start3A_235 = tpu.memref_slice %arg2[%dma_start3A_233, %dma_start3A_234] : memref<8208x512xf32, #tpu.memory_space<hbm>> -> memref<8208x512xf32, #tpu.memory_space<hbm>>
    tpu.enqueue_indirect_dma source(%dma_start3A_235 : memref<8208x512xf32, #tpu.memory_space<hbm>>) target(%arg7 : memref<64x512xf32, #tpu.memory_space<vmem>>) offsets(%dma_start3A_232 : memref<64xi32, #tpu.memory_space<vmem>>) semaphore(%arg10 : memref<!tpu.dma_semaphore, #tpu.memory_space<semaphore_mem>>)
    %dma_wait3A_236 = arith.constant 0 : i32
    %dma_wait3A_237 = tpu.memref_slice %arg5[%dma_wait3A_236] : memref<2048xi32, #tpu.memory_space<vmem>> -> memref<64xi32, #tpu.memory_space<vmem>>
    %dma_wait3A_238 = arith.constant 0 : i32
    %dma_wait3A_239 = arith.constant 0 : i32
    %dma_wait3A_240 = tpu.memref_slice %arg2[%dma_wait3A_238, %dma_wait3A_239] : memref<8208x512xf32, #tpu.memory_space<hbm>> -> memref<8208x512xf32, #tpu.memory_space<hbm>>
    tpu.wait_indirect_dma semaphore(%arg11 : memref<!tpu.dma_semaphore, #tpu.memory_space<semaphore_mem>>) src(%dma_wait3A_240 : memref<8208x512xf32, #tpu.memory_space<hbm>>) dst(%arg8 : memref<64x512xf32, #tpu.memory_space<vmem>>)
    %add3A_241 = arith.constant 704 : i32
    %add3A_242 = arith.addi %mul3A_2, %add3A_241 : i32
    %dma_start3A_243 = arith.constant 0 : i32
    %dma_start3A_244 = tpu.memref_slice %arg4[%add3A_242, %dma_start3A_243] : memref<65536x512xf32, #tpu.memory_space<hbm>> -> memref<64x512xf32, #tpu.memory_space<hbm>>
    %dma_start3A_245 = arith.constant 0 : i32
    %dma_start3A_246 = tpu.memref_slice %arg4[%add3A_242, %dma_start3A_245] : memref<65536x512xf32, #tpu.memory_space<hbm>> -> memref<64x512xf32, #tpu.memory_space<hbm>>
    tpu.enqueue_dma source(%arg8 : memref<64x512xf32, #tpu.memory_space<vmem>>) target(%dma_start3A_246 : memref<64x512xf32, #tpu.memory_space<hbm>>) target_semaphore(%arg14 : memref<!tpu.dma_semaphore, #tpu.memory_space<semaphore_mem>>)
    %dma_wait3A_247 = arith.constant 0 : i32
    %dma_wait3A_248 = tpu.memref_slice %arg4[%add3A_242, %dma_wait3A_247] : memref<65536x512xf32, #tpu.memory_space<hbm>> -> memref<64x512xf32, #tpu.memory_space<hbm>>
    %dma_wait3A_249 = arith.constant 0 : i32
    %dma_wait3A_250 = tpu.memref_slice %arg4[%add3A_242, %dma_wait3A_249] : memref<65536x512xf32, #tpu.memory_space<hbm>> -> memref<64x512xf32, #tpu.memory_space<hbm>>
    tpu.wait_dma2 semaphore(%arg14 : memref<!tpu.dma_semaphore, #tpu.memory_space<semaphore_mem>>) src(%arg8 : memref<64x512xf32, #tpu.memory_space<vmem>>) dst(%dma_wait3A_250 : memref<64x512xf32, #tpu.memory_space<hbm>>)
    %dma_start3A_251 = arith.constant 896 : i32
    %dma_start3A_252 = tpu.memref_slice %arg5[%dma_start3A_251] : memref<2048xi32, #tpu.memory_space<vmem>> -> memref<64xi32, #tpu.memory_space<vmem>>
    %dma_start3A_253 = arith.constant 0 : i32
    %dma_start3A_254 = arith.constant 0 : i32
    %dma_start3A_255 = tpu.memref_slice %arg2[%dma_start3A_253, %dma_start3A_254] : memref<8208x512xf32, #tpu.memory_space<hbm>> -> memref<8208x512xf32, #tpu.memory_space<hbm>>
    tpu.enqueue_indirect_dma source(%dma_start3A_255 : memref<8208x512xf32, #tpu.memory_space<hbm>>) target(%arg8 : memref<64x512xf32, #tpu.memory_space<vmem>>) offsets(%dma_start3A_252 : memref<64xi32, #tpu.memory_space<vmem>>) semaphore(%arg11 : memref<!tpu.dma_semaphore, #tpu.memory_space<semaphore_mem>>)
    %dma_wait3A_256 = arith.constant 0 : i32
    %dma_wait3A_257 = tpu.memref_slice %arg5[%dma_wait3A_256] : memref<2048xi32, #tpu.memory_space<vmem>> -> memref<64xi32, #tpu.memory_space<vmem>>
    %dma_wait3A_258 = arith.constant 0 : i32
    %dma_wait3A_259 = arith.constant 0 : i32
    %dma_wait3A_260 = tpu.memref_slice %arg2[%dma_wait3A_258, %dma_wait3A_259] : memref<8208x512xf32, #tpu.memory_space<hbm>> -> memref<8208x512xf32, #tpu.memory_space<hbm>>
    tpu.wait_indirect_dma semaphore(%arg9 : memref<!tpu.dma_semaphore, #tpu.memory_space<semaphore_mem>>) src(%dma_wait3A_260 : memref<8208x512xf32, #tpu.memory_space<hbm>>) dst(%arg6 : memref<64x512xf32, #tpu.memory_space<vmem>>)
    %add3A_261 = arith.constant 768 : i32
    %add3A_262 = arith.addi %mul3A_2, %add3A_261 : i32
    %dma_start3A_263 = arith.constant 0 : i32
    %dma_start3A_264 = tpu.memref_slice %arg4[%add3A_262, %dma_start3A_263] : memref<65536x512xf32, #tpu.memory_space<hbm>> -> memref<64x512xf32, #tpu.memory_space<hbm>>
    %dma_start3A_265 = arith.constant 0 : i32
    %dma_start3A_266 = tpu.memref_slice %arg4[%add3A_262, %dma_start3A_265] : memref<65536x512xf32, #tpu.memory_space<hbm>> -> memref<64x512xf32, #tpu.memory_space<hbm>>
    tpu.enqueue_dma source(%arg6 : memref<64x512xf32, #tpu.memory_space<vmem>>) target(%dma_start3A_266 : memref<64x512xf32, #tpu.memory_space<hbm>>) target_semaphore(%arg12 : memref<!tpu.dma_semaphore, #tpu.memory_space<semaphore_mem>>)
    %dma_wait3A_267 = arith.constant 0 : i32
    %dma_wait3A_268 = tpu.memref_slice %arg4[%add3A_262, %dma_wait3A_267] : memref<65536x512xf32, #tpu.memory_space<hbm>> -> memref<64x512xf32, #tpu.memory_space<hbm>>
    %dma_wait3A_269 = arith.constant 0 : i32
    %dma_wait3A_270 = tpu.memref_slice %arg4[%add3A_262, %dma_wait3A_269] : memref<65536x512xf32, #tpu.memory_space<hbm>> -> memref<64x512xf32, #tpu.memory_space<hbm>>
    tpu.wait_dma2 semaphore(%arg12 : memref<!tpu.dma_semaphore, #tpu.memory_space<semaphore_mem>>) src(%arg6 : memref<64x512xf32, #tpu.memory_space<vmem>>) dst(%dma_wait3A_270 : memref<64x512xf32, #tpu.memory_space<hbm>>)
    %dma_start3A_271 = arith.constant 960 : i32
    %dma_start3A_272 = tpu.memref_slice %arg5[%dma_start3A_271] : memref<2048xi32, #tpu.memory_space<vmem>> -> memref<64xi32, #tpu.memory_space<vmem>>
    %dma_start3A_273 = arith.constant 0 : i32
    %dma_start3A_274 = arith.constant 0 : i32
    %dma_start3A_275 = tpu.memref_slice %arg2[%dma_start3A_273, %dma_start3A_274] : memref<8208x512xf32, #tpu.memory_space<hbm>> -> memref<8208x512xf32, #tpu.memory_space<hbm>>
    tpu.enqueue_indirect_dma source(%dma_start3A_275 : memref<8208x512xf32, #tpu.memory_space<hbm>>) target(%arg6 : memref<64x512xf32, #tpu.memory_space<vmem>>) offsets(%dma_start3A_272 : memref<64xi32, #tpu.memory_space<vmem>>) semaphore(%arg9 : memref<!tpu.dma_semaphore, #tpu.memory_space<semaphore_mem>>)
    %dma_wait3A_276 = arith.constant 0 : i32
    %dma_wait3A_277 = tpu.memref_slice %arg5[%dma_wait3A_276] : memref<2048xi32, #tpu.memory_space<vmem>> -> memref<64xi32, #tpu.memory_space<vmem>>
    %dma_wait3A_278 = arith.constant 0 : i32
    %dma_wait3A_279 = arith.constant 0 : i32
    %dma_wait3A_280 = tpu.memref_slice %arg2[%dma_wait3A_278, %dma_wait3A_279] : memref<8208x512xf32, #tpu.memory_space<hbm>> -> memref<8208x512xf32, #tpu.memory_space<hbm>>
    tpu.wait_indirect_dma semaphore(%arg10 : memref<!tpu.dma_semaphore, #tpu.memory_space<semaphore_mem>>) src(%dma_wait3A_280 : memref<8208x512xf32, #tpu.memory_space<hbm>>) dst(%arg7 : memref<64x512xf32, #tpu.memory_space<vmem>>)
    %add3A_281 = arith.constant 832 : i32
    %add3A_282 = arith.addi %mul3A_2, %add3A_281 : i32
    %dma_start3A_283 = arith.constant 0 : i32
    %dma_start3A_284 = tpu.memref_slice %arg4[%add3A_282, %dma_start3A_283] : memref<65536x512xf32, #tpu.memory_space<hbm>> -> memref<64x512xf32, #tpu.memory_space<hbm>>
    %dma_start3A_285 = arith.constant 0 : i32
    %dma_start3A_286 = tpu.memref_slice %arg4[%add3A_282, %dma_start3A_285] : memref<65536x512xf32, #tpu.memory_space<hbm>> -> memref<64x512xf32, #tpu.memory_space<hbm>>
    tpu.enqueue_dma source(%arg7 : memref<64x512xf32, #tpu.memory_space<vmem>>) target(%dma_start3A_286 : memref<64x512xf32, #tpu.memory_space<hbm>>) target_semaphore(%arg13 : memref<!tpu.dma_semaphore, #tpu.memory_space<semaphore_mem>>)
    %dma_wait3A_287 = arith.constant 0 : i32
    %dma_wait3A_288 = tpu.memref_slice %arg4[%add3A_282, %dma_wait3A_287] : memref<65536x512xf32, #tpu.memory_space<hbm>> -> memref<64x512xf32, #tpu.memory_space<hbm>>
    %dma_wait3A_289 = arith.constant 0 : i32
    %dma_wait3A_290 = tpu.memref_slice %arg4[%add3A_282, %dma_wait3A_289] : memref<65536x512xf32, #tpu.memory_space<hbm>> -> memref<64x512xf32, #tpu.memory_space<hbm>>
    tpu.wait_dma2 semaphore(%arg13 : memref<!tpu.dma_semaphore, #tpu.memory_space<semaphore_mem>>) src(%arg7 : memref<64x512xf32, #tpu.memory_space<vmem>>) dst(%dma_wait3A_290 : memref<64x512xf32, #tpu.memory_space<hbm>>)
    %dma_start3A_291 = arith.constant 1024 : i32
    %dma_start3A_292 = tpu.memref_slice %arg5[%dma_start3A_291] : memref<2048xi32, #tpu.memory_space<vmem>> -> memref<64xi32, #tpu.memory_space<vmem>>
    %dma_start3A_293 = arith.constant 0 : i32
    %dma_start3A_294 = arith.constant 0 : i32
    %dma_start3A_295 = tpu.memref_slice %arg2[%dma_start3A_293, %dma_start3A_294] : memref<8208x512xf32, #tpu.memory_space<hbm>> -> memref<8208x512xf32, #tpu.memory_space<hbm>>
    tpu.enqueue_indirect_dma source(%dma_start3A_295 : memref<8208x512xf32, #tpu.memory_space<hbm>>) target(%arg7 : memref<64x512xf32, #tpu.memory_space<vmem>>) offsets(%dma_start3A_292 : memref<64xi32, #tpu.memory_space<vmem>>) semaphore(%arg10 : memref<!tpu.dma_semaphore, #tpu.memory_space<semaphore_mem>>)
    %dma_wait3A_296 = arith.constant 0 : i32
    %dma_wait3A_297 = tpu.memref_slice %arg5[%dma_wait3A_296] : memref<2048xi32, #tpu.memory_space<vmem>> -> memref<64xi32, #tpu.memory_space<vmem>>
    %dma_wait3A_298 = arith.constant 0 : i32
    %dma_wait3A_299 = arith.constant 0 : i32
    %dma_wait3A_300 = tpu.memref_slice %arg2[%dma_wait3A_298, %dma_wait3A_299] : memref<8208x512xf32, #tpu.memory_space<hbm>> -> memref<8208x512xf32, #tpu.memory_space<hbm>>
    tpu.wait_indirect_dma semaphore(%arg11 : memref<!tpu.dma_semaphore, #tpu.memory_space<semaphore_mem>>) src(%dma_wait3A_300 : memref<8208x512xf32, #tpu.memory_space<hbm>>) dst(%arg8 : memref<64x512xf32, #tpu.memory_space<vmem>>)
    %add3A_301 = arith.constant 896 : i32
    %add3A_302 = arith.addi %mul3A_2, %add3A_301 : i32
    %dma_start3A_303 = arith.constant 0 : i32
    %dma_start3A_304 = tpu.memref_slice %arg4[%add3A_302, %dma_start3A_303] : memref<65536x512xf32, #tpu.memory_space<hbm>> -> memref<64x512xf32, #tpu.memory_space<hbm>>
    %dma_start3A_305 = arith.constant 0 : i32
    %dma_start3A_306 = tpu.memref_slice %arg4[%add3A_302, %dma_start3A_305] : memref<65536x512xf32, #tpu.memory_space<hbm>> -> memref<64x512xf32, #tpu.memory_space<hbm>>
    tpu.enqueue_dma source(%arg8 : memref<64x512xf32, #tpu.memory_space<vmem>>) target(%dma_start3A_306 : memref<64x512xf32, #tpu.memory_space<hbm>>) target_semaphore(%arg14 : memref<!tpu.dma_semaphore, #tpu.memory_space<semaphore_mem>>)
    %dma_wait3A_307 = arith.constant 0 : i32
    %dma_wait3A_308 = tpu.memref_slice %arg4[%add3A_302, %dma_wait3A_307] : memref<65536x512xf32, #tpu.memory_space<hbm>> -> memref<64x512xf32, #tpu.memory_space<hbm>>
    %dma_wait3A_309 = arith.constant 0 : i32
    %dma_wait3A_310 = tpu.memref_slice %arg4[%add3A_302, %dma_wait3A_309] : memref<65536x512xf32, #tpu.memory_space<hbm>> -> memref<64x512xf32, #tpu.memory_space<hbm>>
    tpu.wait_dma2 semaphore(%arg14 : memref<!tpu.dma_semaphore, #tpu.memory_space<semaphore_mem>>) src(%arg8 : memref<64x512xf32, #tpu.memory_space<vmem>>) dst(%dma_wait3A_310 : memref<64x512xf32, #tpu.memory_space<hbm>>)
    %dma_start3A_311 = arith.constant 1088 : i32
    %dma_start3A_312 = tpu.memref_slice %arg5[%dma_start3A_311] : memref<2048xi32, #tpu.memory_space<vmem>> -> memref<64xi32, #tpu.memory_space<vmem>>
    %dma_start3A_313 = arith.constant 0 : i32
    %dma_start3A_314 = arith.constant 0 : i32
    %dma_start3A_315 = tpu.memref_slice %arg2[%dma_start3A_313, %dma_start3A_314] : memref<8208x512xf32, #tpu.memory_space<hbm>> -> memref<8208x512xf32, #tpu.memory_space<hbm>>
    tpu.enqueue_indirect_dma source(%dma_start3A_315 : memref<8208x512xf32, #tpu.memory_space<hbm>>) target(%arg8 : memref<64x512xf32, #tpu.memory_space<vmem>>) offsets(%dma_start3A_312 : memref<64xi32, #tpu.memory_space<vmem>>) semaphore(%arg11 : memref<!tpu.dma_semaphore, #tpu.memory_space<semaphore_mem>>)
    %dma_wait3A_316 = arith.constant 0 : i32
    %dma_wait3A_317 = tpu.memref_slice %arg5[%dma_wait3A_316] : memref<2048xi32, #tpu.memory_space<vmem>> -> memref<64xi32, #tpu.memory_space<vmem>>
    %dma_wait3A_318 = arith.constant 0 : i32
    %dma_wait3A_319 = arith.constant 0 : i32
    %dma_wait3A_320 = tpu.memref_slice %arg2[%dma_wait3A_318, %dma_wait3A_319] : memref<8208x512xf32, #tpu.memory_space<hbm>> -> memref<8208x512xf32, #tpu.memory_space<hbm>>
    tpu.wait_indirect_dma semaphore(%arg9 : memref<!tpu.dma_semaphore, #tpu.memory_space<semaphore_mem>>) src(%dma_wait3A_320 : memref<8208x512xf32, #tpu.memory_space<hbm>>) dst(%arg6 : memref<64x512xf32, #tpu.memory_space<vmem>>)
    %add3A_321 = arith.constant 960 : i32
    %add3A_322 = arith.addi %mul3A_2, %add3A_321 : i32
    %dma_start3A_323 = arith.constant 0 : i32
    %dma_start3A_324 = tpu.memref_slice %arg4[%add3A_322, %dma_start3A_323] : memref<65536x512xf32, #tpu.memory_space<hbm>> -> memref<64x512xf32, #tpu.memory_space<hbm>>
    %dma_start3A_325 = arith.constant 0 : i32
    %dma_start3A_326 = tpu.memref_slice %arg4[%add3A_322, %dma_start3A_325] : memref<65536x512xf32, #tpu.memory_space<hbm>> -> memref<64x512xf32, #tpu.memory_space<hbm>>
    tpu.enqueue_dma source(%arg6 : memref<64x512xf32, #tpu.memory_space<vmem>>) target(%dma_start3A_326 : memref<64x512xf32, #tpu.memory_space<hbm>>) target_semaphore(%arg12 : memref<!tpu.dma_semaphore, #tpu.memory_space<semaphore_mem>>)
    %dma_wait3A_327 = arith.constant 0 : i32
    %dma_wait3A_328 = tpu.memref_slice %arg4[%add3A_322, %dma_wait3A_327] : memref<65536x512xf32, #tpu.memory_space<hbm>> -> memref<64x512xf32, #tpu.memory_space<hbm>>
    %dma_wait3A_329 = arith.constant 0 : i32
    %dma_wait3A_330 = tpu.memref_slice %arg4[%add3A_322, %dma_wait3A_329] : memref<65536x512xf32, #tpu.memory_space<hbm>> -> memref<64x512xf32, #tpu.memory_space<hbm>>
    tpu.wait_dma2 semaphore(%arg12 : memref<!tpu.dma_semaphore, #tpu.memory_space<semaphore_mem>>) src(%arg6 : memref<64x512xf32, #tpu.memory_space<vmem>>) dst(%dma_wait3A_330 : memref<64x512xf32, #tpu.memory_space<hbm>>)
    %dma_start3A_331 = arith.constant 1152 : i32
    %dma_start3A_332 = tpu.memref_slice %arg5[%dma_start3A_331] : memref<2048xi32, #tpu.memory_space<vmem>> -> memref<64xi32, #tpu.memory_space<vmem>>
    %dma_start3A_333 = arith.constant 0 : i32
    %dma_start3A_334 = arith.constant 0 : i32
    %dma_start3A_335 = tpu.memref_slice %arg2[%dma_start3A_333, %dma_start3A_334] : memref<8208x512xf32, #tpu.memory_space<hbm>> -> memref<8208x512xf32, #tpu.memory_space<hbm>>
    tpu.enqueue_indirect_dma source(%dma_start3A_335 : memref<8208x512xf32, #tpu.memory_space<hbm>>) target(%arg6 : memref<64x512xf32, #tpu.memory_space<vmem>>) offsets(%dma_start3A_332 : memref<64xi32, #tpu.memory_space<vmem>>) semaphore(%arg9 : memref<!tpu.dma_semaphore, #tpu.memory_space<semaphore_mem>>)
    %dma_wait3A_336 = arith.constant 0 : i32
    %dma_wait3A_337 = tpu.memref_slice %arg5[%dma_wait3A_336] : memref<2048xi32, #tpu.memory_space<vmem>> -> memref<64xi32, #tpu.memory_space<vmem>>
    %dma_wait3A_338 = arith.constant 0 : i32
    %dma_wait3A_339 = arith.constant 0 : i32
    %dma_wait3A_340 = tpu.memref_slice %arg2[%dma_wait3A_338, %dma_wait3A_339] : memref<8208x512xf32, #tpu.memory_space<hbm>> -> memref<8208x512xf32, #tpu.memory_space<hbm>>
    tpu.wait_indirect_dma semaphore(%arg10 : memref<!tpu.dma_semaphore, #tpu.memory_space<semaphore_mem>>) src(%dma_wait3A_340 : memref<8208x512xf32, #tpu.memory_space<hbm>>) dst(%arg7 : memref<64x512xf32, #tpu.memory_space<vmem>>)
    %add3A_341 = arith.constant 1024 : i32
    %add3A_342 = arith.addi %mul3A_2, %add3A_341 : i32
    %dma_start3A_343 = arith.constant 0 : i32
    %dma_start3A_344 = tpu.memref_slice %arg4[%add3A_342, %dma_start3A_343] : memref<65536x512xf32, #tpu.memory_space<hbm>> -> memref<64x512xf32, #tpu.memory_space<hbm>>
    %dma_start3A_345 = arith.constant 0 : i32
    %dma_start3A_346 = tpu.memref_slice %arg4[%add3A_342, %dma_start3A_345] : memref<65536x512xf32, #tpu.memory_space<hbm>> -> memref<64x512xf32, #tpu.memory_space<hbm>>
    tpu.enqueue_dma source(%arg7 : memref<64x512xf32, #tpu.memory_space<vmem>>) target(%dma_start3A_346 : memref<64x512xf32, #tpu.memory_space<hbm>>) target_semaphore(%arg13 : memref<!tpu.dma_semaphore, #tpu.memory_space<semaphore_mem>>)
    %dma_wait3A_347 = arith.constant 0 : i32
    %dma_wait3A_348 = tpu.memref_slice %arg4[%add3A_342, %dma_wait3A_347] : memref<65536x512xf32, #tpu.memory_space<hbm>> -> memref<64x512xf32, #tpu.memory_space<hbm>>
    %dma_wait3A_349 = arith.constant 0 : i32
    %dma_wait3A_350 = tpu.memref_slice %arg4[%add3A_342, %dma_wait3A_349] : memref<65536x512xf32, #tpu.memory_space<hbm>> -> memref<64x512xf32, #tpu.memory_space<hbm>>
    tpu.wait_dma2 semaphore(%arg13 : memref<!tpu.dma_semaphore, #tpu.memory_space<semaphore_mem>>) src(%arg7 : memref<64x512xf32, #tpu.memory_space<vmem>>) dst(%dma_wait3A_350 : memref<64x512xf32, #tpu.memory_space<hbm>>)
    %dma_start3A_351 = arith.constant 1216 : i32
    %dma_start3A_352 = tpu.memref_slice %arg5[%dma_start3A_351] : memref<2048xi32, #tpu.memory_space<vmem>> -> memref<64xi32, #tpu.memory_space<vmem>>
    %dma_start3A_353 = arith.constant 0 : i32
    %dma_start3A_354 = arith.constant 0 : i32
    %dma_start3A_355 = tpu.memref_slice %arg2[%dma_start3A_353, %dma_start3A_354] : memref<8208x512xf32, #tpu.memory_space<hbm>> -> memref<8208x512xf32, #tpu.memory_space<hbm>>
    tpu.enqueue_indirect_dma source(%dma_start3A_355 : memref<8208x512xf32, #tpu.memory_space<hbm>>) target(%arg7 : memref<64x512xf32, #tpu.memory_space<vmem>>) offsets(%dma_start3A_352 : memref<64xi32, #tpu.memory_space<vmem>>) semaphore(%arg10 : memref<!tpu.dma_semaphore, #tpu.memory_space<semaphore_mem>>)
    %dma_wait3A_356 = arith.constant 0 : i32
    %dma_wait3A_357 = tpu.memref_slice %arg5[%dma_wait3A_356] : memref<2048xi32, #tpu.memory_space<vmem>> -> memref<64xi32, #tpu.memory_space<vmem>>
    %dma_wait3A_358 = arith.constant 0 : i32
    %dma_wait3A_359 = arith.constant 0 : i32
    %dma_wait3A_360 = tpu.memref_slice %arg2[%dma_wait3A_358, %dma_wait3A_359] : memref<8208x512xf32, #tpu.memory_space<hbm>> -> memref<8208x512xf32, #tpu.memory_space<hbm>>
    tpu.wait_indirect_dma semaphore(%arg11 : memref<!tpu.dma_semaphore, #tpu.memory_space<semaphore_mem>>) src(%dma_wait3A_360 : memref<8208x512xf32, #tpu.memory_space<hbm>>) dst(%arg8 : memref<64x512xf32, #tpu.memory_space<vmem>>)
    %add3A_361 = arith.constant 1088 : i32
    %add3A_362 = arith.addi %mul3A_2, %add3A_361 : i32
    %dma_start3A_363 = arith.constant 0 : i32
    %dma_start3A_364 = tpu.memref_slice %arg4[%add3A_362, %dma_start3A_363] : memref<65536x512xf32, #tpu.memory_space<hbm>> -> memref<64x512xf32, #tpu.memory_space<hbm>>
    %dma_start3A_365 = arith.constant 0 : i32
    %dma_start3A_366 = tpu.memref_slice %arg4[%add3A_362, %dma_start3A_365] : memref<65536x512xf32, #tpu.memory_space<hbm>> -> memref<64x512xf32, #tpu.memory_space<hbm>>
    tpu.enqueue_dma source(%arg8 : memref<64x512xf32, #tpu.memory_space<vmem>>) target(%dma_start3A_366 : memref<64x512xf32, #tpu.memory_space<hbm>>) target_semaphore(%arg14 : memref<!tpu.dma_semaphore, #tpu.memory_space<semaphore_mem>>)
    %dma_wait3A_367 = arith.constant 0 : i32
    %dma_wait3A_368 = tpu.memref_slice %arg4[%add3A_362, %dma_wait3A_367] : memref<65536x512xf32, #tpu.memory_space<hbm>> -> memref<64x512xf32, #tpu.memory_space<hbm>>
    %dma_wait3A_369 = arith.constant 0 : i32
    %dma_wait3A_370 = tpu.memref_slice %arg4[%add3A_362, %dma_wait3A_369] : memref<65536x512xf32, #tpu.memory_space<hbm>> -> memref<64x512xf32, #tpu.memory_space<hbm>>
    tpu.wait_dma2 semaphore(%arg14 : memref<!tpu.dma_semaphore, #tpu.memory_space<semaphore_mem>>) src(%arg8 : memref<64x512xf32, #tpu.memory_space<vmem>>) dst(%dma_wait3A_370 : memref<64x512xf32, #tpu.memory_space<hbm>>)
    %dma_start3A_371 = arith.constant 1280 : i32
    %dma_start3A_372 = tpu.memref_slice %arg5[%dma_start3A_371] : memref<2048xi32, #tpu.memory_space<vmem>> -> memref<64xi32, #tpu.memory_space<vmem>>
    %dma_start3A_373 = arith.constant 0 : i32
    %dma_start3A_374 = arith.constant 0 : i32
    %dma_start3A_375 = tpu.memref_slice %arg2[%dma_start3A_373, %dma_start3A_374] : memref<8208x512xf32, #tpu.memory_space<hbm>> -> memref<8208x512xf32, #tpu.memory_space<hbm>>
    tpu.enqueue_indirect_dma source(%dma_start3A_375 : memref<8208x512xf32, #tpu.memory_space<hbm>>) target(%arg8 : memref<64x512xf32, #tpu.memory_space<vmem>>) offsets(%dma_start3A_372 : memref<64xi32, #tpu.memory_space<vmem>>) semaphore(%arg11 : memref<!tpu.dma_semaphore, #tpu.memory_space<semaphore_mem>>)
    %dma_wait3A_376 = arith.constant 0 : i32
    %dma_wait3A_377 = tpu.memref_slice %arg5[%dma_wait3A_376] : memref<2048xi32, #tpu.memory_space<vmem>> -> memref<64xi32, #tpu.memory_space<vmem>>
    %dma_wait3A_378 = arith.constant 0 : i32
    %dma_wait3A_379 = arith.constant 0 : i32
    %dma_wait3A_380 = tpu.memref_slice %arg2[%dma_wait3A_378, %dma_wait3A_379] : memref<8208x512xf32, #tpu.memory_space<hbm>> -> memref<8208x512xf32, #tpu.memory_space<hbm>>
    tpu.wait_indirect_dma semaphore(%arg9 : memref<!tpu.dma_semaphore, #tpu.memory_space<semaphore_mem>>) src(%dma_wait3A_380 : memref<8208x512xf32, #tpu.memory_space<hbm>>) dst(%arg6 : memref<64x512xf32, #tpu.memory_space<vmem>>)
    %add3A_381 = arith.constant 1152 : i32
    %add3A_382 = arith.addi %mul3A_2, %add3A_381 : i32
    %dma_start3A_383 = arith.constant 0 : i32
    %dma_start3A_384 = tpu.memref_slice %arg4[%add3A_382, %dma_start3A_383] : memref<65536x512xf32, #tpu.memory_space<hbm>> -> memref<64x512xf32, #tpu.memory_space<hbm>>
    %dma_start3A_385 = arith.constant 0 : i32
    %dma_start3A_386 = tpu.memref_slice %arg4[%add3A_382, %dma_start3A_385] : memref<65536x512xf32, #tpu.memory_space<hbm>> -> memref<64x512xf32, #tpu.memory_space<hbm>>
    tpu.enqueue_dma source(%arg6 : memref<64x512xf32, #tpu.memory_space<vmem>>) target(%dma_start3A_386 : memref<64x512xf32, #tpu.memory_space<hbm>>) target_semaphore(%arg12 : memref<!tpu.dma_semaphore, #tpu.memory_space<semaphore_mem>>)
    %dma_wait3A_387 = arith.constant 0 : i32
    %dma_wait3A_388 = tpu.memref_slice %arg4[%add3A_382, %dma_wait3A_387] : memref<65536x512xf32, #tpu.memory_space<hbm>> -> memref<64x512xf32, #tpu.memory_space<hbm>>
    %dma_wait3A_389 = arith.constant 0 : i32
    %dma_wait3A_390 = tpu.memref_slice %arg4[%add3A_382, %dma_wait3A_389] : memref<65536x512xf32, #tpu.memory_space<hbm>> -> memref<64x512xf32, #tpu.memory_space<hbm>>
    tpu.wait_dma2 semaphore(%arg12 : memref<!tpu.dma_semaphore, #tpu.memory_space<semaphore_mem>>) src(%arg6 : memref<64x512xf32, #tpu.memory_space<vmem>>) dst(%dma_wait3A_390 : memref<64x512xf32, #tpu.memory_space<hbm>>)
    %dma_start3A_391 = arith.constant 1344 : i32
    %dma_start3A_392 = tpu.memref_slice %arg5[%dma_start3A_391] : memref<2048xi32, #tpu.memory_space<vmem>> -> memref<64xi32, #tpu.memory_space<vmem>>
    %dma_start3A_393 = arith.constant 0 : i32
    %dma_start3A_394 = arith.constant 0 : i32
    %dma_start3A_395 = tpu.memref_slice %arg2[%dma_start3A_393, %dma_start3A_394] : memref<8208x512xf32, #tpu.memory_space<hbm>> -> memref<8208x512xf32, #tpu.memory_space<hbm>>
    tpu.enqueue_indirect_dma source(%dma_start3A_395 : memref<8208x512xf32, #tpu.memory_space<hbm>>) target(%arg6 : memref<64x512xf32, #tpu.memory_space<vmem>>) offsets(%dma_start3A_392 : memref<64xi32, #tpu.memory_space<vmem>>) semaphore(%arg9 : memref<!tpu.dma_semaphore, #tpu.memory_space<semaphore_mem>>)
    %dma_wait3A_396 = arith.constant 0 : i32
    %dma_wait3A_397 = tpu.memref_slice %arg5[%dma_wait3A_396] : memref<2048xi32, #tpu.memory_space<vmem>> -> memref<64xi32, #tpu.memory_space<vmem>>
    %dma_wait3A_398 = arith.constant 0 : i32
    %dma_wait3A_399 = arith.constant 0 : i32
    %dma_wait3A_400 = tpu.memref_slice %arg2[%dma_wait3A_398, %dma_wait3A_399] : memref<8208x512xf32, #tpu.memory_space<hbm>> -> memref<8208x512xf32, #tpu.memory_space<hbm>>
    tpu.wait_indirect_dma semaphore(%arg10 : memref<!tpu.dma_semaphore, #tpu.memory_space<semaphore_mem>>) src(%dma_wait3A_400 : memref<8208x512xf32, #tpu.memory_space<hbm>>) dst(%arg7 : memref<64x512xf32, #tpu.memory_space<vmem>>)
    %add3A_401 = arith.constant 1216 : i32
    %add3A_402 = arith.addi %mul3A_2, %add3A_401 : i32
    %dma_start3A_403 = arith.constant 0 : i32
    %dma_start3A_404 = tpu.memref_slice %arg4[%add3A_402, %dma_start3A_403] : memref<65536x512xf32, #tpu.memory_space<hbm>> -> memref<64x512xf32, #tpu.memory_space<hbm>>
    %dma_start3A_405 = arith.constant 0 : i32
    %dma_start3A_406 = tpu.memref_slice %arg4[%add3A_402, %dma_start3A_405] : memref<65536x512xf32, #tpu.memory_space<hbm>> -> memref<64x512xf32, #tpu.memory_space<hbm>>
    tpu.enqueue_dma source(%arg7 : memref<64x512xf32, #tpu.memory_space<vmem>>) target(%dma_start3A_406 : memref<64x512xf32, #tpu.memory_space<hbm>>) target_semaphore(%arg13 : memref<!tpu.dma_semaphore, #tpu.memory_space<semaphore_mem>>)
    %dma_wait3A_407 = arith.constant 0 : i32
    %dma_wait3A_408 = tpu.memref_slice %arg4[%add3A_402, %dma_wait3A_407] : memref<65536x512xf32, #tpu.memory_space<hbm>> -> memref<64x512xf32, #tpu.memory_space<hbm>>
    %dma_wait3A_409 = arith.constant 0 : i32
    %dma_wait3A_410 = tpu.memref_slice %arg4[%add3A_402, %dma_wait3A_409] : memref<65536x512xf32, #tpu.memory_space<hbm>> -> memref<64x512xf32, #tpu.memory_space<hbm>>
    tpu.wait_dma2 semaphore(%arg13 : memref<!tpu.dma_semaphore, #tpu.memory_space<semaphore_mem>>) src(%arg7 : memref<64x512xf32, #tpu.memory_space<vmem>>) dst(%dma_wait3A_410 : memref<64x512xf32, #tpu.memory_space<hbm>>)
    %dma_start3A_411 = arith.constant 1408 : i32
    %dma_start3A_412 = tpu.memref_slice %arg5[%dma_start3A_411] : memref<2048xi32, #tpu.memory_space<vmem>> -> memref<64xi32, #tpu.memory_space<vmem>>
    %dma_start3A_413 = arith.constant 0 : i32
    %dma_start3A_414 = arith.constant 0 : i32
    %dma_start3A_415 = tpu.memref_slice %arg2[%dma_start3A_413, %dma_start3A_414] : memref<8208x512xf32, #tpu.memory_space<hbm>> -> memref<8208x512xf32, #tpu.memory_space<hbm>>
    tpu.enqueue_indirect_dma source(%dma_start3A_415 : memref<8208x512xf32, #tpu.memory_space<hbm>>) target(%arg7 : memref<64x512xf32, #tpu.memory_space<vmem>>) offsets(%dma_start3A_412 : memref<64xi32, #tpu.memory_space<vmem>>) semaphore(%arg10 : memref<!tpu.dma_semaphore, #tpu.memory_space<semaphore_mem>>)
    %dma_wait3A_416 = arith.constant 0 : i32
    %dma_wait3A_417 = tpu.memref_slice %arg5[%dma_wait3A_416] : memref<2048xi32, #tpu.memory_space<vmem>> -> memref<64xi32, #tpu.memory_space<vmem>>
    %dma_wait3A_418 = arith.constant 0 : i32
    %dma_wait3A_419 = arith.constant 0 : i32
    %dma_wait3A_420 = tpu.memref_slice %arg2[%dma_wait3A_418, %dma_wait3A_419] : memref<8208x512xf32, #tpu.memory_space<hbm>> -> memref<8208x512xf32, #tpu.memory_space<hbm>>
    tpu.wait_indirect_dma semaphore(%arg11 : memref<!tpu.dma_semaphore, #tpu.memory_space<semaphore_mem>>) src(%dma_wait3A_420 : memref<8208x512xf32, #tpu.memory_space<hbm>>) dst(%arg8 : memref<64x512xf32, #tpu.memory_space<vmem>>)
    %add3A_421 = arith.constant 1280 : i32
    %add3A_422 = arith.addi %mul3A_2, %add3A_421 : i32
    %dma_start3A_423 = arith.constant 0 : i32
    %dma_start3A_424 = tpu.memref_slice %arg4[%add3A_422, %dma_start3A_423] : memref<65536x512xf32, #tpu.memory_space<hbm>> -> memref<64x512xf32, #tpu.memory_space<hbm>>
    %dma_start3A_425 = arith.constant 0 : i32
    %dma_start3A_426 = tpu.memref_slice %arg4[%add3A_422, %dma_start3A_425] : memref<65536x512xf32, #tpu.memory_space<hbm>> -> memref<64x512xf32, #tpu.memory_space<hbm>>
    tpu.enqueue_dma source(%arg8 : memref<64x512xf32, #tpu.memory_space<vmem>>) target(%dma_start3A_426 : memref<64x512xf32, #tpu.memory_space<hbm>>) target_semaphore(%arg14 : memref<!tpu.dma_semaphore, #tpu.memory_space<semaphore_mem>>)
    %dma_wait3A_427 = arith.constant 0 : i32
    %dma_wait3A_428 = tpu.memref_slice %arg4[%add3A_422, %dma_wait3A_427] : memref<65536x512xf32, #tpu.memory_space<hbm>> -> memref<64x512xf32, #tpu.memory_space<hbm>>
    %dma_wait3A_429 = arith.constant 0 : i32
    %dma_wait3A_430 = tpu.memref_slice %arg4[%add3A_422, %dma_wait3A_429] : memref<65536x512xf32, #tpu.memory_space<hbm>> -> memref<64x512xf32, #tpu.memory_space<hbm>>
    tpu.wait_dma2 semaphore(%arg14 : memref<!tpu.dma_semaphore, #tpu.memory_space<semaphore_mem>>) src(%arg8 : memref<64x512xf32, #tpu.memory_space<vmem>>) dst(%dma_wait3A_430 : memref<64x512xf32, #tpu.memory_space<hbm>>)
    %dma_start3A_431 = arith.constant 1472 : i32
    %dma_start3A_432 = tpu.memref_slice %arg5[%dma_start3A_431] : memref<2048xi32, #tpu.memory_space<vmem>> -> memref<64xi32, #tpu.memory_space<vmem>>
    %dma_start3A_433 = arith.constant 0 : i32
    %dma_start3A_434 = arith.constant 0 : i32
    %dma_start3A_435 = tpu.memref_slice %arg2[%dma_start3A_433, %dma_start3A_434] : memref<8208x512xf32, #tpu.memory_space<hbm>> -> memref<8208x512xf32, #tpu.memory_space<hbm>>
    tpu.enqueue_indirect_dma source(%dma_start3A_435 : memref<8208x512xf32, #tpu.memory_space<hbm>>) target(%arg8 : memref<64x512xf32, #tpu.memory_space<vmem>>) offsets(%dma_start3A_432 : memref<64xi32, #tpu.memory_space<vmem>>) semaphore(%arg11 : memref<!tpu.dma_semaphore, #tpu.memory_space<semaphore_mem>>)
    %dma_wait3A_436 = arith.constant 0 : i32
    %dma_wait3A_437 = tpu.memref_slice %arg5[%dma_wait3A_436] : memref<2048xi32, #tpu.memory_space<vmem>> -> memref<64xi32, #tpu.memory_space<vmem>>
    %dma_wait3A_438 = arith.constant 0 : i32
    %dma_wait3A_439 = arith.constant 0 : i32
    %dma_wait3A_440 = tpu.memref_slice %arg2[%dma_wait3A_438, %dma_wait3A_439] : memref<8208x512xf32, #tpu.memory_space<hbm>> -> memref<8208x512xf32, #tpu.memory_space<hbm>>
    tpu.wait_indirect_dma semaphore(%arg9 : memref<!tpu.dma_semaphore, #tpu.memory_space<semaphore_mem>>) src(%dma_wait3A_440 : memref<8208x512xf32, #tpu.memory_space<hbm>>) dst(%arg6 : memref<64x512xf32, #tpu.memory_space<vmem>>)
    %add3A_441 = arith.constant 1344 : i32
    %add3A_442 = arith.addi %mul3A_2, %add3A_441 : i32
    %dma_start3A_443 = arith.constant 0 : i32
    %dma_start3A_444 = tpu.memref_slice %arg4[%add3A_442, %dma_start3A_443] : memref<65536x512xf32, #tpu.memory_space<hbm>> -> memref<64x512xf32, #tpu.memory_space<hbm>>
    %dma_start3A_445 = arith.constant 0 : i32
    %dma_start3A_446 = tpu.memref_slice %arg4[%add3A_442, %dma_start3A_445] : memref<65536x512xf32, #tpu.memory_space<hbm>> -> memref<64x512xf32, #tpu.memory_space<hbm>>
    tpu.enqueue_dma source(%arg6 : memref<64x512xf32, #tpu.memory_space<vmem>>) target(%dma_start3A_446 : memref<64x512xf32, #tpu.memory_space<hbm>>) target_semaphore(%arg12 : memref<!tpu.dma_semaphore, #tpu.memory_space<semaphore_mem>>)
    %dma_wait3A_447 = arith.constant 0 : i32
    %dma_wait3A_448 = tpu.memref_slice %arg4[%add3A_442, %dma_wait3A_447] : memref<65536x512xf32, #tpu.memory_space<hbm>> -> memref<64x512xf32, #tpu.memory_space<hbm>>
    %dma_wait3A_449 = arith.constant 0 : i32
    %dma_wait3A_450 = tpu.memref_slice %arg4[%add3A_442, %dma_wait3A_449] : memref<65536x512xf32, #tpu.memory_space<hbm>> -> memref<64x512xf32, #tpu.memory_space<hbm>>
    tpu.wait_dma2 semaphore(%arg12 : memref<!tpu.dma_semaphore, #tpu.memory_space<semaphore_mem>>) src(%arg6 : memref<64x512xf32, #tpu.memory_space<vmem>>) dst(%dma_wait3A_450 : memref<64x512xf32, #tpu.memory_space<hbm>>)
    %dma_start3A_451 = arith.constant 1536 : i32
    %dma_start3A_452 = tpu.memref_slice %arg5[%dma_start3A_451] : memref<2048xi32, #tpu.memory_space<vmem>> -> memref<64xi32, #tpu.memory_space<vmem>>
    %dma_start3A_453 = arith.constant 0 : i32
    %dma_start3A_454 = arith.constant 0 : i32
    %dma_start3A_455 = tpu.memref_slice %arg2[%dma_start3A_453, %dma_start3A_454] : memref<8208x512xf32, #tpu.memory_space<hbm>> -> memref<8208x512xf32, #tpu.memory_space<hbm>>
    tpu.enqueue_indirect_dma source(%dma_start3A_455 : memref<8208x512xf32, #tpu.memory_space<hbm>>) target(%arg6 : memref<64x512xf32, #tpu.memory_space<vmem>>) offsets(%dma_start3A_452 : memref<64xi32, #tpu.memory_space<vmem>>) semaphore(%arg9 : memref<!tpu.dma_semaphore, #tpu.memory_space<semaphore_mem>>)
    %dma_wait3A_456 = arith.constant 0 : i32
    %dma_wait3A_457 = tpu.memref_slice %arg5[%dma_wait3A_456] : memref<2048xi32, #tpu.memory_space<vmem>> -> memref<64xi32, #tpu.memory_space<vmem>>
    %dma_wait3A_458 = arith.constant 0 : i32
    %dma_wait3A_459 = arith.constant 0 : i32
    %dma_wait3A_460 = tpu.memref_slice %arg2[%dma_wait3A_458, %dma_wait3A_459] : memref<8208x512xf32, #tpu.memory_space<hbm>> -> memref<8208x512xf32, #tpu.memory_space<hbm>>
    tpu.wait_indirect_dma semaphore(%arg10 : memref<!tpu.dma_semaphore, #tpu.memory_space<semaphore_mem>>) src(%dma_wait3A_460 : memref<8208x512xf32, #tpu.memory_space<hbm>>) dst(%arg7 : memref<64x512xf32, #tpu.memory_space<vmem>>)
    %add3A_461 = arith.constant 1408 : i32
    %add3A_462 = arith.addi %mul3A_2, %add3A_461 : i32
    %dma_start3A_463 = arith.constant 0 : i32
    %dma_start3A_464 = tpu.memref_slice %arg4[%add3A_462, %dma_start3A_463] : memref<65536x512xf32, #tpu.memory_space<hbm>> -> memref<64x512xf32, #tpu.memory_space<hbm>>
    %dma_start3A_465 = arith.constant 0 : i32
    %dma_start3A_466 = tpu.memref_slice %arg4[%add3A_462, %dma_start3A_465] : memref<65536x512xf32, #tpu.memory_space<hbm>> -> memref<64x512xf32, #tpu.memory_space<hbm>>
    tpu.enqueue_dma source(%arg7 : memref<64x512xf32, #tpu.memory_space<vmem>>) target(%dma_start3A_466 : memref<64x512xf32, #tpu.memory_space<hbm>>) target_semaphore(%arg13 : memref<!tpu.dma_semaphore, #tpu.memory_space<semaphore_mem>>)
    %dma_wait3A_467 = arith.constant 0 : i32
    %dma_wait3A_468 = tpu.memref_slice %arg4[%add3A_462, %dma_wait3A_467] : memref<65536x512xf32, #tpu.memory_space<hbm>> -> memref<64x512xf32, #tpu.memory_space<hbm>>
    %dma_wait3A_469 = arith.constant 0 : i32
    %dma_wait3A_470 = tpu.memref_slice %arg4[%add3A_462, %dma_wait3A_469] : memref<65536x512xf32, #tpu.memory_space<hbm>> -> memref<64x512xf32, #tpu.memory_space<hbm>>
    tpu.wait_dma2 semaphore(%arg13 : memref<!tpu.dma_semaphore, #tpu.memory_space<semaphore_mem>>) src(%arg7 : memref<64x512xf32, #tpu.memory_space<vmem>>) dst(%dma_wait3A_470 : memref<64x512xf32, #tpu.memory_space<hbm>>)
    %dma_start3A_471 = arith.constant 1600 : i32
    %dma_start3A_472 = tpu.memref_slice %arg5[%dma_start3A_471] : memref<2048xi32, #tpu.memory_space<vmem>> -> memref<64xi32, #tpu.memory_space<vmem>>
    %dma_start3A_473 = arith.constant 0 : i32
    %dma_start3A_474 = arith.constant 0 : i32
    %dma_start3A_475 = tpu.memref_slice %arg2[%dma_start3A_473, %dma_start3A_474] : memref<8208x512xf32, #tpu.memory_space<hbm>> -> memref<8208x512xf32, #tpu.memory_space<hbm>>
    tpu.enqueue_indirect_dma source(%dma_start3A_475 : memref<8208x512xf32, #tpu.memory_space<hbm>>) target(%arg7 : memref<64x512xf32, #tpu.memory_space<vmem>>) offsets(%dma_start3A_472 : memref<64xi32, #tpu.memory_space<vmem>>) semaphore(%arg10 : memref<!tpu.dma_semaphore, #tpu.memory_space<semaphore_mem>>)
    %dma_wait3A_476 = arith.constant 0 : i32
    %dma_wait3A_477 = tpu.memref_slice %arg5[%dma_wait3A_476] : memref<2048xi32, #tpu.memory_space<vmem>> -> memref<64xi32, #tpu.memory_space<vmem>>
    %dma_wait3A_478 = arith.constant 0 : i32
    %dma_wait3A_479 = arith.constant 0 : i32
    %dma_wait3A_480 = tpu.memref_slice %arg2[%dma_wait3A_478, %dma_wait3A_479] : memref<8208x512xf32, #tpu.memory_space<hbm>> -> memref<8208x512xf32, #tpu.memory_space<hbm>>
    tpu.wait_indirect_dma semaphore(%arg11 : memref<!tpu.dma_semaphore, #tpu.memory_space<semaphore_mem>>) src(%dma_wait3A_480 : memref<8208x512xf32, #tpu.memory_space<hbm>>) dst(%arg8 : memref<64x512xf32, #tpu.memory_space<vmem>>)
    %add3A_481 = arith.constant 1472 : i32
    %add3A_482 = arith.addi %mul3A_2, %add3A_481 : i32
    %dma_start3A_483 = arith.constant 0 : i32
    %dma_start3A_484 = tpu.memref_slice %arg4[%add3A_482, %dma_start3A_483] : memref<65536x512xf32, #tpu.memory_space<hbm>> -> memref<64x512xf32, #tpu.memory_space<hbm>>
    %dma_start3A_485 = arith.constant 0 : i32
    %dma_start3A_486 = tpu.memref_slice %arg4[%add3A_482, %dma_start3A_485] : memref<65536x512xf32, #tpu.memory_space<hbm>> -> memref<64x512xf32, #tpu.memory_space<hbm>>
    tpu.enqueue_dma source(%arg8 : memref<64x512xf32, #tpu.memory_space<vmem>>) target(%dma_start3A_486 : memref<64x512xf32, #tpu.memory_space<hbm>>) target_semaphore(%arg14 : memref<!tpu.dma_semaphore, #tpu.memory_space<semaphore_mem>>)
    %dma_wait3A_487 = arith.constant 0 : i32
    %dma_wait3A_488 = tpu.memref_slice %arg4[%add3A_482, %dma_wait3A_487] : memref<65536x512xf32, #tpu.memory_space<hbm>> -> memref<64x512xf32, #tpu.memory_space<hbm>>
    %dma_wait3A_489 = arith.constant 0 : i32
    %dma_wait3A_490 = tpu.memref_slice %arg4[%add3A_482, %dma_wait3A_489] : memref<65536x512xf32, #tpu.memory_space<hbm>> -> memref<64x512xf32, #tpu.memory_space<hbm>>
    tpu.wait_dma2 semaphore(%arg14 : memref<!tpu.dma_semaphore, #tpu.memory_space<semaphore_mem>>) src(%arg8 : memref<64x512xf32, #tpu.memory_space<vmem>>) dst(%dma_wait3A_490 : memref<64x512xf32, #tpu.memory_space<hbm>>)
    %dma_start3A_491 = arith.constant 1664 : i32
    %dma_start3A_492 = tpu.memref_slice %arg5[%dma_start3A_491] : memref<2048xi32, #tpu.memory_space<vmem>> -> memref<64xi32, #tpu.memory_space<vmem>>
    %dma_start3A_493 = arith.constant 0 : i32
    %dma_start3A_494 = arith.constant 0 : i32
    %dma_start3A_495 = tpu.memref_slice %arg2[%dma_start3A_493, %dma_start3A_494] : memref<8208x512xf32, #tpu.memory_space<hbm>> -> memref<8208x512xf32, #tpu.memory_space<hbm>>
    tpu.enqueue_indirect_dma source(%dma_start3A_495 : memref<8208x512xf32, #tpu.memory_space<hbm>>) target(%arg8 : memref<64x512xf32, #tpu.memory_space<vmem>>) offsets(%dma_start3A_492 : memref<64xi32, #tpu.memory_space<vmem>>) semaphore(%arg11 : memref<!tpu.dma_semaphore, #tpu.memory_space<semaphore_mem>>)
    %dma_wait3A_496 = arith.constant 0 : i32
    %dma_wait3A_497 = tpu.memref_slice %arg5[%dma_wait3A_496] : memref<2048xi32, #tpu.memory_space<vmem>> -> memref<64xi32, #tpu.memory_space<vmem>>
    %dma_wait3A_498 = arith.constant 0 : i32
    %dma_wait3A_499 = arith.constant 0 : i32
    %dma_wait3A_500 = tpu.memref_slice %arg2[%dma_wait3A_498, %dma_wait3A_499] : memref<8208x512xf32, #tpu.memory_space<hbm>> -> memref<8208x512xf32, #tpu.memory_space<hbm>>
    tpu.wait_indirect_dma semaphore(%arg9 : memref<!tpu.dma_semaphore, #tpu.memory_space<semaphore_mem>>) src(%dma_wait3A_500 : memref<8208x512xf32, #tpu.memory_space<hbm>>) dst(%arg6 : memref<64x512xf32, #tpu.memory_space<vmem>>)
    %add3A_501 = arith.constant 1536 : i32
    %add3A_502 = arith.addi %mul3A_2, %add3A_501 : i32
    %dma_start3A_503 = arith.constant 0 : i32
    %dma_start3A_504 = tpu.memref_slice %arg4[%add3A_502, %dma_start3A_503] : memref<65536x512xf32, #tpu.memory_space<hbm>> -> memref<64x512xf32, #tpu.memory_space<hbm>>
    %dma_start3A_505 = arith.constant 0 : i32
    %dma_start3A_506 = tpu.memref_slice %arg4[%add3A_502, %dma_start3A_505] : memref<65536x512xf32, #tpu.memory_space<hbm>> -> memref<64x512xf32, #tpu.memory_space<hbm>>
    tpu.enqueue_dma source(%arg6 : memref<64x512xf32, #tpu.memory_space<vmem>>) target(%dma_start3A_506 : memref<64x512xf32, #tpu.memory_space<hbm>>) target_semaphore(%arg12 : memref<!tpu.dma_semaphore, #tpu.memory_space<semaphore_mem>>)
    %dma_wait3A_507 = arith.constant 0 : i32
    %dma_wait3A_508 = tpu.memref_slice %arg4[%add3A_502, %dma_wait3A_507] : memref<65536x512xf32, #tpu.memory_space<hbm>> -> memref<64x512xf32, #tpu.memory_space<hbm>>
    %dma_wait3A_509 = arith.constant 0 : i32
    %dma_wait3A_510 = tpu.memref_slice %arg4[%add3A_502, %dma_wait3A_509] : memref<65536x512xf32, #tpu.memory_space<hbm>> -> memref<64x512xf32, #tpu.memory_space<hbm>>
    tpu.wait_dma2 semaphore(%arg12 : memref<!tpu.dma_semaphore, #tpu.memory_space<semaphore_mem>>) src(%arg6 : memref<64x512xf32, #tpu.memory_space<vmem>>) dst(%dma_wait3A_510 : memref<64x512xf32, #tpu.memory_space<hbm>>)
    %dma_start3A_511 = arith.constant 1728 : i32
    %dma_start3A_512 = tpu.memref_slice %arg5[%dma_start3A_511] : memref<2048xi32, #tpu.memory_space<vmem>> -> memref<64xi32, #tpu.memory_space<vmem>>
    %dma_start3A_513 = arith.constant 0 : i32
    %dma_start3A_514 = arith.constant 0 : i32
    %dma_start3A_515 = tpu.memref_slice %arg2[%dma_start3A_513, %dma_start3A_514] : memref<8208x512xf32, #tpu.memory_space<hbm>> -> memref<8208x512xf32, #tpu.memory_space<hbm>>
    tpu.enqueue_indirect_dma source(%dma_start3A_515 : memref<8208x512xf32, #tpu.memory_space<hbm>>) target(%arg6 : memref<64x512xf32, #tpu.memory_space<vmem>>) offsets(%dma_start3A_512 : memref<64xi32, #tpu.memory_space<vmem>>) semaphore(%arg9 : memref<!tpu.dma_semaphore, #tpu.memory_space<semaphore_mem>>)
    %dma_wait3A_516 = arith.constant 0 : i32
    %dma_wait3A_517 = tpu.memref_slice %arg5[%dma_wait3A_516] : memref<2048xi32, #tpu.memory_space<vmem>> -> memref<64xi32, #tpu.memory_space<vmem>>
    %dma_wait3A_518 = arith.constant 0 : i32
    %dma_wait3A_519 = arith.constant 0 : i32
    %dma_wait3A_520 = tpu.memref_slice %arg2[%dma_wait3A_518, %dma_wait3A_519] : memref<8208x512xf32, #tpu.memory_space<hbm>> -> memref<8208x512xf32, #tpu.memory_space<hbm>>
    tpu.wait_indirect_dma semaphore(%arg10 : memref<!tpu.dma_semaphore, #tpu.memory_space<semaphore_mem>>) src(%dma_wait3A_520 : memref<8208x512xf32, #tpu.memory_space<hbm>>) dst(%arg7 : memref<64x512xf32, #tpu.memory_space<vmem>>)
    %add3A_521 = arith.constant 1600 : i32
    %add3A_522 = arith.addi %mul3A_2, %add3A_521 : i32
    %dma_start3A_523 = arith.constant 0 : i32
    %dma_start3A_524 = tpu.memref_slice %arg4[%add3A_522, %dma_start3A_523] : memref<65536x512xf32, #tpu.memory_space<hbm>> -> memref<64x512xf32, #tpu.memory_space<hbm>>
    %dma_start3A_525 = arith.constant 0 : i32
    %dma_start3A_526 = tpu.memref_slice %arg4[%add3A_522, %dma_start3A_525] : memref<65536x512xf32, #tpu.memory_space<hbm>> -> memref<64x512xf32, #tpu.memory_space<hbm>>
    tpu.enqueue_dma source(%arg7 : memref<64x512xf32, #tpu.memory_space<vmem>>) target(%dma_start3A_526 : memref<64x512xf32, #tpu.memory_space<hbm>>) target_semaphore(%arg13 : memref<!tpu.dma_semaphore, #tpu.memory_space<semaphore_mem>>)
    %dma_wait3A_527 = arith.constant 0 : i32
    %dma_wait3A_528 = tpu.memref_slice %arg4[%add3A_522, %dma_wait3A_527] : memref<65536x512xf32, #tpu.memory_space<hbm>> -> memref<64x512xf32, #tpu.memory_space<hbm>>
    %dma_wait3A_529 = arith.constant 0 : i32
    %dma_wait3A_530 = tpu.memref_slice %arg4[%add3A_522, %dma_wait3A_529] : memref<65536x512xf32, #tpu.memory_space<hbm>> -> memref<64x512xf32, #tpu.memory_space<hbm>>
    tpu.wait_dma2 semaphore(%arg13 : memref<!tpu.dma_semaphore, #tpu.memory_space<semaphore_mem>>) src(%arg7 : memref<64x512xf32, #tpu.memory_space<vmem>>) dst(%dma_wait3A_530 : memref<64x512xf32, #tpu.memory_space<hbm>>)
    %dma_start3A_531 = arith.constant 1792 : i32
    %dma_start3A_532 = tpu.memref_slice %arg5[%dma_start3A_531] : memref<2048xi32, #tpu.memory_space<vmem>> -> memref<64xi32, #tpu.memory_space<vmem>>
    %dma_start3A_533 = arith.constant 0 : i32
    %dma_start3A_534 = arith.constant 0 : i32
    %dma_start3A_535 = tpu.memref_slice %arg2[%dma_start3A_533, %dma_start3A_534] : memref<8208x512xf32, #tpu.memory_space<hbm>> -> memref<8208x512xf32, #tpu.memory_space<hbm>>
    tpu.enqueue_indirect_dma source(%dma_start3A_535 : memref<8208x512xf32, #tpu.memory_space<hbm>>) target(%arg7 : memref<64x512xf32, #tpu.memory_space<vmem>>) offsets(%dma_start3A_532 : memref<64xi32, #tpu.memory_space<vmem>>) semaphore(%arg10 : memref<!tpu.dma_semaphore, #tpu.memory_space<semaphore_mem>>)
    %dma_wait3A_536 = arith.constant 0 : i32
    %dma_wait3A_537 = tpu.memref_slice %arg5[%dma_wait3A_536] : memref<2048xi32, #tpu.memory_space<vmem>> -> memref<64xi32, #tpu.memory_space<vmem>>
    %dma_wait3A_538 = arith.constant 0 : i32
    %dma_wait3A_539 = arith.constant 0 : i32
    %dma_wait3A_540 = tpu.memref_slice %arg2[%dma_wait3A_538, %dma_wait3A_539] : memref<8208x512xf32, #tpu.memory_space<hbm>> -> memref<8208x512xf32, #tpu.memory_space<hbm>>
    tpu.wait_indirect_dma semaphore(%arg11 : memref<!tpu.dma_semaphore, #tpu.memory_space<semaphore_mem>>) src(%dma_wait3A_540 : memref<8208x512xf32, #tpu.memory_space<hbm>>) dst(%arg8 : memref<64x512xf32, #tpu.memory_space<vmem>>)
    %add3A_541 = arith.constant 1664 : i32
    %add3A_542 = arith.addi %mul3A_2, %add3A_541 : i32
    %dma_start3A_543 = arith.constant 0 : i32
    %dma_start3A_544 = tpu.memref_slice %arg4[%add3A_542, %dma_start3A_543] : memref<65536x512xf32, #tpu.memory_space<hbm>> -> memref<64x512xf32, #tpu.memory_space<hbm>>
    %dma_start3A_545 = arith.constant 0 : i32
    %dma_start3A_546 = tpu.memref_slice %arg4[%add3A_542, %dma_start3A_545] : memref<65536x512xf32, #tpu.memory_space<hbm>> -> memref<64x512xf32, #tpu.memory_space<hbm>>
    tpu.enqueue_dma source(%arg8 : memref<64x512xf32, #tpu.memory_space<vmem>>) target(%dma_start3A_546 : memref<64x512xf32, #tpu.memory_space<hbm>>) target_semaphore(%arg14 : memref<!tpu.dma_semaphore, #tpu.memory_space<semaphore_mem>>)
    %dma_wait3A_547 = arith.constant 0 : i32
    %dma_wait3A_548 = tpu.memref_slice %arg4[%add3A_542, %dma_wait3A_547] : memref<65536x512xf32, #tpu.memory_space<hbm>> -> memref<64x512xf32, #tpu.memory_space<hbm>>
    %dma_wait3A_549 = arith.constant 0 : i32
    %dma_wait3A_550 = tpu.memref_slice %arg4[%add3A_542, %dma_wait3A_549] : memref<65536x512xf32, #tpu.memory_space<hbm>> -> memref<64x512xf32, #tpu.memory_space<hbm>>
    tpu.wait_dma2 semaphore(%arg14 : memref<!tpu.dma_semaphore, #tpu.memory_space<semaphore_mem>>) src(%arg8 : memref<64x512xf32, #tpu.memory_space<vmem>>) dst(%dma_wait3A_550 : memref<64x512xf32, #tpu.memory_space<hbm>>)
    %dma_start3A_551 = arith.constant 1856 : i32
    %dma_start3A_552 = tpu.memref_slice %arg5[%dma_start3A_551] : memref<2048xi32, #tpu.memory_space<vmem>> -> memref<64xi32, #tpu.memory_space<vmem>>
    %dma_start3A_553 = arith.constant 0 : i32
    %dma_start3A_554 = arith.constant 0 : i32
    %dma_start3A_555 = tpu.memref_slice %arg2[%dma_start3A_553, %dma_start3A_554] : memref<8208x512xf32, #tpu.memory_space<hbm>> -> memref<8208x512xf32, #tpu.memory_space<hbm>>
    tpu.enqueue_indirect_dma source(%dma_start3A_555 : memref<8208x512xf32, #tpu.memory_space<hbm>>) target(%arg8 : memref<64x512xf32, #tpu.memory_space<vmem>>) offsets(%dma_start3A_552 : memref<64xi32, #tpu.memory_space<vmem>>) semaphore(%arg11 : memref<!tpu.dma_semaphore, #tpu.memory_space<semaphore_mem>>)
    %dma_wait3A_556 = arith.constant 0 : i32
    %dma_wait3A_557 = tpu.memref_slice %arg5[%dma_wait3A_556] : memref<2048xi32, #tpu.memory_space<vmem>> -> memref<64xi32, #tpu.memory_space<vmem>>
    %dma_wait3A_558 = arith.constant 0 : i32
    %dma_wait3A_559 = arith.constant 0 : i32
    %dma_wait3A_560 = tpu.memref_slice %arg2[%dma_wait3A_558, %dma_wait3A_559] : memref<8208x512xf32, #tpu.memory_space<hbm>> -> memref<8208x512xf32, #tpu.memory_space<hbm>>
    tpu.wait_indirect_dma semaphore(%arg9 : memref<!tpu.dma_semaphore, #tpu.memory_space<semaphore_mem>>) src(%dma_wait3A_560 : memref<8208x512xf32, #tpu.memory_space<hbm>>) dst(%arg6 : memref<64x512xf32, #tpu.memory_space<vmem>>)
    %add3A_561 = arith.constant 1728 : i32
    %add3A_562 = arith.addi %mul3A_2, %add3A_561 : i32
    %dma_start3A_563 = arith.constant 0 : i32
    %dma_start3A_564 = tpu.memref_slice %arg4[%add3A_562, %dma_start3A_563] : memref<65536x512xf32, #tpu.memory_space<hbm>> -> memref<64x512xf32, #tpu.memory_space<hbm>>
    %dma_start3A_565 = arith.constant 0 : i32
    %dma_start3A_566 = tpu.memref_slice %arg4[%add3A_562, %dma_start3A_565] : memref<65536x512xf32, #tpu.memory_space<hbm>> -> memref<64x512xf32, #tpu.memory_space<hbm>>
    tpu.enqueue_dma source(%arg6 : memref<64x512xf32, #tpu.memory_space<vmem>>) target(%dma_start3A_566 : memref<64x512xf32, #tpu.memory_space<hbm>>) target_semaphore(%arg12 : memref<!tpu.dma_semaphore, #tpu.memory_space<semaphore_mem>>)
    %dma_wait3A_567 = arith.constant 0 : i32
    %dma_wait3A_568 = tpu.memref_slice %arg4[%add3A_562, %dma_wait3A_567] : memref<65536x512xf32, #tpu.memory_space<hbm>> -> memref<64x512xf32, #tpu.memory_space<hbm>>
    %dma_wait3A_569 = arith.constant 0 : i32
    %dma_wait3A_570 = tpu.memref_slice %arg4[%add3A_562, %dma_wait3A_569] : memref<65536x512xf32, #tpu.memory_space<hbm>> -> memref<64x512xf32, #tpu.memory_space<hbm>>
    tpu.wait_dma2 semaphore(%arg12 : memref<!tpu.dma_semaphore, #tpu.memory_space<semaphore_mem>>) src(%arg6 : memref<64x512xf32, #tpu.memory_space<vmem>>) dst(%dma_wait3A_570 : memref<64x512xf32, #tpu.memory_space<hbm>>)
    %dma_start3A_571 = arith.constant 1920 : i32
    %dma_start3A_572 = tpu.memref_slice %arg5[%dma_start3A_571] : memref<2048xi32, #tpu.memory_space<vmem>> -> memref<64xi32, #tpu.memory_space<vmem>>
    %dma_start3A_573 = arith.constant 0 : i32
    %dma_start3A_574 = arith.constant 0 : i32
    %dma_start3A_575 = tpu.memref_slice %arg2[%dma_start3A_573, %dma_start3A_574] : memref<8208x512xf32, #tpu.memory_space<hbm>> -> memref<8208x512xf32, #tpu.memory_space<hbm>>
    tpu.enqueue_indirect_dma source(%dma_start3A_575 : memref<8208x512xf32, #tpu.memory_space<hbm>>) target(%arg6 : memref<64x512xf32, #tpu.memory_space<vmem>>) offsets(%dma_start3A_572 : memref<64xi32, #tpu.memory_space<vmem>>) semaphore(%arg9 : memref<!tpu.dma_semaphore, #tpu.memory_space<semaphore_mem>>)
    %dma_wait3A_576 = arith.constant 0 : i32
    %dma_wait3A_577 = tpu.memref_slice %arg5[%dma_wait3A_576] : memref<2048xi32, #tpu.memory_space<vmem>> -> memref<64xi32, #tpu.memory_space<vmem>>
    %dma_wait3A_578 = arith.constant 0 : i32
    %dma_wait3A_579 = arith.constant 0 : i32
    %dma_wait3A_580 = tpu.memref_slice %arg2[%dma_wait3A_578, %dma_wait3A_579] : memref<8208x512xf32, #tpu.memory_space<hbm>> -> memref<8208x512xf32, #tpu.memory_space<hbm>>
    tpu.wait_indirect_dma semaphore(%arg10 : memref<!tpu.dma_semaphore, #tpu.memory_space<semaphore_mem>>) src(%dma_wait3A_580 : memref<8208x512xf32, #tpu.memory_space<hbm>>) dst(%arg7 : memref<64x512xf32, #tpu.memory_space<vmem>>)
    %add3A_581 = arith.constant 1792 : i32
    %add3A_582 = arith.addi %mul3A_2, %add3A_581 : i32
    %dma_start3A_583 = arith.constant 0 : i32
    %dma_start3A_584 = tpu.memref_slice %arg4[%add3A_582, %dma_start3A_583] : memref<65536x512xf32, #tpu.memory_space<hbm>> -> memref<64x512xf32, #tpu.memory_space<hbm>>
    %dma_start3A_585 = arith.constant 0 : i32
    %dma_start3A_586 = tpu.memref_slice %arg4[%add3A_582, %dma_start3A_585] : memref<65536x512xf32, #tpu.memory_space<hbm>> -> memref<64x512xf32, #tpu.memory_space<hbm>>
    tpu.enqueue_dma source(%arg7 : memref<64x512xf32, #tpu.memory_space<vmem>>) target(%dma_start3A_586 : memref<64x512xf32, #tpu.memory_space<hbm>>) target_semaphore(%arg13 : memref<!tpu.dma_semaphore, #tpu.memory_space<semaphore_mem>>)
    %dma_wait3A_587 = arith.constant 0 : i32
    %dma_wait3A_588 = tpu.memref_slice %arg4[%add3A_582, %dma_wait3A_587] : memref<65536x512xf32, #tpu.memory_space<hbm>> -> memref<64x512xf32, #tpu.memory_space<hbm>>
    %dma_wait3A_589 = arith.constant 0 : i32
    %dma_wait3A_590 = tpu.memref_slice %arg4[%add3A_582, %dma_wait3A_589] : memref<65536x512xf32, #tpu.memory_space<hbm>> -> memref<64x512xf32, #tpu.memory_space<hbm>>
    tpu.wait_dma2 semaphore(%arg13 : memref<!tpu.dma_semaphore, #tpu.memory_space<semaphore_mem>>) src(%arg7 : memref<64x512xf32, #tpu.memory_space<vmem>>) dst(%dma_wait3A_590 : memref<64x512xf32, #tpu.memory_space<hbm>>)
    %dma_start3A_591 = arith.constant 1984 : i32
    %dma_start3A_592 = tpu.memref_slice %arg5[%dma_start3A_591] : memref<2048xi32, #tpu.memory_space<vmem>> -> memref<64xi32, #tpu.memory_space<vmem>>
    %dma_start3A_593 = arith.constant 0 : i32
    %dma_start3A_594 = arith.constant 0 : i32
    %dma_start3A_595 = tpu.memref_slice %arg2[%dma_start3A_593, %dma_start3A_594] : memref<8208x512xf32, #tpu.memory_space<hbm>> -> memref<8208x512xf32, #tpu.memory_space<hbm>>
    tpu.enqueue_indirect_dma source(%dma_start3A_595 : memref<8208x512xf32, #tpu.memory_space<hbm>>) target(%arg7 : memref<64x512xf32, #tpu.memory_space<vmem>>) offsets(%dma_start3A_592 : memref<64xi32, #tpu.memory_space<vmem>>) semaphore(%arg10 : memref<!tpu.dma_semaphore, #tpu.memory_space<semaphore_mem>>)
    %dma_wait3A_596 = arith.constant 0 : i32
    %dma_wait3A_597 = tpu.memref_slice %arg5[%dma_wait3A_596] : memref<2048xi32, #tpu.memory_space<vmem>> -> memref<64xi32, #tpu.memory_space<vmem>>
    %dma_wait3A_598 = arith.constant 0 : i32
    %dma_wait3A_599 = arith.constant 0 : i32
    %dma_wait3A_600 = tpu.memref_slice %arg2[%dma_wait3A_598, %dma_wait3A_599] : memref<8208x512xf32, #tpu.memory_space<hbm>> -> memref<8208x512xf32, #tpu.memory_space<hbm>>
    tpu.wait_indirect_dma semaphore(%arg11 : memref<!tpu.dma_semaphore, #tpu.memory_space<semaphore_mem>>) src(%dma_wait3A_600 : memref<8208x512xf32, #tpu.memory_space<hbm>>) dst(%arg8 : memref<64x512xf32, #tpu.memory_space<vmem>>)
    %add3A_601 = arith.constant 1856 : i32
    %add3A_602 = arith.addi %mul3A_2, %add3A_601 : i32
    %dma_start3A_603 = arith.constant 0 : i32
    %dma_start3A_604 = tpu.memref_slice %arg4[%add3A_602, %dma_start3A_603] : memref<65536x512xf32, #tpu.memory_space<hbm>> -> memref<64x512xf32, #tpu.memory_space<hbm>>
    %dma_start3A_605 = arith.constant 0 : i32
    %dma_start3A_606 = tpu.memref_slice %arg4[%add3A_602, %dma_start3A_605] : memref<65536x512xf32, #tpu.memory_space<hbm>> -> memref<64x512xf32, #tpu.memory_space<hbm>>
    tpu.enqueue_dma source(%arg8 : memref<64x512xf32, #tpu.memory_space<vmem>>) target(%dma_start3A_606 : memref<64x512xf32, #tpu.memory_space<hbm>>) target_semaphore(%arg14 : memref<!tpu.dma_semaphore, #tpu.memory_space<semaphore_mem>>)
    %dma_wait3A_607 = arith.constant 0 : i32
    %dma_wait3A_608 = tpu.memref_slice %arg4[%add3A_602, %dma_wait3A_607] : memref<65536x512xf32, #tpu.memory_space<hbm>> -> memref<64x512xf32, #tpu.memory_space<hbm>>
    %dma_wait3A_609 = arith.constant 0 : i32
    %dma_wait3A_610 = tpu.memref_slice %arg4[%add3A_602, %dma_wait3A_609] : memref<65536x512xf32, #tpu.memory_space<hbm>> -> memref<64x512xf32, #tpu.memory_space<hbm>>
    tpu.wait_dma2 semaphore(%arg14 : memref<!tpu.dma_semaphore, #tpu.memory_space<semaphore_mem>>) src(%arg8 : memref<64x512xf32, #tpu.memory_space<vmem>>) dst(%dma_wait3A_610 : memref<64x512xf32, #tpu.memory_space<hbm>>)
    %dma_wait3A_611 = arith.constant 0 : i32
    %dma_wait3A_612 = tpu.memref_slice %arg5[%dma_wait3A_611] : memref<2048xi32, #tpu.memory_space<vmem>> -> memref<64xi32, #tpu.memory_space<vmem>>
    %dma_wait3A_613 = arith.constant 0 : i32
    %dma_wait3A_614 = arith.constant 0 : i32
    %dma_wait3A_615 = tpu.memref_slice %arg2[%dma_wait3A_613, %dma_wait3A_614] : memref<8208x512xf32, #tpu.memory_space<hbm>> -> memref<8208x512xf32, #tpu.memory_space<hbm>>
    tpu.wait_indirect_dma semaphore(%arg9 : memref<!tpu.dma_semaphore, #tpu.memory_space<semaphore_mem>>) src(%dma_wait3A_615 : memref<8208x512xf32, #tpu.memory_space<hbm>>) dst(%arg6 : memref<64x512xf32, #tpu.memory_space<vmem>>)
    %add3A_616 = arith.constant 1920 : i32
    %add3A_617 = arith.addi %mul3A_2, %add3A_616 : i32
    %dma_start3A_618 = arith.constant 0 : i32
    %dma_start3A_619 = tpu.memref_slice %arg4[%add3A_617, %dma_start3A_618] : memref<65536x512xf32, #tpu.memory_space<hbm>> -> memref<64x512xf32, #tpu.memory_space<hbm>>
    %dma_start3A_620 = arith.constant 0 : i32
    %dma_start3A_621 = tpu.memref_slice %arg4[%add3A_617, %dma_start3A_620] : memref<65536x512xf32, #tpu.memory_space<hbm>> -> memref<64x512xf32, #tpu.memory_space<hbm>>
    tpu.enqueue_dma source(%arg6 : memref<64x512xf32, #tpu.memory_space<vmem>>) target(%dma_start3A_621 : memref<64x512xf32, #tpu.memory_space<hbm>>) target_semaphore(%arg12 : memref<!tpu.dma_semaphore, #tpu.memory_space<semaphore_mem>>)
    %dma_wait3A_622 = arith.constant 0 : i32
    %dma_wait3A_623 = tpu.memref_slice %arg4[%add3A_617, %dma_wait3A_622] : memref<65536x512xf32, #tpu.memory_space<hbm>> -> memref<64x512xf32, #tpu.memory_space<hbm>>
    %dma_wait3A_624 = arith.constant 0 : i32
    %dma_wait3A_625 = tpu.memref_slice %arg4[%add3A_617, %dma_wait3A_624] : memref<65536x512xf32, #tpu.memory_space<hbm>> -> memref<64x512xf32, #tpu.memory_space<hbm>>
    tpu.wait_dma2 semaphore(%arg12 : memref<!tpu.dma_semaphore, #tpu.memory_space<semaphore_mem>>) src(%arg6 : memref<64x512xf32, #tpu.memory_space<vmem>>) dst(%dma_wait3A_625 : memref<64x512xf32, #tpu.memory_space<hbm>>)
    %dma_wait3A_626 = arith.constant 0 : i32
    %dma_wait3A_627 = tpu.memref_slice %arg5[%dma_wait3A_626] : memref<2048xi32, #tpu.memory_space<vmem>> -> memref<64xi32, #tpu.memory_space<vmem>>
    %dma_wait3A_628 = arith.constant 0 : i32
    %dma_wait3A_629 = arith.constant 0 : i32
    %dma_wait3A_630 = tpu.memref_slice %arg2[%dma_wait3A_628, %dma_wait3A_629] : memref<8208x512xf32, #tpu.memory_space<hbm>> -> memref<8208x512xf32, #tpu.memory_space<hbm>>
    tpu.wait_indirect_dma semaphore(%arg10 : memref<!tpu.dma_semaphore, #tpu.memory_space<semaphore_mem>>) src(%dma_wait3A_630 : memref<8208x512xf32, #tpu.memory_space<hbm>>) dst(%arg7 : memref<64x512xf32, #tpu.memory_space<vmem>>)
    %add3A_631 = arith.constant 1984 : i32
    %add3A_632 = arith.addi %mul3A_2, %add3A_631 : i32
    %dma_start3A_633 = arith.constant 0 : i32
    %dma_start3A_634 = tpu.memref_slice %arg4[%add3A_632, %dma_start3A_633] : memref<65536x512xf32, #tpu.memory_space<hbm>> -> memref<64x512xf32, #tpu.memory_space<hbm>>
    %dma_start3A_635 = arith.constant 0 : i32
    %dma_start3A_636 = tpu.memref_slice %arg4[%add3A_632, %dma_start3A_635] : memref<65536x512xf32, #tpu.memory_space<hbm>> -> memref<64x512xf32, #tpu.memory_space<hbm>>
    tpu.enqueue_dma source(%arg7 : memref<64x512xf32, #tpu.memory_space<vmem>>) target(%dma_start3A_636 : memref<64x512xf32, #tpu.memory_space<hbm>>) target_semaphore(%arg13 : memref<!tpu.dma_semaphore, #tpu.memory_space<semaphore_mem>>)
    %dma_wait3A_637 = arith.constant 0 : i32
    %dma_wait3A_638 = tpu.memref_slice %arg4[%add3A_632, %dma_wait3A_637] : memref<65536x512xf32, #tpu.memory_space<hbm>> -> memref<64x512xf32, #tpu.memory_space<hbm>>
    %dma_wait3A_639 = arith.constant 0 : i32
    %dma_wait3A_640 = tpu.memref_slice %arg4[%add3A_632, %dma_wait3A_639] : memref<65536x512xf32, #tpu.memory_space<hbm>> -> memref<64x512xf32, #tpu.memory_space<hbm>>
    tpu.wait_dma2 semaphore(%arg13 : memref<!tpu.dma_semaphore, #tpu.memory_space<semaphore_mem>>) src(%arg7 : memref<64x512xf32, #tpu.memory_space<vmem>>) dst(%dma_wait3A_640 : memref<64x512xf32, #tpu.memory_space<hbm>>)
    return
  }
}

</mosaic_0001>

<sc_bundles>
// kernel: _sc_call.3.cloned.1.call-start
scs
__scs_entry_jumppad:
0x0: {  	(pc) =	sbr.rel $0x88, $3  }
0x1: {  	(tag) =	ssettag $0x0;
	lr =	simm.s32 $0x1  }
0x2: {  	[smem:$0x3F9F] =	sst lr;
	_ =	strace $0xD0000000  }
0x3: {  	_ = 	snop  }
0x4: {  	_ = 	snop  }
0x5: {  	_ = 	snop  }
0x6: {  	_ = 	snop  }
0x7: {  	_ = 	snop  }
__scs_overlays_trampoline_lowered:
0x8: {  	[smem:$0x3FAE] =	sst s0  }
0x9: {  	[smem:$0x3FAF] =	sst s1  }
0xa: {  	[smem:$0x3FB0] =	sst s2  }
0xb: {  	[smem:$0x3FB1] =	sst s3  }
0xc: {  	[smem:$0x3FB2] =	sst s4  }
0xd: {  	[smem:$0x3FB3] =	sst s5  }
0xe: {  	[smem:$0x3FB4] =	sst s6  }
0xf: {  	[smem:$0x3FB5] =	sst s7  }
0x10: {  	[smem:$0x3FB6] =	sst s8  }
0x11: {  	[smem:$0x3FB7] =	sst s9;
	s0 =	simm.s32 @!p0 $0x0  }
0x12: {  	s1 =	sld [smem:$0x3F9D];
	s0 =	simm.s32 @p0 $0x1  }
0x13: {  	[smem:$0x3FB8] =	sst s0;
	s0 =	simm.s32 @!p1 $0x0  }
0x14: {  	s2 =	sld [smem:$0x3F9C];
	s0 =	simm.s32 @p1 $0x1  }
0x15: {  	[smem:$0x3FB9] =	sst s0;
	s0 =	simm.s32 @!p2 $0x0  }
0x16: {  	s3 =	sld [smem:$0x3FDB];
	s0 =	simm.s32 @p2 $0x1  }
0x17: {  	s4 =	simm.s32 $0x1BF5;
	[smem:$0x3FBB] =	sst s0  }
0x18: {  	s0 =	sld [smem:$0x3F9E];
	_ =	swait.ge [sflag:s4], $0x0  }
0x19: {  	s7 =	sld [smem:$0x3F9F]  }
0x1a: {  	s8 =	sadd.s32 $0xFFFFE003, lr  }
0x1b: {  	s9 =	sadd.s32 $0xFFFFFEF7, lr;
	s5 =	simm.s32 $0xFFFFFFFF;
	p2 =	slt.u32 s8, $0xFFFFF086  }
0x1c: {  	p1 =	slt.u32 s9, $0xF7A;
	s5 =	simm.s32 @!p2 $0x0  }
0x1d: {  	s5 =	simm.s32 @p1 $0x1;
	p0 =	seq.s32 s7, s2  }
0x1e: {  	s7 =	smul.u32 @!p0 $0xF7A, s2;
	p2 =	seq.s32 @!p0 s5, $0x0  }
0x1f: {  	s9 =	smul.u32 $0xF7A, s1;
	s8 =	simm.s32 @!p0 $0x1BF5;
	p2 =	por !p2, p0  }
0x20: {  	[sflag:s8] =	ssyncset.s32 @!p0 $0xFFFFF086;
	s6 =	sadd.s32 @!p0 s3, s7;
	s7 =	simm.s32 @!p0 $0x108  }
0x21: {  	s3 =	sadd.s32 s3, s9;
	s6 =	sadd.s32 @!p0 $0x88, s6;
	s7 =	simm.s32 @p2 $0x1082  }
0x22: {  	[simem:s7], [sflag:s8] =	dma.local @!p0 [hbm:s6], $0xF7A  }
0x23: {  	s9 =	sor.u32 $0xD0000000, s2;
	s6 =	simm.s32 $0x108;
	_ =	swait.ge @!p0 [sflag:s8], $0x0  }
0x24: {  	s3 =	sadd.s32 $0x88, s3;
	s6 =	simm.s32 @!p1 $0x1082;
	[sflag:s4] =	ssyncset.s32 $0xFFFFF086  }
0x25: {  	[simem:s6], [sflag:s4] =	dma.local [hbm:s3], $0xF7A  }
0x26: {  	[smem:$0x3F9F] =	sst s1;
	(tag) =	ssettag s2;
	_ =	strace s9  }
0x27: {  	s1 =	sld [smem:$0x3FAF]  }
0x28: {  	s2 =	sld [smem:$0x3FB0]  }
0x29: {  	s4 =	sld [smem:$0x3FB2]  }
0x2a: {  	p0 =	seq.s32 s5, $0x0;
	s5 =	sld [smem:$0x3FB3]  }
0x2b: {  	s6 =	sld [smem:$0x3FB4]  }
0x2c: {  	s7 =	sld [smem:$0x3FB5]  }
0x2d: {  	s3 =	simm.s32 $0x108;
	s8 =	sld [smem:$0x3FB6]  }
0x2e: {  	s3 =	simm.s32 @!p0 $0x1082;
	s9 =	sld [smem:$0x3FB7]  }
0x2f: {  	lr =	sadd.s32 s0, s3;
	s0 =	sld [smem:$0x3FAE]  }
0x30: {  	s3 =	sld [smem:$0x3FB1]  }
0x31: {  	[smem:$0x3FBA] =	sst s10  }
0x32: {  	s10 =	sld [smem:$0x3FB8];
	_ =	sdelay $0x3  }
0x33: {  	p0 =	seq.s32 s10, $0x1;
	s10 =	sld [smem:$0x3FBA];
	_ =	sdelay $0x3  }
0x34: {  	[smem:$0x3FBA] =	sst s10  }
0x35: {  	s10 =	sld [smem:$0x3FB9];
	_ =	sdelay $0x3  }
0x36: {  	p1 =	seq.s32 s10, $0x1;
	s10 =	sld [smem:$0x3FBA];
	_ =	sdelay $0x3  }
0x37: {  	[smem:$0x3FBA] =	sst s10  }
0x38: {  	s10 =	sld [smem:$0x3FBB]  }
0x39: {  	_ = 	snop;
	(pc) =	sbr.ind lr, $3  }
0x3a: {  	_ = 	snop  }
0x3b: {  	_ = 	snop  }
0x3c: {  	p2 =	seq.s32 s10, $0x1;
	s10 =	sld [smem:$0x3FBA]  }
0x3d: {  	_ =	shalt  }
0x3e: {  	_ =	shalt  }
0x3f: {  	_ =	shalt  }
0x40: {  	_ =	shalt  }
0x41: {  	_ =	shalt  }
0x42: {  	_ =	shalt  }
0x43: {  	_ =	shalt  }
0x44: {  	_ =	shalt  }
0x45: {  	_ =	shalt  }
0x46: {  	_ =	shalt  }
0x47: {  	_ =	shalt  }
0x48: {  	_ =	shalt  }
0x49: {  	_ =	shalt  }
0x4a: {  	_ =	shalt  }
0x4b: {  	_ =	shalt  }
0x4c: {  	_ =	shalt  }
0x4d: {  	_ =	shalt  }
0x4e: {  	_ =	shalt  }
0x4f: {  	_ =	shalt  }
0x50: {  	_ =	shalt  }
0x51: {  	_ =	shalt  }
0x52: {  	_ =	shalt  }
0x53: {  	_ =	shalt  }
0x54: {  	_ =	shalt  }
0x55: {  	_ =	shalt  }
0x56: {  	_ =	shalt  }
0x57: {  	_ =	shalt  }
0x58: {  	_ =	shalt  }
0x59: {  	_ =	shalt  }
0x5a: {  	_ =	shalt  }
0x5b: {  	_ =	shalt  }
0x5c: {  	_ =	shalt  }
0x5d: {  	_ =	shalt  }
0x5e: {  	_ =	shalt  }
0x5f: {  	_ =	shalt  }
0x60: {  	_ =	shalt  }
0x61: {  	_ =	shalt  }
0x62: {  	_ =	shalt  }
0x63: {  	_ =	shalt  }
0x64: {  	_ =	shalt  }
0x65: {  	_ =	shalt  }
0x66: {  	_ =	shalt  }
0x67: {  	_ =	shalt  }
0x68: {  	_ =	shalt  }
0x69: {  	_ =	shalt  }
0x6a: {  	_ =	shalt  }
0x6b: {  	_ =	shalt  }
0x6c: {  	_ =	shalt  }
0x6d: {  	_ =	shalt  }
0x6e: {  	_ =	shalt  }
0x6f: {  	_ =	shalt  }
0x70: {  	_ =	shalt  }
0x71: {  	_ =	shalt  }
0x72: {  	_ =	shalt  }
0x73: {  	_ =	shalt  }
0x74: {  	_ =	shalt  }
0x75: {  	_ =	shalt  }
0x76: {  	_ =	shalt  }
0x77: {  	_ =	shalt  }
0x78: {  	_ =	shalt  }
0x79: {  	_ =	shalt  }
0x7a: {  	_ =	shalt  }
0x7b: {  	_ =	shalt  }
0x7c: {  	_ =	shalt  }
0x7d: {  	_ =	shalt  }
0x7e: {  	_ =	shalt  }
0x7f: {  	_ =	shalt  }
0x80: {  	_ =	shalt  }
0x81: {  	_ =	shalt  }
0x82: {  	_ =	shalt  }
0x83: {  	_ =	shalt  }
0x84: {  	_ =	shalt  }
0x85: {  	_ =	shalt  }
0x86: {  	_ =	shalt  }
0x87: {  	_ =	shalt  }
.Lfunc_end0:
.L_simem_size_0:
called_computation_lowered:
.L_overlay_start_0:
0x88: {  	s2 =	sld [smem:$0x3FD9]  }
0x89: {  	s3 =	sld [smem:$0x3FFE];
	_ =	sdelay $0x1  }
0x8a: {  	s1 =	srdreg.scid  }
0x8b: {  	s0 =	sand.u32 $0x1, s1  }
0x8c: {  	s18 =	sshll.u32 s0, $0xA;
	s2 =	sadd.s32 s3, s2  }
0x8d: {  	s2 =	sadd.s32 s2, s18  }
0x8e: {  	[smem:$0x3FC6] =	sst s2  }
0x8f: {  	_ = 	snop  }
0x90: {  	s2 =	sld [smem:$0x3FC9]  }
0x91: {  	s19 =	sld [smem:$0x3FC8]  }
0x92: {  	s4 =	sld [smem:$0x3FD0];
	(tm) =	ssettm $0x1  }
0x93: {  	s5 =	sld [smem:$0x3FFB];
	_ =	sdelay $0x3  }
0x94: {  	_ =	strace s5  }
0x95: {  	s5 =	sld [smem:$0x3FFC];
	_ =	sdelay $0x3  }
0x96: {  	_ =	strace s5  }
0x97: {  	s5 =	sld [smem:$0x3FFD];
	_ =	sdelay $0x3  }
0x98: {  	_ =	strace s5  }
0x99: {  	_ =	strace $0x8FFFFFFF  }
0x9a: {  	s20 =	sld [smem:$0x3FDB];
	_ =	sdelay $0x1  }
0x9b: {  	s6 =	simm.s32 $_scs_section_size  }
0x9c: {  	s7 =	simm.s32 $_size__tile_overlayer_lowered;
	s8 =	simm.s32 $_tile_overlayer_lowered  }
0x9d: {  	s23 =	simm.s32 $0x1BFF;
	s22 =	sshll.u32 s8, $0x1;
	s5 =	sadd.s32 s6, s20  }
0x9e: {  	s9 =	simm.s32 $0x0;
	s21 =	sshll.u32 s7, $0x1;
	s7 =	sadd.s32 s22, s5  }
0x9f: {  	[timem:s9], [sflag:s23] =	dma.local [hbm:s7], s21  }
0xa0: {  	_ =	swait.ge [sflag:s23], s21  }
0xa1: {  	s6 =	ssub.s32 $0x0, s21;
	[sflag:s23] =	ssyncset.done $0x0  }
0xa2: {  	[sflag:s23] =	ssyncadd.s32 s6;
	_ =	sdelay $0x1  }
0xa3: {  	s24 =	simm.s32 $0x1B8B  }
0xa4: {  	_ =	swait.ge [sflag:s24], $0x1  }
0xa5: {  	[sflag:s24] =	ssyncset.done $0x0  }
0xa6: {  	s25 =	simm.s32 $0x1B8E;
	[sflag:s24] =	ssyncadd.s32 $0xFFFFFFFF  }
0xa7: {  	s26 =	simm.s32 $execute0_lowered;
	[smem:$0x3FD2] =	sst s25  }
0xa8: {  	s6 =	sshll.u32 s26, $0x1;
	_ =	strace $0x80000046;
	[dreg:$0x1] =	wrdreg $0xFFFFFFFF  }
0xa9: {  	s28 =	simm.s32 $_size_execute0_lowered;
	s5 =	sadd.s32 s5, s6;
	[dreg:$0x0] =	wrdreg $0x0  }
0xaa: {  	s6 =	sshll.u32 s28, $0x1;
	[dreg:$0x2] =	wrdreg s5  }
0xab: {  	[dreg:$0x3] =	wrdreg s6  }
0xac: {  	[dreg:$0x4] =	wrdreg $0xC0  }
0xad: {  	_ =	task [dreg:s9], $0x5FFFF  }
0xae: {  	[dreg:$0x1] =	wrdreg $0xFFFFFFFF  }
0xaf: {  	[dreg:$0x0] =	wrdreg $0x60  }
0xb0: {  	[dreg:$0x2] =	wrdreg s2  }
0xb1: {  	[dreg:$0x3] =	wrdreg s19  }
0xb2: {  	[dreg:$0x4] =	wrdreg s4  }
0xb3: {  	[dreg:$0x5] =	wrdreg $0x9  }
0xb4: {  	_ =	task.clear_ibuf [dreg:s9], $0x6FFFF;
	_ =	strace $0x90000046  }
0xb5: {  	s29 =	simm.s32 $0x9;
	_ =	strace $0x80000048  }
0xb6: {  	_ =	swait.ge [sflag:s29], $0x1  }
0xb7: {  	[sflag:s29] =	ssyncadd.s32 $0xFFFFFFFF  }
0xb8: {  	_ =	strace $0x90000048  }
0xb9: {  	_ =	sfence  }
0xba: {  	s30 =	sld [smem:$0x0];
	_ =	sdelay $0x2  }
0xbb: {  	s31 =	sshll.u32 s1, $0xD;
	s1 =	sshrl.u32 s1, $0x2  }
0xbc: {  	s3 =	sand.u32 $0x4000, s31;
	s1 =	sadd.s32 s1, s30  }
0xbd: {  	s0 =	sor.u32 s3, s0;
	s1 =	sshll.u32 s1, $0x11  }
0xbe: {  	s0 =	sor.u32 s1, s0  }
0xbf: {  	s0 =	sadd.s32 $0x8F2B, s0  }
0xc0: {  	[sflag:s0] =	ssyncadd.remote.s32 $0x1  }
0xc1: {  	_ =	sfence.sel $0xFFFF  }
0xc2: {  	[dreg:$0x0] =	wrdreg $0xFFFFFFFF;
	(pc) =	sbr.abs _section_cstart, $3  }
0xc3: {  	[dreg:$0x1] =	wrdreg $0xFFFFFFFF  }
0xc4: {  	_ =	task.clear_ibuf [dreg:s9], $0x2FFFF;
	_ =	strace $0x9FFFFFFF  }
0xc5: {  	(tm) =	ssettm $0x7FFFFFFF  }
tec
execute0_lowered:
.L_overlay_start_1:
0x0: {  	(tag) =	ssettag $0x1  }
0x1: {  	s0 =	srdreg.scid  }
0x2: {  	s3 =	stileid.u32;
	s0 =	sand.u32 $0x1, s0  }
0x3: {  	s1 =	rddreg [dreg:$0x0];
	s6 =	sshll.u32 s3, $0xB;
	s5 =	sshll.u32 s0, $0xF  }
0x4: {  	s2 =	rddreg [dreg:$0x1];
	s5 =	sor.u32 s6, s5  }
0x5: {  	s4 =	rddreg [dreg:$0x2];
	s3 =	simm.s32 $0x0;
	s6 =	sshrl.u32 s5, $0x3  }
0x6: {  	[smem:$0x7FF] =	sst s3;
	s5 =	sshll.u32 s5, $0x6;
	s2 =	sadd.s32 s2, s6  }
0x7: {  	_ =	strace $0x80000047;
	s6 =	sadd.s32 s4, s5;
	[dreg:$0x4] =	wrdreg s2  }
0x8: {  	s25 =	sadd.s32 $0x1000, s6;
	[smem:$0x7FC] =	sst s6  }
0x9: {  	s26 =	sadd.s32 $0x2000, s6;
	[dreg:$0x5] =	wrdreg s25  }
0xa: {  	s28 =	sadd.s32 $0x3000, s6;
	[dreg:$0x6] =	wrdreg s26  }
0xb: {  	s29 =	sadd.s32 $0x4000, s6;
	[dreg:$0x7] =	wrdreg s28  }
0xc: {  	s30 =	sadd.s32 $0x5000, s6;
	[dreg:$0x8] =	wrdreg s29  }
0xd: {  	s31 =	sadd.s32 $0x6000, s6;
	[dreg:$0x9] =	wrdreg s30  }
0xe: {  	s4 =	sadd.s32 $0x7000, s6;
	[dreg:$0xa] =	wrdreg s31  }
0xf: {  	s5 =	sadd.s32 $0x8000, s6;
	[dreg:$0xb] =	wrdreg s4  }
0x10: {  	s7 =	sadd.s32 $0x9000, s6;
	[dreg:$0xc] =	wrdreg s5  }
0x11: {  	s8 =	sadd.s32 $0xA000, s6;
	[dreg:$0xd] =	wrdreg s7  }
0x12: {  	s9 =	sadd.s32 $0xB000, s6;
	[dreg:$0xe] =	wrdreg s8  }
0x13: {  	s10 =	sadd.s32 $0xC000, s6;
	[dreg:$0xf] =	wrdreg s9  }
0x14: {  	s11 =	sadd.s32 $0xD000, s6;
	[dreg:$0x10] =	wrdreg s10  }
0x15: {  	s12 =	sadd.s32 $0xE000, s6;
	[dreg:$0x11] =	wrdreg s11  }
0x16: {  	s13 =	sadd.s32 $0xF000, s6;
	[dreg:$0x12] =	wrdreg s12  }
0x17: {  	s14 =	sadd.s32 $0x10000, s6;
	[dreg:$0x13] =	wrdreg s13  }
0x18: {  	s15 =	sadd.s32 $0x11000, s6;
	[dreg:$0x14] =	wrdreg s14  }
0x19: {  	s16 =	sadd.s32 $0x12000, s6;
	[dreg:$0x15] =	wrdreg s15  }
0x1a: {  	s17 =	sadd.s32 $0x13000, s6;
	[dreg:$0x16] =	wrdreg s16  }
0x1b: {  	s18 =	sadd.s32 $0x14000, s6;
	[dreg:$0x17] =	wrdreg s17  }
0x1c: {  	s19 =	sadd.s32 $0x15000, s6;
	[dreg:$0x18] =	wrdreg s18  }
0x1d: {  	s20 =	sadd.s32 $0x16000, s6;
	[dreg:$0x19] =	wrdreg s19  }
0x1e: {  	s21 =	sadd.s32 $0x17000, s6;
	[dreg:$0x1a] =	wrdreg s20  }
0x1f: {  	s22 =	sadd.s32 $0x18000, s6;
	[dreg:$0x1b] =	wrdreg s21  }
0x20: {  	s23 =	sadd.s32 $0x19000, s6;
	[dreg:$0x1c] =	wrdreg s22  }
0x21: {  	s0 =	ssub.s32 $0x2, s0;
	s24 =	sadd.s32 $0x1A000, s6;
	[dreg:$0x1d] =	wrdreg s23  }
0x22: {  	[dreg:$0x1e] =	wrdreg s24;
	s25 =	sadd.s32 $0x1B000, s6;
	s26 =	sadd.s32 $0x1C000, s6  }
0x23: {  	s28 =	sshrl.u32 s0, $0x1;
	s29 =	sadd.s32 $0x1D000, s6;
	s30 =	sadd.s32 $0x1E000, s6  }
0x24: {  	s5 =	sadd.s32 $0x100, s1;
	s31 =	sadd.s32 $0x1F000, s6;
	[dreg:$0x1f] =	wrdreg s25  }
0x25: {  	s15 =	simm.s32 $0x1;
	s16 =	simm.s32 $0x4;
	[smem:$0x7F9] =	sst s26  }
0x26: {  	v2 =	vlaneseq.u32;
	s17 =	simm.s32 $0x2;
	s18 =	simm.s32 $0x5;
	[smem:$0x7FA] =	sst s29  }
0x27: {  	vm0 =	vmmov $0xffff;
	v1 =	vshrl.u32 v2, $0x3;
	s19 =	simm.s32 $0x3;
	s0 =	ssub.s32 s0, s28;
	[smem:$0x7FB] =	sst s30  }
0x28: {  	v0 =	vand.u32 $0x7, v2;
	v2 =	vor.u32 $0x8, v2;
	v1 =	vmul.u32 $0x8, v1;
	s20 =	simm.s32 $0x6;
	[smem:$0x7FD] =	sst s31;
	s0 =	smax.u32 s0, $0x1  }
.LBB2_1:
0x29: {  	[smem:$0x7F8] =	sst s0  }
0x2a: {  	s21 =	rddreg [dreg:$0x4];
	s23 =	simm.s32 $0x7  }
0x2b: {  	[tilespmem:s3], [sflag:$0x7] =	stream.linear.gather [hbm4b:s21+s3], $0x800, $0x38;
	[tilespmem:$0x18800] =	vst v63  }
0x2c: {  	_ =	swait.ge [sflag:s23], $0x800  }
0x2d: {  	[sflag:s23] =	ssyncset.done $0x0  }
0x2e: {  	[sflag:s23] =	ssyncadd.s32 $0xFFFFF800  }
0x2f: {  	v3 =	vld [tilespmem:$0x0];
	_ =	sdelay $0x4  }
0x30: {  	v4 =	vshll.u32 v3, $0x2  }
0x31: {  	v3 =	vand.u32 $0x7, v3;
	v4 =	vand.u32 $0xFFFFFFE0, v4  }
0x32: {  	v3 =	vor.u32 v3, v4  }
0x33: {  	v4 =	vperm.xlane v3, v0;
	_ =	sdelay $0x1  }
0x34: {  	v4 =	vadd.s32 v1, v4;
	_ =	sdelay $0x1  }
0x35: {  	v3 =	vperm.xlane v3, v2;
	_ =	sdelay $0x1  }
0x36: {  	s24 =	simm.s32 $0x800;
	v3 =	vadd.s32 v1, v3  }
0x37: {  	[tilespmem:s24], [sflag:$0x1] =	stream.indirect_vreg.gather [hbm4b:s1+s3], $0x80, v4, vm0, $0xb8;
	[tilespmem:$0x18800] =	vst v63  }
0x38: {  	s25 =	simm.s32 $0x1000  }
0x39: {  	[tilespmem:s25], [sflag:$0x1] =	stream.indirect_vreg.gather [hbm4b:s5+s3], $0x80, v4, vm0, $0xb8;
	[tilespmem:$0x18800] =	vst v63  }
0x3a: {  	s26 =	simm.s32 $0x1800  }
0x3b: {  	[tilespmem:s26], [sflag:$0x1] =	stream.indirect_vreg.gather [hbm4b:s1+s3], $0x80, v3, vm0, $0xb8;
	[tilespmem:$0x18800] =	vst v63  }
0x3c: {  	s28 =	simm.s32 $0x2000  }
0x3d: {  	[tilespmem:s28], [sflag:$0x1] =	stream.indirect_vreg.gather [hbm4b:s5+s3], $0x80, v3, vm0, $0xb8;
	[tilespmem:$0x18800] =	vst v63  }
0x3e: {  	v3 =	vld [tilespmem:$0x10];
	_ =	sdelay $0x4  }
0x3f: {  	v49 =	vshll.u32 v3, $0x2  }
0x40: {  	v3 =	vand.u32 $0x7, v3;
	v4 =	vand.u32 $0xFFFFFFE0, v49  }
0x41: {  	v3 =	vor.u32 v3, v4  }
0x42: {  	v4 =	vperm.xlane v3, v0;
	_ =	sdelay $0x1  }
0x43: {  	v4 =	vadd.s32 v1, v4;
	_ =	sdelay $0x1  }
0x44: {  	v3 =	vperm.xlane v3, v2;
	_ =	sdelay $0x1  }
0x45: {  	s29 =	simm.s32 $0x2800;
	v3 =	vadd.s32 v1, v3  }
0x46: {  	[tilespmem:s29], [sflag:$0x1] =	stream.indirect_vreg.gather [hbm4b:s1+s3], $0x80, v4, vm0, $0xb8;
	[tilespmem:$0x18800] =	vst v63  }
0x47: {  	s30 =	simm.s32 $0x3000  }
0x48: {  	[tilespmem:s30], [sflag:$0x1] =	stream.indirect_vreg.gather [hbm4b:s5+s3], $0x80, v4, vm0, $0xb8;
	[tilespmem:$0x18800] =	vst v63  }
0x49: {  	s2 =	simm.s32 $0x3800  }
0x4a: {  	[tilespmem:s2], [sflag:$0x1] =	stream.indirect_vreg.gather [hbm4b:s1+s3], $0x80, v3, vm0, $0xb8;
	[tilespmem:$0x18800] =	vst v63  }
0x4b: {  	s6 =	simm.s32 $0x4000  }
0x4c: {  	[tilespmem:s6], [sflag:$0x1] =	stream.indirect_vreg.gather [hbm4b:s5+s3], $0x80, v3, vm0, $0xb8;
	[tilespmem:$0x18800] =	vst v63  }
0x4d: {  	v3 =	vld [tilespmem:$0x20];
	_ =	sdelay $0x4  }
0x4e: {  	v50 =	vshll.u32 v3, $0x2  }
0x4f: {  	v3 =	vand.u32 $0x7, v3;
	v4 =	vand.u32 $0xFFFFFFE0, v50  }
0x50: {  	v3 =	vor.u32 v3, v4  }
0x51: {  	v4 =	vperm.xlane v3, v0;
	_ =	sdelay $0x1  }
0x52: {  	v4 =	vadd.s32 v1, v4;
	_ =	sdelay $0x1  }
0x53: {  	v3 =	vperm.xlane v3, v2;
	_ =	sdelay $0x1  }
0x54: {  	s7 =	simm.s32 $0x4800;
	v3 =	vadd.s32 v1, v3  }
0x55: {  	[tilespmem:s7], [sflag:$0x1] =	stream.indirect_vreg.gather [hbm4b:s1+s3], $0x80, v4, vm0, $0xb8;
	[tilespmem:$0x18800] =	vst v63  }
0x56: {  	s10 =	simm.s32 $0x5000  }
0x57: {  	[tilespmem:s10], [sflag:$0x1] =	stream.indirect_vreg.gather [hbm4b:s5+s3], $0x80, v4, vm0, $0xb8;
	[tilespmem:$0x18800] =	vst v63  }
0x58: {  	s11 =	simm.s32 $0x5800  }
0x59: {  	[tilespmem:s11], [sflag:$0x1] =	stream.indirect_vreg.gather [hbm4b:s1+s3], $0x80, v3, vm0, $0xb8;
	[tilespmem:$0x18800] =	vst v63  }
0x5a: {  	s12 =	simm.s32 $0x6000  }
0x5b: {  	[tilespmem:s12], [sflag:$0x1] =	stream.indirect_vreg.gather [hbm4b:s5+s3], $0x80, v3, vm0, $0xb8;
	[tilespmem:$0x18800] =	vst v63  }
0x5c: {  	v3 =	vld [tilespmem:$0x30];
	_ =	sdelay $0x4  }
0x5d: {  	v51 =	vshll.u32 v3, $0x2  }
0x5e: {  	v3 =	vand.u32 $0x7, v3;
	v4 =	vand.u32 $0xFFFFFFE0, v51  }
0x5f: {  	v3 =	vor.u32 v3, v4  }
0x60: {  	v4 =	vperm.xlane v3, v0;
	_ =	sdelay $0x1  }
0x61: {  	v4 =	vadd.s32 v1, v4;
	_ =	sdelay $0x1  }
0x62: {  	v3 =	vperm.xlane v3, v2;
	_ =	sdelay $0x1  }
0x63: {  	s13 =	simm.s32 $0x6800;
	v3 =	vadd.s32 v1, v3  }
0x64: {  	[tilespmem:s13], [sflag:$0x1] =	stream.indirect_vreg.gather [hbm4b:s1+s3], $0x80, v4, vm0, $0xb8;
	[tilespmem:$0x18800] =	vst v63  }
0x65: {  	s14 =	simm.s32 $0x7000  }
0x66: {  	[tilespmem:s14], [sflag:$0x1] =	stream.indirect_vreg.gather [hbm4b:s5+s3], $0x80, v4, vm0, $0xb8;
	[tilespmem:$0x18800] =	vst v63  }
0x67: {  	s21 =	simm.s32 $0x7800  }
0x68: {  	[tilespmem:s21], [sflag:$0x1] =	stream.indirect_vreg.gather [hbm4b:s1+s3], $0x80, v3, vm0, $0xb8;
	[tilespmem:$0x18800] =	vst v63  }
0x69: {  	s22 =	simm.s32 $0x8000  }
0x6a: {  	[tilespmem:s22], [sflag:$0x1] =	stream.indirect_vreg.gather [hbm4b:s5+s3], $0x80, v3, vm0, $0xb8;
	[tilespmem:$0x18800] =	vst v63  }
0x6b: {  	v3 =	vld [tilespmem:$0x40];
	_ =	sdelay $0x4  }
0x6c: {  	v52 =	vshll.u32 v3, $0x2  }
0x6d: {  	v3 =	vand.u32 $0x7, v3;
	v4 =	vand.u32 $0xFFFFFFE0, v52  }
0x6e: {  	v3 =	vor.u32 v3, v4  }
0x6f: {  	v4 =	vperm.xlane v3, v0;
	_ =	sdelay $0x1  }
0x70: {  	v4 =	vadd.s32 v1, v4;
	_ =	sdelay $0x1  }
0x71: {  	v3 =	vperm.xlane v3, v2;
	_ =	sdelay $0x1  }
0x72: {  	s23 =	simm.s32 $0x8800;
	v3 =	vadd.s32 v1, v3  }
0x73: {  	[tilespmem:s23], [sflag:$0x2] =	stream.indirect_vreg.gather [hbm4b:s1+s3], $0x80, v4, vm0, $0xb8;
	[tilespmem:$0x18800] =	vst v63  }
0x74: {  	s24 =	simm.s32 $0x9000  }
0x75: {  	[tilespmem:s24], [sflag:$0x2] =	stream.indirect_vreg.gather [hbm4b:s5+s3], $0x80, v4, vm0, $0xb8;
	[tilespmem:$0x18800] =	vst v63  }
0x76: {  	s25 =	simm.s32 $0x9800  }
0x77: {  	[tilespmem:s25], [sflag:$0x2] =	stream.indirect_vreg.gather [hbm4b:s1+s3], $0x80, v3, vm0, $0xb8;
	[tilespmem:$0x18800] =	vst v63  }
0x78: {  	s26 =	simm.s32 $0xA000  }
0x79: {  	[tilespmem:s26], [sflag:$0x2] =	stream.indirect_vreg.gather [hbm4b:s5+s3], $0x80, v3, vm0, $0xb8;
	[tilespmem:$0x18800] =	vst v63  }
0x7a: {  	v3 =	vld [tilespmem:$0x50];
	_ =	sdelay $0x4  }
0x7b: {  	v53 =	vshll.u32 v3, $0x2  }
0x7c: {  	v3 =	vand.u32 $0x7, v3;
	v4 =	vand.u32 $0xFFFFFFE0, v53  }
0x7d: {  	v3 =	vor.u32 v3, v4  }
0x7e: {  	v4 =	vperm.xlane v3, v0;
	_ =	sdelay $0x1  }
0x7f: {  	v4 =	vadd.s32 v1, v4;
	_ =	sdelay $0x1  }
0x80: {  	v3 =	vperm.xlane v3, v2;
	_ =	sdelay $0x1  }
0x81: {  	s28 =	simm.s32 $0xA800;
	v3 =	vadd.s32 v1, v3  }
0x82: {  	[tilespmem:s28], [sflag:$0x2] =	stream.indirect_vreg.gather [hbm4b:s1+s3], $0x80, v4, vm0, $0xb8;
	[tilespmem:$0x18800] =	vst v63  }
0x83: {  	s29 =	simm.s32 $0xB000  }
0x84: {  	[tilespmem:s29], [sflag:$0x2] =	stream.indirect_vreg.gather [hbm4b:s5+s3], $0x80, v4, vm0, $0xb8;
	[tilespmem:$0x18800] =	vst v63  }
0x85: {  	s30 =	simm.s32 $0xB800  }
0x86: {  	[tilespmem:s30], [sflag:$0x2] =	stream.indirect_vreg.gather [hbm4b:s1+s3], $0x80, v3, vm0, $0xb8;
	[tilespmem:$0x18800] =	vst v63  }
0x87: {  	s10 =	simm.s32 $0xC000  }
0x88: {  	[tilespmem:s10], [sflag:$0x2] =	stream.indirect_vreg.gather [hbm4b:s5+s3], $0x80, v3, vm0, $0xb8;
	[tilespmem:$0x18800] =	vst v63  }
0x89: {  	v3 =	vld [tilespmem:$0x60];
	_ =	sdelay $0x4  }
0x8a: {  	v54 =	vshll.u32 v3, $0x2  }
0x8b: {  	v3 =	vand.u32 $0x7, v3;
	v4 =	vand.u32 $0xFFFFFFE0, v54  }
0x8c: {  	v3 =	vor.u32 v3, v4  }
0x8d: {  	v4 =	vperm.xlane v3, v0;
	_ =	sdelay $0x1  }
0x8e: {  	v4 =	vadd.s32 v1, v4;
	_ =	sdelay $0x1  }
0x8f: {  	v3 =	vperm.xlane v3, v2;
	_ =	sdelay $0x1  }
0x90: {  	s11 =	simm.s32 $0xC800;
	v3 =	vadd.s32 v1, v3  }
0x91: {  	[tilespmem:s11], [sflag:$0x2] =	stream.indirect_vreg.gather [hbm4b:s1+s3], $0x80, v4, vm0, $0xb8;
	[tilespmem:$0x18800] =	vst v63  }
0x92: {  	s12 =	simm.s32 $0xD000  }
0x93: {  	[tilespmem:s12], [sflag:$0x2] =	stream.indirect_vreg.gather [hbm4b:s5+s3], $0x80, v4, vm0, $0xb8;
	[tilespmem:$0x18800] =	vst v63  }
0x94: {  	s13 =	simm.s32 $0xD800  }
0x95: {  	[tilespmem:s13], [sflag:$0x2] =	stream.indirect_vreg.gather [hbm4b:s1+s3], $0x80, v3, vm0, $0xb8;
	[tilespmem:$0x18800] =	vst v63  }
0x96: {  	s14 =	simm.s32 $0xE000  }
0x97: {  	[tilespmem:s14], [sflag:$0x2] =	stream.indirect_vreg.gather [hbm4b:s5+s3], $0x80, v3, vm0, $0xb8;
	[tilespmem:$0x18800] =	vst v63  }
0x98: {  	v3 =	vld [tilespmem:$0x70];
	_ =	sdelay $0x4  }
0x99: {  	v55 =	vshll.u32 v3, $0x2  }
0x9a: {  	v3 =	vand.u32 $0x7, v3;
	v4 =	vand.u32 $0xFFFFFFE0, v55  }
0x9b: {  	v3 =	vor.u32 v3, v4  }
0x9c: {  	v4 =	vperm.xlane v3, v0;
	_ =	sdelay $0x1  }
0x9d: {  	v4 =	vadd.s32 v1, v4;
	_ =	sdelay $0x1  }
0x9e: {  	v3 =	vperm.xlane v3, v2;
	_ =	sdelay $0x1  }
0x9f: {  	s21 =	simm.s32 $0xE800;
	v3 =	vadd.s32 v1, v3  }
0xa0: {  	[tilespmem:s21], [sflag:$0x2] =	stream.indirect_vreg.gather [hbm4b:s1+s3], $0x80, v4, vm0, $0xb8;
	[tilespmem:$0x18800] =	vst v63  }
0xa1: {  	s24 =	simm.s32 $0xF000  }
0xa2: {  	[tilespmem:s24], [sflag:$0x2] =	stream.indirect_vreg.gather [hbm4b:s5+s3], $0x80, v4, vm0, $0xb8;
	[tilespmem:$0x18800] =	vst v63  }
0xa3: {  	s26 =	simm.s32 $0xF800  }
0xa4: {  	[tilespmem:s26], [sflag:$0x2] =	stream.indirect_vreg.gather [hbm4b:s1+s3], $0x80, v3, vm0, $0xb8;
	[tilespmem:$0x18800] =	vst v63  }
0xa5: {  	s28 =	simm.s32 $0x10000  }
0xa6: {  	[tilespmem:s28], [sflag:$0x2] =	stream.indirect_vreg.gather [hbm4b:s5+s3], $0x80, v3, vm0, $0xb8;
	[tilespmem:$0x18800] =	vst v63  }
0xa7: {  	v3 =	vld [tilespmem:$0x80];
	_ =	sdelay $0x4  }
0xa8: {  	v56 =	vshll.u32 v3, $0x2  }
0xa9: {  	v3 =	vand.u32 $0x7, v3;
	v4 =	vand.u32 $0xFFFFFFE0, v56  }
0xaa: {  	v3 =	vor.u32 v3, v4  }
0xab: {  	v4 =	vperm.xlane v3, v0;
	_ =	sdelay $0x1  }
0xac: {  	v4 =	vadd.s32 v1, v4;
	_ =	sdelay $0x1  }
0xad: {  	v3 =	vperm.xlane v3, v2;
	_ =	sdelay $0x1  }
0xae: {  	s29 =	simm.s32 $0x10800;
	v3 =	vadd.s32 v1, v3  }
0xaf: {  	[tilespmem:s29], [sflag:$0x3] =	stream.indirect_vreg.gather [hbm4b:s1+s3], $0x80, v4, vm0, $0xb8;
	[tilespmem:$0x18800] =	vst v63  }
0xb0: {  	s30 =	simm.s32 $0x11000  }
0xb1: {  	[tilespmem:s30], [sflag:$0x3] =	stream.indirect_vreg.gather [hbm4b:s5+s3], $0x80, v4, vm0, $0xb8;
	[tilespmem:$0x18800] =	vst v63  }
0xb2: {  	s10 =	simm.s32 $0x11800  }
0xb3: {  	[tilespmem:s10], [sflag:$0x3] =	stream.indirect_vreg.gather [hbm4b:s1+s3], $0x80, v3, vm0, $0xb8;
	[tilespmem:$0x18800] =	vst v63  }
0xb4: {  	s11 =	simm.s32 $0x12000  }
0xb5: {  	[tilespmem:s11], [sflag:$0x3] =	stream.indirect_vreg.gather [hbm4b:s5+s3], $0x80, v3, vm0, $0xb8;
	[tilespmem:$0x18800] =	vst v63  }
0xb6: {  	v3 =	vld [tilespmem:$0x90];
	_ =	sdelay $0x4  }
0xb7: {  	v57 =	vshll.u32 v3, $0x2  }
0xb8: {  	v3 =	vand.u32 $0x7, v3;
	v4 =	vand.u32 $0xFFFFFFE0, v57  }
0xb9: {  	v3 =	vor.u32 v3, v4  }
0xba: {  	v4 =	vperm.xlane v3, v0;
	_ =	sdelay $0x1  }
0xbb: {  	v4 =	vadd.s32 v1, v4;
	_ =	sdelay $0x1  }
0xbc: {  	v3 =	vperm.xlane v3, v2;
	_ =	sdelay $0x1  }
0xbd: {  	s14 =	simm.s32 $0x12800;
	v3 =	vadd.s32 v1, v3  }
0xbe: {  	[tilespmem:s14], [sflag:$0x3] =	stream.indirect_vreg.gather [hbm4b:s1+s3], $0x80, v4, vm0, $0xb8;
	[tilespmem:$0x18800] =	vst v63  }
0xbf: {  	s21 =	simm.s32 $0x13000  }
0xc0: {  	[tilespmem:s21], [sflag:$0x3] =	stream.indirect_vreg.gather [hbm4b:s5+s3], $0x80, v4, vm0, $0xb8;
	[tilespmem:$0x18800] =	vst v63  }
0xc1: {  	s24 =	simm.s32 $0x13800  }
0xc2: {  	[tilespmem:s24], [sflag:$0x3] =	stream.indirect_vreg.gather [hbm4b:s1+s3], $0x80, v3, vm0, $0xb8;
	[tilespmem:$0x18800] =	vst v63  }
0xc3: {  	s29 =	simm.s32 $0x14000  }
0xc4: {  	[tilespmem:s29], [sflag:$0x3] =	stream.indirect_vreg.gather [hbm4b:s5+s3], $0x80, v3, vm0, $0xb8;
	[tilespmem:$0x18800] =	vst v63  }
0xc5: {  	v3 =	vld [tilespmem:$0xA0];
	_ =	sdelay $0x4  }
0xc6: {  	v58 =	vshll.u32 v3, $0x2  }
0xc7: {  	v3 =	vand.u32 $0x7, v3;
	v4 =	vand.u32 $0xFFFFFFE0, v58  }
0xc8: {  	v3 =	vor.u32 v3, v4  }
0xc9: {  	v4 =	vperm.xlane v3, v0;
	_ =	sdelay $0x1  }
0xca: {  	v4 =	vadd.s32 v1, v4;
	_ =	sdelay $0x1  }
0xcb: {  	v3 =	vperm.xlane v3, v2;
	_ =	sdelay $0x1  }
0xcc: {  	s30 =	simm.s32 $0x14800;
	v3 =	vadd.s32 v1, v3  }
0xcd: {  	[tilespmem:s30], [sflag:$0x3] =	stream.indirect_vreg.gather [hbm4b:s1+s3], $0x80, v4, vm0, $0xb8;
	[tilespmem:$0x18800] =	vst v63  }
0xce: {  	s10 =	simm.s32 $0x15000  }
0xcf: {  	[tilespmem:s10], [sflag:$0x3] =	stream.indirect_vreg.gather [hbm4b:s5+s3], $0x80, v4, vm0, $0xb8;
	[tilespmem:$0x18800] =	vst v63  }
0xd0: {  	s11 =	simm.s32 $0x15800  }
0xd1: {  	[tilespmem:s11], [sflag:$0x3] =	stream.indirect_vreg.gather [hbm4b:s1+s3], $0x80, v3, vm0, $0xb8;
	[tilespmem:$0x18800] =	vst v63  }
0xd2: {  	s14 =	simm.s32 $0x16000  }
0xd3: {  	[tilespmem:s14], [sflag:$0x3] =	stream.indirect_vreg.gather [hbm4b:s5+s3], $0x80, v3, vm0, $0xb8;
	[tilespmem:$0x18800] =	vst v63  }
0xd4: {  	v3 =	vld [tilespmem:$0xB0];
	_ =	sdelay $0x4  }
0xd5: {  	v59 =	vshll.u32 v3, $0x2  }
0xd6: {  	v3 =	vand.u32 $0x7, v3;
	v4 =	vand.u32 $0xFFFFFFE0, v59  }
0xd7: {  	v3 =	vor.u32 v3, v4  }
0xd8: {  	v4 =	vperm.xlane v3, v0;
	_ =	sdelay $0x1  }
0xd9: {  	v4 =	vadd.s32 v1, v4;
	_ =	sdelay $0x1  }
0xda: {  	v3 =	vperm.xlane v3, v2;
	_ =	sdelay $0x1  }
0xdb: {  	s21 =	simm.s32 $0x16800;
	v3 =	vadd.s32 v1, v3  }
0xdc: {  	[tilespmem:s21], [sflag:$0x3] =	stream.indirect_vreg.gather [hbm4b:s1+s3], $0x80, v4, vm0, $0xb8;
	[tilespmem:$0x18800] =	vst v63  }
0xdd: {  	s24 =	simm.s32 $0x17000  }
0xde: {  	[tilespmem:s24], [sflag:$0x3] =	stream.indirect_vreg.gather [hbm4b:s5+s3], $0x80, v4, vm0, $0xb8;
	[tilespmem:$0x18800] =	vst v63  }
0xdf: {  	s10 =	simm.s32 $0x17800  }
0xe0: {  	[tilespmem:s10], [sflag:$0x3] =	stream.indirect_vreg.gather [hbm4b:s1+s3], $0x80, v3, vm0, $0xb8;
	[tilespmem:$0x18800] =	vst v63  }
0xe1: {  	s11 =	simm.s32 $0x18000  }
0xe2: {  	[tilespmem:s11], [sflag:$0x3] =	stream.indirect_vreg.gather [hbm4b:s5+s3], $0x80, v3, vm0, $0xb8;
	[tilespmem:$0x18800] =	vst v63  }
0xe3: {  	_ =	swait.ge [sflag:s15], $0x8000  }
0xe4: {  	s14 =	sld [smem:$0x7FC]  }
0xe5: {  	[sflag:s15] =	ssyncset.done $0x0  }
0xe6: {  	s24 =	simm.s32 $0x800;
	[sflag:s15] =	ssyncadd.s32 $0xFFFF8000  }
0xe7: {  	[hbm4b:s14+s3] =	stream.linear.scatter [tilespmem:s24], [sflag:$0x4], $0x8000, $0x38;
	[tilespmem:$0x18800] =	vst v63  }
0xe8: {  	_ =	swait.ge [sflag:s16], $0x8000  }
0xe9: {  	[sflag:s16] =	ssyncset.done $0x0  }
0xea: {  	[sflag:s16] =	ssyncadd.s32 $0xFFFF8000  }
0xeb: {  	v3 =	vld [tilespmem:$0xC0];
	_ =	sdelay $0x4  }
0xec: {  	v60 =	vshll.u32 v3, $0x2  }
0xed: {  	v3 =	vand.u32 $0x7, v3;
	v4 =	vand.u32 $0xFFFFFFE0, v60  }
0xee: {  	v3 =	vor.u32 v3, v4  }
0xef: {  	v4 =	vperm.xlane v3, v0;
	_ =	sdelay $0x1  }
0xf0: {  	v4 =	vadd.s32 v1, v4;
	_ =	sdelay $0x1  }
0xf1: {  	v3 =	vperm.xlane v3, v2;
	_ =	sdelay $0x1  }
0xf2: {  	v3 =	vadd.s32 v1, v3  }
0xf3: {  	[tilespmem:s24], [sflag:$0x1] =	stream.indirect_vreg.gather [hbm4b:s1+s3], $0x80, v4, vm0, $0xb8;
	[tilespmem:$0x18800] =	vst v63  }
0xf4: {  	s8 =	simm.s32 $0x1000  }
0xf5: {  	[tilespmem:s8], [sflag:$0x1] =	stream.indirect_vreg.gather [hbm4b:s5+s3], $0x80, v4, vm0, $0xb8;
	[tilespmem:$0x18800] =	vst v63  }
0xf6: {  	s9 =	simm.s32 $0x1800  }
0xf7: {  	[tilespmem:s9], [sflag:$0x1] =	stream.indirect_vreg.gather [hbm4b:s1+s3], $0x80, v3, vm0, $0xb8;
	[tilespmem:$0x18800] =	vst v63  }
0xf8: {  	s4 =	simm.s32 $0x2000  }
0xf9: {  	[tilespmem:s4], [sflag:$0x1] =	stream.indirect_vreg.gather [hbm4b:s5+s3], $0x80, v3, vm0, $0xb8;
	[tilespmem:$0x18800] =	vst v63  }
0xfa: {  	v3 =	vld [tilespmem:$0xD0];
	_ =	sdelay $0x4  }
0xfb: {  	v61 =	vshll.u32 v3, $0x2  }
0xfc: {  	v3 =	vand.u32 $0x7, v3;
	v4 =	vand.u32 $0xFFFFFFE0, v61  }
0xfd: {  	v3 =	vor.u32 v3, v4  }
0xfe: {  	v4 =	vperm.xlane v3, v0;
	_ =	sdelay $0x1  }
0xff: {  	v4 =	vadd.s32 v1, v4;
	_ =	sdelay $0x1  }
0x100: {  	v3 =	vperm.xlane v3, v2;
	_ =	sdelay $0x1  }
0x101: {  	s31 =	simm.s32 $0x2800;
	v3 =	vadd.s32 v1, v3  }
0x102: {  	[tilespmem:s31], [sflag:$0x1] =	stream.indirect_vreg.gather [hbm4b:s1+s3], $0x80, v4, vm0, $0xb8;
	[tilespmem:$0x18800] =	vst v63  }
0x103: {  	s31 =	simm.s32 $0x3000  }
0x104: {  	[tilespmem:s31], [sflag:$0x1] =	stream.indirect_vreg.gather [hbm4b:s5+s3], $0x80, v4, vm0, $0xb8;
	[tilespmem:$0x18800] =	vst v63  }
0x105: {  	s14 =	simm.s32 $0x3800  }
0x106: {  	[tilespmem:s14], [sflag:$0x1] =	stream.indirect_vreg.gather [hbm4b:s1+s3], $0x80, v3, vm0, $0xb8;
	[tilespmem:$0x18800] =	vst v63  }
0x107: {  	s6 =	simm.s32 $0x4000  }
0x108: {  	[tilespmem:s6], [sflag:$0x1] =	stream.indirect_vreg.gather [hbm4b:s5+s3], $0x80, v3, vm0, $0xb8;
	[tilespmem:$0x18800] =	vst v63  }
0x109: {  	v3 =	vld [tilespmem:$0xE0];
	_ =	sdelay $0x4  }
0x10a: {  	v62 =	vshll.u32 v3, $0x2  }
0x10b: {  	v3 =	vand.u32 $0x7, v3;
	v4 =	vand.u32 $0xFFFFFFE0, v62  }
0x10c: {  	v3 =	vor.u32 v3, v4  }
0x10d: {  	v4 =	vperm.xlane v3, v0;
	_ =	sdelay $0x1  }
0x10e: {  	v4 =	vadd.s32 v1, v4;
	_ =	sdelay $0x1  }
0x10f: {  	v3 =	vperm.xlane v3, v2;
	_ =	sdelay $0x1  }
0x110: {  	s8 =	simm.s32 $0x4800;
	v3 =	vadd.s32 v1, v3  }
0x111: {  	[tilespmem:s8], [sflag:$0x1] =	stream.indirect_vreg.gather [hbm4b:s1+s3], $0x80, v4, vm0, $0xb8;
	[tilespmem:$0x18800] =	vst v63  }
0x112: {  	s4 =	simm.s32 $0x5000  }
0x113: {  	[tilespmem:s4], [sflag:$0x1] =	stream.indirect_vreg.gather [hbm4b:s5+s3], $0x80, v4, vm0, $0xb8;
	[tilespmem:$0x18800] =	vst v63  }
0x114: {  	s6 =	simm.s32 $0x5800  }
0x115: {  	[tilespmem:s6], [sflag:$0x1] =	stream.indirect_vreg.gather [hbm4b:s1+s3], $0x80, v3, vm0, $0xb8;
	[tilespmem:$0x18800] =	vst v63  }
0x116: {  	s7 =	simm.s32 $0x6000  }
0x117: {  	[tilespmem:s7], [sflag:$0x1] =	stream.indirect_vreg.gather [hbm4b:s5+s3], $0x80, v3, vm0, $0xb8;
	[tilespmem:$0x18800] =	vst v63  }
0x118: {  	v3 =	vld [tilespmem:$0xF0];
	_ =	sdelay $0x4  }
0x119: {  	v63 =	vshll.u32 v3, $0x2  }
0x11a: {  	v3 =	vand.u32 $0x7, v3;
	v4 =	vand.u32 $0xFFFFFFE0, v63  }
0x11b: {  	v3 =	vor.u32 v3, v4  }
0x11c: {  	v4 =	vperm.xlane v3, v0;
	_ =	sdelay $0x1  }
0x11d: {  	v4 =	vadd.s32 v1, v4;
	_ =	sdelay $0x1  }
0x11e: {  	v3 =	vperm.xlane v3, v2;
	_ =	sdelay $0x1  }
0x11f: {  	s7 =	simm.s32 $0x6800;
	v3 =	vadd.s32 v1, v3  }
0x120: {  	[tilespmem:s7], [sflag:$0x1] =	stream.indirect_vreg.gather [hbm4b:s1+s3], $0x80, v4, vm0, $0xb8;
	[tilespmem:$0x18800] =	vst v63  }
0x121: {  	s9 =	simm.s32 $0x7000  }
0x122: {  	[tilespmem:s9], [sflag:$0x1] =	stream.indirect_vreg.gather [hbm4b:s5+s3], $0x80, v4, vm0, $0xb8;
	[tilespmem:$0x18800] =	vst v63  }
0x123: {  	s10 =	simm.s32 $0x7800  }
0x124: {  	[tilespmem:s10], [sflag:$0x1] =	stream.indirect_vreg.gather [hbm4b:s1+s3], $0x80, v3, vm0, $0xb8;
	[tilespmem:$0x18800] =	vst v63  }
0x125: {  	s11 =	simm.s32 $0x8000  }
0x126: {  	[tilespmem:s11], [sflag:$0x1] =	stream.indirect_vreg.gather [hbm4b:s5+s3], $0x80, v3, vm0, $0xb8;
	[tilespmem:$0x18800] =	vst v63  }
0x127: {  	_ =	swait.ge [sflag:s17], $0x8000  }
0x128: {  	[sflag:s17] =	ssyncset.done $0x0  }
0x129: {  	s2 =	simm.s32 $0x8800;
	s0 =	rddreg [dreg:$0x5];
	[sflag:s17] =	ssyncadd.s32 $0xFFFF8000  }
0x12a: {  	[hbm4b:s0+s3] =	stream.linear.scatter [tilespmem:s2], [sflag:$0x5], $0x8000, $0x38;
	[tilespmem:$0x18800] =	vst v63  }
0x12b: {  	_ =	swait.ge [sflag:s18], $0x8000  }
0x12c: {  	[sflag:s18] =	ssyncset.done $0x0  }
0x12d: {  	[sflag:s18] =	ssyncadd.s32 $0xFFFF8000  }
0x12e: {  	v3 =	vld [tilespmem:$0x100];
	_ =	sdelay $0x4  }
0x12f: {  	v8 =	vshll.u32 v3, $0x2  }
0x130: {  	v3 =	vand.u32 $0x7, v3;
	v4 =	vand.u32 $0xFFFFFFE0, v8  }
0x131: {  	v3 =	vor.u32 v3, v4  }
0x132: {  	v4 =	vperm.xlane v3, v0;
	_ =	sdelay $0x1  }
0x133: {  	v4 =	vadd.s32 v1, v4;
	_ =	sdelay $0x1  }
0x134: {  	v3 =	vperm.xlane v3, v2;
	_ =	sdelay $0x1  }
0x135: {  	v3 =	vadd.s32 v1, v3  }
0x136: {  	[tilespmem:s2], [sflag:$0x2] =	stream.indirect_vreg.gather [hbm4b:s1+s3], $0x80, v4, vm0, $0xb8;
	[tilespmem:$0x18800] =	vst v63  }
0x137: {  	s24 =	simm.s32 $0x9000  }
0x138: {  	[tilespmem:s24], [sflag:$0x2] =	stream.indirect_vreg.gather [hbm4b:s5+s3], $0x80, v4, vm0, $0xb8;
	[tilespmem:$0x18800] =	vst v63  }
0x139: {  	s2 =	simm.s32 $0x9800  }
0x13a: {  	[tilespmem:s2], [sflag:$0x2] =	stream.indirect_vreg.gather [hbm4b:s1+s3], $0x80, v3, vm0, $0xb8;
	[tilespmem:$0x18800] =	vst v63  }
0x13b: {  	s22 =	simm.s32 $0xA000  }
0x13c: {  	[tilespmem:s22], [sflag:$0x2] =	stream.indirect_vreg.gather [hbm4b:s5+s3], $0x80, v3, vm0, $0xb8;
	[tilespmem:$0x18800] =	vst v63  }
0x13d: {  	v3 =	vld [tilespmem:$0x110];
	_ =	sdelay $0x4  }
0x13e: {  	v9 =	vshll.u32 v3, $0x2  }
0x13f: {  	v3 =	vand.u32 $0x7, v3;
	v4 =	vand.u32 $0xFFFFFFE0, v9  }
0x140: {  	v3 =	vor.u32 v3, v4  }
0x141: {  	v4 =	vperm.xlane v3, v0;
	_ =	sdelay $0x1  }
0x142: {  	v4 =	vadd.s32 v1, v4;
	_ =	sdelay $0x1  }
0x143: {  	v3 =	vperm.xlane v3, v2;
	_ =	sdelay $0x1  }
0x144: {  	s21 =	simm.s32 $0xA800;
	v3 =	vadd.s32 v1, v3  }
0x145: {  	[tilespmem:s21], [sflag:$0x2] =	stream.indirect_vreg.gather [hbm4b:s1+s3], $0x80, v4, vm0, $0xb8;
	[tilespmem:$0x18800] =	vst v63  }
0x146: {  	s22 =	simm.s32 $0xB000  }
0x147: {  	[tilespmem:s22], [sflag:$0x2] =	stream.indirect_vreg.gather [hbm4b:s5+s3], $0x80, v4, vm0, $0xb8;
	[tilespmem:$0x18800] =	vst v63  }
0x148: {  	s2 =	simm.s32 $0xB800  }
0x149: {  	[tilespmem:s2], [sflag:$0x2] =	stream.indirect_vreg.gather [hbm4b:s1+s3], $0x80, v3, vm0, $0xb8;
	[tilespmem:$0x18800] =	vst v63  }
0x14a: {  	s23 =	simm.s32 $0xC000  }
0x14b: {  	[tilespmem:s23], [sflag:$0x2] =	stream.indirect_vreg.gather [hbm4b:s5+s3], $0x80, v3, vm0, $0xb8;
	[tilespmem:$0x18800] =	vst v63  }
0x14c: {  	v3 =	vld [tilespmem:$0x120];
	_ =	sdelay $0x4  }
0x14d: {  	v10 =	vshll.u32 v3, $0x2  }
0x14e: {  	v3 =	vand.u32 $0x7, v3;
	v4 =	vand.u32 $0xFFFFFFE0, v10  }
0x14f: {  	v3 =	vor.u32 v3, v4  }
0x150: {  	v4 =	vperm.xlane v3, v0;
	_ =	sdelay $0x1  }
0x151: {  	v4 =	vadd.s32 v1, v4;
	_ =	sdelay $0x1  }
0x152: {  	v3 =	vperm.xlane v3, v2;
	_ =	sdelay $0x1  }
0x153: {  	s21 =	simm.s32 $0xC800;
	v3 =	vadd.s32 v1, v3  }
0x154: {  	[tilespmem:s21], [sflag:$0x2] =	stream.indirect_vreg.gather [hbm4b:s1+s3], $0x80, v4, vm0, $0xb8;
	[tilespmem:$0x18800] =	vst v63  }
0x155: {  	s22 =	simm.s32 $0xD000  }
0x156: {  	[tilespmem:s22], [sflag:$0x2] =	stream.indirect_vreg.gather [hbm4b:s5+s3], $0x80, v4, vm0, $0xb8;
	[tilespmem:$0x18800] =	vst v63  }
0x157: {  	s23 =	simm.s32 $0xD800  }
0x158: {  	[tilespmem:s23], [sflag:$0x2] =	stream.indirect_vreg.gather [hbm4b:s1+s3], $0x80, v3, vm0, $0xb8;
	[tilespmem:$0x18800] =	vst v63  }
0x159: {  	s25 =	simm.s32 $0xE000  }
0x15a: {  	[tilespmem:s25], [sflag:$0x2] =	stream.indirect_vreg.gather [hbm4b:s5+s3], $0x80, v3, vm0, $0xb8;
	[tilespmem:$0x18800] =	vst v63  }
0x15b: {  	v3 =	vld [tilespmem:$0x130];
	_ =	sdelay $0x4  }
0x15c: {  	v11 =	vshll.u32 v3, $0x2  }
0x15d: {  	v3 =	vand.u32 $0x7, v3;
	v4 =	vand.u32 $0xFFFFFFE0, v11  }
0x15e: {  	v3 =	vor.u32 v3, v4  }
0x15f: {  	v4 =	vperm.xlane v3, v0;
	_ =	sdelay $0x1  }
0x160: {  	v4 =	vadd.s32 v1, v4;
	_ =	sdelay $0x1  }
0x161: {  	v3 =	vperm.xlane v3, v2;
	_ =	sdelay $0x1  }
0x162: {  	s2 =	simm.s32 $0xE800;
	v3 =	vadd.s32 v1, v3  }
0x163: {  	[tilespmem:s2], [sflag:$0x2] =	stream.indirect_vreg.gather [hbm4b:s1+s3], $0x80, v4, vm0, $0xb8;
	[tilespmem:$0x18800] =	vst v63  }
0x164: {  	s12 =	simm.s32 $0xF000  }
0x165: {  	[tilespmem:s12], [sflag:$0x2] =	stream.indirect_vreg.gather [hbm4b:s5+s3], $0x80, v4, vm0, $0xb8;
	[tilespmem:$0x18800] =	vst v63  }
0x166: {  	s13 =	simm.s32 $0xF800  }
0x167: {  	[tilespmem:s13], [sflag:$0x2] =	stream.indirect_vreg.gather [hbm4b:s1+s3], $0x80, v3, vm0, $0xb8;
	[tilespmem:$0x18800] =	vst v63  }
0x168: {  	s26 =	simm.s32 $0x10000  }
0x169: {  	[tilespmem:s26], [sflag:$0x2] =	stream.indirect_vreg.gather [hbm4b:s5+s3], $0x80, v3, vm0, $0xb8;
	[tilespmem:$0x18800] =	vst v63  }
0x16a: {  	_ =	swait.ge [sflag:s19], $0x8000  }
0x16b: {  	[sflag:s19] =	ssyncset.done $0x0  }
0x16c: {  	s13 =	simm.s32 $0x10800;
	s12 =	rddreg [dreg:$0x6];
	[sflag:s19] =	ssyncadd.s32 $0xFFFF8000  }
0x16d: {  	[hbm4b:s12+s3] =	stream.linear.scatter [tilespmem:s13], [sflag:$0x6], $0x8000, $0x38;
	[tilespmem:$0x18800] =	vst v63  }
0x16e: {  	_ =	swait.ge [sflag:s20], $0x8000  }
0x16f: {  	[sflag:s20] =	ssyncset.done $0x0  }
0x170: {  	[sflag:s20] =	ssyncadd.s32 $0xFFFF8000  }
0x171: {  	v3 =	vld [tilespmem:$0x140];
	_ =	sdelay $0x4  }
0x172: {  	v12 =	vshll.u32 v3, $0x2  }
0x173: {  	v3 =	vand.u32 $0x7, v3;
	v4 =	vand.u32 $0xFFFFFFE0, v12  }
0x174: {  	v3 =	vor.u32 v3, v4  }
0x175: {  	v4 =	vperm.xlane v3, v0;
	_ =	sdelay $0x1  }
0x176: {  	v4 =	vadd.s32 v1, v4;
	_ =	sdelay $0x1  }
0x177: {  	v3 =	vperm.xlane v3, v2;
	_ =	sdelay $0x1  }
0x178: {  	v3 =	vadd.s32 v1, v3  }
0x179: {  	[tilespmem:s13], [sflag:$0x3] =	stream.indirect_vreg.gather [hbm4b:s1+s3], $0x80, v4, vm0, $0xb8;
	[tilespmem:$0x18800] =	vst v63  }
0x17a: {  	s12 =	simm.s32 $0x11000  }
0x17b: {  	[tilespmem:s12], [sflag:$0x3] =	stream.indirect_vreg.gather [hbm4b:s5+s3], $0x80, v4, vm0, $0xb8;
	[tilespmem:$0x18800] =	vst v63  }
0x17c: {  	s13 =	simm.s32 $0x11800  }
0x17d: {  	[tilespmem:s13], [sflag:$0x3] =	stream.indirect_vreg.gather [hbm4b:s1+s3], $0x80, v3, vm0, $0xb8;
	[tilespmem:$0x18800] =	vst v63  }
0x17e: {  	s28 =	simm.s32 $0x12000  }
0x17f: {  	[tilespmem:s28], [sflag:$0x3] =	stream.indirect_vreg.gather [hbm4b:s5+s3], $0x80, v3, vm0, $0xb8;
	[tilespmem:$0x18800] =	vst v63  }
0x180: {  	v3 =	vld [tilespmem:$0x150];
	_ =	sdelay $0x4  }
0x181: {  	v13 =	vshll.u32 v3, $0x2  }
0x182: {  	v3 =	vand.u32 $0x7, v3;
	v4 =	vand.u32 $0xFFFFFFE0, v13  }
0x183: {  	v3 =	vor.u32 v3, v4  }
0x184: {  	v4 =	vperm.xlane v3, v0;
	_ =	sdelay $0x1  }
0x185: {  	v4 =	vadd.s32 v1, v4;
	_ =	sdelay $0x1  }
0x186: {  	v3 =	vperm.xlane v3, v2;
	_ =	sdelay $0x1  }
0x187: {  	s22 =	simm.s32 $0x12800;
	v3 =	vadd.s32 v1, v3  }
0x188: {  	[tilespmem:s22], [sflag:$0x3] =	stream.indirect_vreg.gather [hbm4b:s1+s3], $0x80, v4, vm0, $0xb8;
	[tilespmem:$0x18800] =	vst v63  }
0x189: {  	s23 =	simm.s32 $0x13000  }
0x18a: {  	[tilespmem:s23], [sflag:$0x3] =	stream.indirect_vreg.gather [hbm4b:s5+s3], $0x80, v4, vm0, $0xb8;
	[tilespmem:$0x18800] =	vst v63  }
0x18b: {  	s25 =	simm.s32 $0x13800  }
0x18c: {  	[tilespmem:s25], [sflag:$0x3] =	stream.indirect_vreg.gather [hbm4b:s1+s3], $0x80, v3, vm0, $0xb8;
	[tilespmem:$0x18800] =	vst v63  }
0x18d: {  	s29 =	simm.s32 $0x14000  }
0x18e: {  	[tilespmem:s29], [sflag:$0x3] =	stream.indirect_vreg.gather [hbm4b:s5+s3], $0x80, v3, vm0, $0xb8;
	[tilespmem:$0x18800] =	vst v63  }
0x18f: {  	v3 =	vld [tilespmem:$0x160];
	_ =	sdelay $0x4  }
0x190: {  	v14 =	vshll.u32 v3, $0x2  }
0x191: {  	v3 =	vand.u32 $0x7, v3;
	v4 =	vand.u32 $0xFFFFFFE0, v14  }
0x192: {  	v3 =	vor.u32 v3, v4  }
0x193: {  	v4 =	vperm.xlane v3, v0;
	_ =	sdelay $0x1  }
0x194: {  	v4 =	vadd.s32 v1, v4;
	_ =	sdelay $0x1  }
0x195: {  	v3 =	vperm.xlane v3, v2;
	_ =	sdelay $0x1  }
0x196: {  	s26 =	simm.s32 $0x14800;
	v3 =	vadd.s32 v1, v3  }
0x197: {  	[tilespmem:s26], [sflag:$0x3] =	stream.indirect_vreg.gather [hbm4b:s1+s3], $0x80, v4, vm0, $0xb8;
	[tilespmem:$0x18800] =	vst v63  }
0x198: {  	s28 =	simm.s32 $0x15000  }
0x199: {  	[tilespmem:s28], [sflag:$0x3] =	stream.indirect_vreg.gather [hbm4b:s5+s3], $0x80, v4, vm0, $0xb8;
	[tilespmem:$0x18800] =	vst v63  }
0x19a: {  	s29 =	simm.s32 $0x15800  }
0x19b: {  	[tilespmem:s29], [sflag:$0x3] =	stream.indirect_vreg.gather [hbm4b:s1+s3], $0x80, v3, vm0, $0xb8;
	[tilespmem:$0x18800] =	vst v63  }
0x19c: {  	s30 =	simm.s32 $0x16000  }
0x19d: {  	[tilespmem:s30], [sflag:$0x3] =	stream.indirect_vreg.gather [hbm4b:s5+s3], $0x80, v3, vm0, $0xb8;
	[tilespmem:$0x18800] =	vst v63  }
0x19e: {  	v3 =	vld [tilespmem:$0x170];
	_ =	sdelay $0x4  }
0x19f: {  	v15 =	vshll.u32 v3, $0x2  }
0x1a0: {  	v3 =	vand.u32 $0x7, v3;
	v4 =	vand.u32 $0xFFFFFFE0, v15  }
0x1a1: {  	v3 =	vor.u32 v3, v4  }
0x1a2: {  	v4 =	vperm.xlane v3, v0;
	_ =	sdelay $0x1  }
0x1a3: {  	v4 =	vadd.s32 v1, v4;
	_ =	sdelay $0x1  }
0x1a4: {  	v3 =	vperm.xlane v3, v2;
	_ =	sdelay $0x1  }
0x1a5: {  	s30 =	simm.s32 $0x16800;
	v3 =	vadd.s32 v1, v3  }
0x1a6: {  	[tilespmem:s30], [sflag:$0x3] =	stream.indirect_vreg.gather [hbm4b:s1+s3], $0x80, v4, vm0, $0xb8;
	[tilespmem:$0x18800] =	vst v63  }
0x1a7: {  	s2 =	simm.s32 $0x17000  }
0x1a8: {  	[tilespmem:s2], [sflag:$0x3] =	stream.indirect_vreg.gather [hbm4b:s5+s3], $0x80, v4, vm0, $0xb8;
	[tilespmem:$0x18800] =	vst v63  }
0x1a9: {  	s21 =	simm.s32 $0x17800  }
0x1aa: {  	[tilespmem:s21], [sflag:$0x3] =	stream.indirect_vreg.gather [hbm4b:s1+s3], $0x80, v3, vm0, $0xb8;
	[tilespmem:$0x18800] =	vst v63  }
0x1ab: {  	s21 =	simm.s32 $0x18000  }
0x1ac: {  	[tilespmem:s21], [sflag:$0x3] =	stream.indirect_vreg.gather [hbm4b:s5+s3], $0x80, v3, vm0, $0xb8;
	[tilespmem:$0x18800] =	vst v63  }
0x1ad: {  	_ =	swait.ge [sflag:s15], $0x8000  }
0x1ae: {  	[sflag:s15] =	ssyncset.done $0x0  }
0x1af: {  	s0 =	simm.s32 $0x800;
	s21 =	rddreg [dreg:$0x7];
	[sflag:s15] =	ssyncadd.s32 $0xFFFF8000  }
0x1b0: {  	[hbm4b:s21+s3] =	stream.linear.scatter [tilespmem:s0], [sflag:$0x4], $0x8000, $0x38;
	[tilespmem:$0x18800] =	vst v63  }
0x1b1: {  	_ =	swait.ge [sflag:s16], $0x8000  }
0x1b2: {  	[sflag:s16] =	ssyncset.done $0x0  }
0x1b3: {  	[sflag:s16] =	ssyncadd.s32 $0xFFFF8000  }
0x1b4: {  	v3 =	vld [tilespmem:$0x180];
	_ =	sdelay $0x4  }
0x1b5: {  	v16 =	vshll.u32 v3, $0x2  }
0x1b6: {  	v3 =	vand.u32 $0x7, v3;
	v4 =	vand.u32 $0xFFFFFFE0, v16  }
0x1b7: {  	v3 =	vor.u32 v3, v4  }
0x1b8: {  	v4 =	vperm.xlane v3, v0;
	_ =	sdelay $0x1  }
0x1b9: {  	v4 =	vadd.s32 v1, v4;
	_ =	sdelay $0x1  }
0x1ba: {  	v3 =	vperm.xlane v3, v2;
	_ =	sdelay $0x1  }
0x1bb: {  	v3 =	vadd.s32 v1, v3  }
0x1bc: {  	[tilespmem:s0], [sflag:$0x1] =	stream.indirect_vreg.gather [hbm4b:s1+s3], $0x80, v4, vm0, $0xb8;
	[tilespmem:$0x18800] =	vst v63  }
0x1bd: {  	s21 =	simm.s32 $0x1000  }
0x1be: {  	[tilespmem:s21], [sflag:$0x1] =	stream.indirect_vreg.gather [hbm4b:s5+s3], $0x80, v4, vm0, $0xb8;
	[tilespmem:$0x18800] =	vst v63  }
0x1bf: {  	s21 =	simm.s32 $0x1800  }
0x1c0: {  	[tilespmem:s21], [sflag:$0x1] =	stream.indirect_vreg.gather [hbm4b:s1+s3], $0x80, v3, vm0, $0xb8;
	[tilespmem:$0x18800] =	vst v63  }
0x1c1: {  	s21 =	simm.s32 $0x2000  }
0x1c2: {  	[tilespmem:s21], [sflag:$0x1] =	stream.indirect_vreg.gather [hbm4b:s5+s3], $0x80, v3, vm0, $0xb8;
	[tilespmem:$0x18800] =	vst v63  }
0x1c3: {  	v3 =	vld [tilespmem:$0x190];
	_ =	sdelay $0x4  }
0x1c4: {  	v17 =	vshll.u32 v3, $0x2  }
0x1c5: {  	v3 =	vand.u32 $0x7, v3;
	v4 =	vand.u32 $0xFFFFFFE0, v17  }
0x1c6: {  	v3 =	vor.u32 v3, v4  }
0x1c7: {  	v4 =	vperm.xlane v3, v0;
	_ =	sdelay $0x1  }
0x1c8: {  	v4 =	vadd.s32 v1, v4;
	_ =	sdelay $0x1  }
0x1c9: {  	v3 =	vperm.xlane v3, v2;
	_ =	sdelay $0x1  }
0x1ca: {  	s21 =	simm.s32 $0x2800;
	v3 =	vadd.s32 v1, v3  }
0x1cb: {  	[tilespmem:s21], [sflag:$0x1] =	stream.indirect_vreg.gather [hbm4b:s1+s3], $0x80, v4, vm0, $0xb8;
	[tilespmem:$0x18800] =	vst v63  }
0x1cc: {  	_ = 	snop  }
0x1cd: {  	[tilespmem:s31], [sflag:$0x1] =	stream.indirect_vreg.gather [hbm4b:s5+s3], $0x80, v4, vm0, $0xb8;
	[tilespmem:$0x18800] =	vst v63  }
0x1ce: {  	_ = 	snop  }
0x1cf: {  	[tilespmem:s14], [sflag:$0x1] =	stream.indirect_vreg.gather [hbm4b:s1+s3], $0x80, v3, vm0, $0xb8;
	[tilespmem:$0x18800] =	vst v63  }
0x1d0: {  	s21 =	simm.s32 $0x4000  }
0x1d1: {  	[tilespmem:s21], [sflag:$0x1] =	stream.indirect_vreg.gather [hbm4b:s5+s3], $0x80, v3, vm0, $0xb8;
	[tilespmem:$0x18800] =	vst v63  }
0x1d2: {  	v3 =	vld [tilespmem:$0x1A0];
	_ =	sdelay $0x4  }
0x1d3: {  	v18 =	vshll.u32 v3, $0x2  }
0x1d4: {  	v3 =	vand.u32 $0x7, v3;
	v4 =	vand.u32 $0xFFFFFFE0, v18  }
0x1d5: {  	v3 =	vor.u32 v3, v4  }
0x1d6: {  	v4 =	vperm.xlane v3, v0;
	_ =	sdelay $0x1  }
0x1d7: {  	v4 =	vadd.s32 v1, v4;
	_ =	sdelay $0x1  }
0x1d8: {  	v3 =	vperm.xlane v3, v2;
	_ =	sdelay $0x1  }
0x1d9: {  	v3 =	vadd.s32 v1, v3  }
0x1da: {  	[tilespmem:s8], [sflag:$0x1] =	stream.indirect_vreg.gather [hbm4b:s1+s3], $0x80, v4, vm0, $0xb8;
	[tilespmem:$0x18800] =	vst v63  }
0x1db: {  	_ = 	snop  }
0x1dc: {  	[tilespmem:s4], [sflag:$0x1] =	stream.indirect_vreg.gather [hbm4b:s5+s3], $0x80, v4, vm0, $0xb8;
	[tilespmem:$0x18800] =	vst v63  }
0x1dd: {  	_ = 	snop  }
0x1de: {  	[tilespmem:s6], [sflag:$0x1] =	stream.indirect_vreg.gather [hbm4b:s1+s3], $0x80, v3, vm0, $0xb8;
	[tilespmem:$0x18800] =	vst v63  }
0x1df: {  	s31 =	simm.s32 $0x6000  }
0x1e0: {  	[tilespmem:s31], [sflag:$0x1] =	stream.indirect_vreg.gather [hbm4b:s5+s3], $0x80, v3, vm0, $0xb8;
	[tilespmem:$0x18800] =	vst v63  }
0x1e1: {  	v3 =	vld [tilespmem:$0x1B0];
	_ =	sdelay $0x4  }
0x1e2: {  	v19 =	vshll.u32 v3, $0x2  }
0x1e3: {  	v3 =	vand.u32 $0x7, v3;
	v4 =	vand.u32 $0xFFFFFFE0, v19  }
0x1e4: {  	v3 =	vor.u32 v3, v4  }
0x1e5: {  	v4 =	vperm.xlane v3, v0;
	_ =	sdelay $0x1  }
0x1e6: {  	v4 =	vadd.s32 v1, v4;
	_ =	sdelay $0x1  }
0x1e7: {  	v3 =	vperm.xlane v3, v2;
	_ =	sdelay $0x1  }
0x1e8: {  	v3 =	vadd.s32 v1, v3  }
0x1e9: {  	[tilespmem:s7], [sflag:$0x1] =	stream.indirect_vreg.gather [hbm4b:s1+s3], $0x80, v4, vm0, $0xb8;
	[tilespmem:$0x18800] =	vst v63  }
0x1ea: {  	_ = 	snop  }
0x1eb: {  	[tilespmem:s9], [sflag:$0x1] =	stream.indirect_vreg.gather [hbm4b:s5+s3], $0x80, v4, vm0, $0xb8;
	[tilespmem:$0x18800] =	vst v63  }
0x1ec: {  	_ = 	snop  }
0x1ed: {  	[tilespmem:s10], [sflag:$0x1] =	stream.indirect_vreg.gather [hbm4b:s1+s3], $0x80, v3, vm0, $0xb8;
	[tilespmem:$0x18800] =	vst v63  }
0x1ee: {  	_ = 	snop  }
0x1ef: {  	[tilespmem:s11], [sflag:$0x1] =	stream.indirect_vreg.gather [hbm4b:s5+s3], $0x80, v3, vm0, $0xb8;
	[tilespmem:$0x18800] =	vst v63  }
0x1f0: {  	_ =	swait.ge [sflag:s17], $0x8000  }
0x1f1: {  	[sflag:s17] =	ssyncset.done $0x0  }
0x1f2: {  	s6 =	simm.s32 $0x8800;
	s4 =	rddreg [dreg:$0x8];
	[sflag:s17] =	ssyncadd.s32 $0xFFFF8000  }
0x1f3: {  	[hbm4b:s4+s3] =	stream.linear.scatter [tilespmem:s6], [sflag:$0x5], $0x8000, $0x38;
	[tilespmem:$0x18800] =	vst v63  }
0x1f4: {  	_ =	swait.ge [sflag:s18], $0x8000  }
0x1f5: {  	[sflag:s18] =	ssyncset.done $0x0  }
0x1f6: {  	[sflag:s18] =	ssyncadd.s32 $0xFFFF8000  }
0x1f7: {  	v3 =	vld [tilespmem:$0x1C0];
	_ =	sdelay $0x4  }
0x1f8: {  	v20 =	vshll.u32 v3, $0x2  }
0x1f9: {  	v3 =	vand.u32 $0x7, v3;
	v4 =	vand.u32 $0xFFFFFFE0, v20  }
0x1fa: {  	v3 =	vor.u32 v3, v4  }
0x1fb: {  	v4 =	vperm.xlane v3, v0;
	_ =	sdelay $0x1  }
0x1fc: {  	v4 =	vadd.s32 v1, v4;
	_ =	sdelay $0x1  }
0x1fd: {  	v3 =	vperm.xlane v3, v2;
	_ =	sdelay $0x1  }
0x1fe: {  	v3 =	vadd.s32 v1, v3  }
0x1ff: {  	[tilespmem:s6], [sflag:$0x2] =	stream.indirect_vreg.gather [hbm4b:s1+s3], $0x80, v4, vm0, $0xb8;
	[tilespmem:$0x18800] =	vst v63  }
0x200: {  	_ = 	snop  }
0x201: {  	[tilespmem:s24], [sflag:$0x2] =	stream.indirect_vreg.gather [hbm4b:s5+s3], $0x80, v4, vm0, $0xb8;
	[tilespmem:$0x18800] =	vst v63  }
0x202: {  	s7 =	simm.s32 $0x9800  }
0x203: {  	[tilespmem:s7], [sflag:$0x2] =	stream.indirect_vreg.gather [hbm4b:s1+s3], $0x80, v3, vm0, $0xb8;
	[tilespmem:$0x18800] =	vst v63  }
0x204: {  	s9 =	simm.s32 $0xA000  }
0x205: {  	[tilespmem:s9], [sflag:$0x2] =	stream.indirect_vreg.gather [hbm4b:s5+s3], $0x80, v3, vm0, $0xb8;
	[tilespmem:$0x18800] =	vst v63  }
0x206: {  	v3 =	vld [tilespmem:$0x1D0];
	_ =	sdelay $0x4  }
0x207: {  	v21 =	vshll.u32 v3, $0x2  }
0x208: {  	v3 =	vand.u32 $0x7, v3;
	v4 =	vand.u32 $0xFFFFFFE0, v21  }
0x209: {  	v3 =	vor.u32 v3, v4  }
0x20a: {  	v4 =	vperm.xlane v3, v0;
	_ =	sdelay $0x1  }
0x20b: {  	v4 =	vadd.s32 v1, v4;
	_ =	sdelay $0x1  }
0x20c: {  	v3 =	vperm.xlane v3, v2;
	_ =	sdelay $0x1  }
0x20d: {  	s10 =	simm.s32 $0xA800;
	v3 =	vadd.s32 v1, v3  }
0x20e: {  	[tilespmem:s10], [sflag:$0x2] =	stream.indirect_vreg.gather [hbm4b:s1+s3], $0x80, v4, vm0, $0xb8;
	[tilespmem:$0x18800] =	vst v63  }
0x20f: {  	s11 =	simm.s32 $0xB000  }
0x210: {  	[tilespmem:s11], [sflag:$0x2] =	stream.indirect_vreg.gather [hbm4b:s5+s3], $0x80, v4, vm0, $0xb8;
	[tilespmem:$0x18800] =	vst v63  }
0x211: {  	s21 =	simm.s32 $0xB800  }
0x212: {  	[tilespmem:s21], [sflag:$0x2] =	stream.indirect_vreg.gather [hbm4b:s1+s3], $0x80, v3, vm0, $0xb8;
	[tilespmem:$0x18800] =	vst v63  }
0x213: {  	s24 =	simm.s32 $0xC000  }
0x214: {  	[tilespmem:s24], [sflag:$0x2] =	stream.indirect_vreg.gather [hbm4b:s5+s3], $0x80, v3, vm0, $0xb8;
	[tilespmem:$0x18800] =	vst v63  }
0x215: {  	v3 =	vld [tilespmem:$0x1E0];
	_ =	sdelay $0x4  }
0x216: {  	v22 =	vshll.u32 v3, $0x2  }
0x217: {  	v3 =	vand.u32 $0x7, v3;
	v4 =	vand.u32 $0xFFFFFFE0, v22  }
0x218: {  	v3 =	vor.u32 v3, v4  }
0x219: {  	v4 =	vperm.xlane v3, v0;
	_ =	sdelay $0x1  }
0x21a: {  	v4 =	vadd.s32 v1, v4;
	_ =	sdelay $0x1  }
0x21b: {  	v3 =	vperm.xlane v3, v2;
	_ =	sdelay $0x1  }
0x21c: {  	s4 =	simm.s32 $0xC800;
	v3 =	vadd.s32 v1, v3  }
0x21d: {  	[tilespmem:s4], [sflag:$0x2] =	stream.indirect_vreg.gather [hbm4b:s1+s3], $0x80, v4, vm0, $0xb8;
	[tilespmem:$0x18800] =	vst v63  }
0x21e: {  	s6 =	simm.s32 $0xD000  }
0x21f: {  	[tilespmem:s6], [sflag:$0x2] =	stream.indirect_vreg.gather [hbm4b:s5+s3], $0x80, v4, vm0, $0xb8;
	[tilespmem:$0x18800] =	vst v63  }
0x220: {  	s9 =	simm.s32 $0xD800  }
0x221: {  	[tilespmem:s9], [sflag:$0x2] =	stream.indirect_vreg.gather [hbm4b:s1+s3], $0x80, v3, vm0, $0xb8;
	[tilespmem:$0x18800] =	vst v63  }
0x222: {  	s10 =	simm.s32 $0xE000  }
0x223: {  	[tilespmem:s10], [sflag:$0x2] =	stream.indirect_vreg.gather [hbm4b:s5+s3], $0x80, v3, vm0, $0xb8;
	[tilespmem:$0x18800] =	vst v63  }
0x224: {  	v3 =	vld [tilespmem:$0x1F0];
	_ =	sdelay $0x4  }
0x225: {  	v23 =	vshll.u32 v3, $0x2  }
0x226: {  	v3 =	vand.u32 $0x7, v3;
	v4 =	vand.u32 $0xFFFFFFE0, v23  }
0x227: {  	v3 =	vor.u32 v3, v4  }
0x228: {  	v4 =	vperm.xlane v3, v0;
	_ =	sdelay $0x1  }
0x229: {  	v4 =	vadd.s32 v1, v4;
	_ =	sdelay $0x1  }
0x22a: {  	v3 =	vperm.xlane v3, v2;
	_ =	sdelay $0x1  }
0x22b: {  	s21 =	simm.s32 $0xE800;
	v3 =	vadd.s32 v1, v3  }
0x22c: {  	[tilespmem:s21], [sflag:$0x2] =	stream.indirect_vreg.gather [hbm4b:s1+s3], $0x80, v4, vm0, $0xb8;
	[tilespmem:$0x18800] =	vst v63  }
0x22d: {  	s24 =	simm.s32 $0xF000  }
0x22e: {  	[tilespmem:s24], [sflag:$0x2] =	stream.indirect_vreg.gather [hbm4b:s5+s3], $0x80, v4, vm0, $0xb8;
	[tilespmem:$0x18800] =	vst v63  }
0x22f: {  	s4 =	simm.s32 $0xF800  }
0x230: {  	[tilespmem:s4], [sflag:$0x2] =	stream.indirect_vreg.gather [hbm4b:s1+s3], $0x80, v3, vm0, $0xb8;
	[tilespmem:$0x18800] =	vst v63  }
0x231: {  	s6 =	simm.s32 $0x10000  }
0x232: {  	[tilespmem:s6], [sflag:$0x2] =	stream.indirect_vreg.gather [hbm4b:s5+s3], $0x80, v3, vm0, $0xb8;
	[tilespmem:$0x18800] =	vst v63  }
0x233: {  	_ =	swait.ge [sflag:s19], $0x8000  }
0x234: {  	[sflag:s19] =	ssyncset.done $0x0  }
0x235: {  	s10 =	simm.s32 $0x10800;
	s9 =	rddreg [dreg:$0x9];
	[sflag:s19] =	ssyncadd.s32 $0xFFFF8000  }
0x236: {  	[hbm4b:s9+s3] =	stream.linear.scatter [tilespmem:s10], [sflag:$0x6], $0x8000, $0x38;
	[tilespmem:$0x18800] =	vst v63  }
0x237: {  	_ =	swait.ge [sflag:s20], $0x8000  }
0x238: {  	[sflag:s20] =	ssyncset.done $0x0  }
0x239: {  	[sflag:s20] =	ssyncadd.s32 $0xFFFF8000  }
0x23a: {  	v3 =	vld [tilespmem:$0x200];
	_ =	sdelay $0x4  }
0x23b: {  	v24 =	vshll.u32 v3, $0x2  }
0x23c: {  	v3 =	vand.u32 $0x7, v3;
	v4 =	vand.u32 $0xFFFFFFE0, v24  }
0x23d: {  	v3 =	vor.u32 v3, v4  }
0x23e: {  	v4 =	vperm.xlane v3, v0;
	_ =	sdelay $0x1  }
0x23f: {  	v4 =	vadd.s32 v1, v4;
	_ =	sdelay $0x1  }
0x240: {  	v3 =	vperm.xlane v3, v2;
	_ =	sdelay $0x1  }
0x241: {  	v3 =	vadd.s32 v1, v3  }
0x242: {  	[tilespmem:s10], [sflag:$0x3] =	stream.indirect_vreg.gather [hbm4b:s1+s3], $0x80, v4, vm0, $0xb8;
	[tilespmem:$0x18800] =	vst v63  }
0x243: {  	_ = 	snop  }
0x244: {  	[tilespmem:s12], [sflag:$0x3] =	stream.indirect_vreg.gather [hbm4b:s5+s3], $0x80, v4, vm0, $0xb8;
	[tilespmem:$0x18800] =	vst v63  }
0x245: {  	_ = 	snop  }
0x246: {  	[tilespmem:s13], [sflag:$0x3] =	stream.indirect_vreg.gather [hbm4b:s1+s3], $0x80, v3, vm0, $0xb8;
	[tilespmem:$0x18800] =	vst v63  }
0x247: {  	s21 =	simm.s32 $0x12000  }
0x248: {  	[tilespmem:s21], [sflag:$0x3] =	stream.indirect_vreg.gather [hbm4b:s5+s3], $0x80, v3, vm0, $0xb8;
	[tilespmem:$0x18800] =	vst v63  }
0x249: {  	v3 =	vld [tilespmem:$0x210];
	_ =	sdelay $0x4  }
0x24a: {  	v25 =	vshll.u32 v3, $0x2  }
0x24b: {  	v3 =	vand.u32 $0x7, v3;
	v4 =	vand.u32 $0xFFFFFFE0, v25  }
0x24c: {  	v3 =	vor.u32 v3, v4  }
0x24d: {  	v4 =	vperm.xlane v3, v0;
	_ =	sdelay $0x1  }
0x24e: {  	v4 =	vadd.s32 v1, v4;
	_ =	sdelay $0x1  }
0x24f: {  	v3 =	vperm.xlane v3, v2;
	_ =	sdelay $0x1  }
0x250: {  	v3 =	vadd.s32 v1, v3  }
0x251: {  	[tilespmem:s22], [sflag:$0x3] =	stream.indirect_vreg.gather [hbm4b:s1+s3], $0x80, v4, vm0, $0xb8;
	[tilespmem:$0x18800] =	vst v63  }
0x252: {  	_ = 	snop  }
0x253: {  	[tilespmem:s23], [sflag:$0x3] =	stream.indirect_vreg.gather [hbm4b:s5+s3], $0x80, v4, vm0, $0xb8;
	[tilespmem:$0x18800] =	vst v63  }
0x254: {  	_ = 	snop  }
0x255: {  	[tilespmem:s25], [sflag:$0x3] =	stream.indirect_vreg.gather [hbm4b:s1+s3], $0x80, v3, vm0, $0xb8;
	[tilespmem:$0x18800] =	vst v63  }
0x256: {  	s22 =	simm.s32 $0x14000  }
0x257: {  	[tilespmem:s22], [sflag:$0x3] =	stream.indirect_vreg.gather [hbm4b:s5+s3], $0x80, v3, vm0, $0xb8;
	[tilespmem:$0x18800] =	vst v63  }
0x258: {  	v3 =	vld [tilespmem:$0x220];
	_ =	sdelay $0x4  }
0x259: {  	v26 =	vshll.u32 v3, $0x2  }
0x25a: {  	v3 =	vand.u32 $0x7, v3;
	v4 =	vand.u32 $0xFFFFFFE0, v26  }
0x25b: {  	v3 =	vor.u32 v3, v4  }
0x25c: {  	v4 =	vperm.xlane v3, v0;
	_ =	sdelay $0x1  }
0x25d: {  	v4 =	vadd.s32 v1, v4;
	_ =	sdelay $0x1  }
0x25e: {  	v3 =	vperm.xlane v3, v2;
	_ =	sdelay $0x1  }
0x25f: {  	v3 =	vadd.s32 v1, v3  }
0x260: {  	[tilespmem:s26], [sflag:$0x3] =	stream.indirect_vreg.gather [hbm4b:s1+s3], $0x80, v4, vm0, $0xb8;
	[tilespmem:$0x18800] =	vst v63  }
0x261: {  	_ = 	snop  }
0x262: {  	[tilespmem:s28], [sflag:$0x3] =	stream.indirect_vreg.gather [hbm4b:s5+s3], $0x80, v4, vm0, $0xb8;
	[tilespmem:$0x18800] =	vst v63  }
0x263: {  	_ = 	snop  }
0x264: {  	[tilespmem:s29], [sflag:$0x3] =	stream.indirect_vreg.gather [hbm4b:s1+s3], $0x80, v3, vm0, $0xb8;
	[tilespmem:$0x18800] =	vst v63  }
0x265: {  	s23 =	simm.s32 $0x16000  }
0x266: {  	[tilespmem:s23], [sflag:$0x3] =	stream.indirect_vreg.gather [hbm4b:s5+s3], $0x80, v3, vm0, $0xb8;
	[tilespmem:$0x18800] =	vst v63  }
0x267: {  	v3 =	vld [tilespmem:$0x230];
	_ =	sdelay $0x4  }
0x268: {  	v27 =	vshll.u32 v3, $0x2  }
0x269: {  	v3 =	vand.u32 $0x7, v3;
	v4 =	vand.u32 $0xFFFFFFE0, v27  }
0x26a: {  	v3 =	vor.u32 v3, v4  }
0x26b: {  	v4 =	vperm.xlane v3, v0;
	_ =	sdelay $0x1  }
0x26c: {  	v4 =	vadd.s32 v1, v4;
	_ =	sdelay $0x1  }
0x26d: {  	v3 =	vperm.xlane v3, v2;
	_ =	sdelay $0x1  }
0x26e: {  	v3 =	vadd.s32 v1, v3  }
0x26f: {  	[tilespmem:s30], [sflag:$0x3] =	stream.indirect_vreg.gather [hbm4b:s1+s3], $0x80, v4, vm0, $0xb8;
	[tilespmem:$0x18800] =	vst v63  }
0x270: {  	_ = 	snop  }
0x271: {  	[tilespmem:s2], [sflag:$0x3] =	stream.indirect_vreg.gather [hbm4b:s5+s3], $0x80, v4, vm0, $0xb8;
	[tilespmem:$0x18800] =	vst v63  }
0x272: {  	s2 =	simm.s32 $0x17800  }
0x273: {  	[tilespmem:s2], [sflag:$0x3] =	stream.indirect_vreg.gather [hbm4b:s1+s3], $0x80, v3, vm0, $0xb8;
	[tilespmem:$0x18800] =	vst v63  }
0x274: {  	s24 =	simm.s32 $0x18000  }
0x275: {  	[tilespmem:s24], [sflag:$0x3] =	stream.indirect_vreg.gather [hbm4b:s5+s3], $0x80, v3, vm0, $0xb8;
	[tilespmem:$0x18800] =	vst v63  }
0x276: {  	_ =	swait.ge [sflag:s15], $0x8000  }
0x277: {  	[sflag:s15] =	ssyncset.done $0x0  }
0x278: {  	s26 =	simm.s32 $0x800;
	s25 =	rddreg [dreg:$0xa];
	[sflag:s15] =	ssyncadd.s32 $0xFFFF8000  }
0x279: {  	[hbm4b:s25+s3] =	stream.linear.scatter [tilespmem:s26], [sflag:$0x4], $0x8000, $0x38;
	[tilespmem:$0x18800] =	vst v63  }
0x27a: {  	_ =	swait.ge [sflag:s16], $0x8000  }
0x27b: {  	[sflag:s16] =	ssyncset.done $0x0  }
0x27c: {  	[sflag:s16] =	ssyncadd.s32 $0xFFFF8000  }
0x27d: {  	v3 =	vld [tilespmem:$0x240];
	_ =	sdelay $0x4  }
0x27e: {  	v28 =	vshll.u32 v3, $0x2  }
0x27f: {  	v3 =	vand.u32 $0x7, v3;
	v4 =	vand.u32 $0xFFFFFFE0, v28  }
0x280: {  	v3 =	vor.u32 v3, v4  }
0x281: {  	v4 =	vperm.xlane v3, v0;
	_ =	sdelay $0x1  }
0x282: {  	v4 =	vadd.s32 v1, v4;
	_ =	sdelay $0x1  }
0x283: {  	v3 =	vperm.xlane v3, v2;
	_ =	sdelay $0x1  }
0x284: {  	v3 =	vadd.s32 v1, v3  }
0x285: {  	[tilespmem:s26], [sflag:$0x1] =	stream.indirect_vreg.gather [hbm4b:s1+s3], $0x80, v4, vm0, $0xb8;
	[tilespmem:$0x18800] =	vst v63  }
0x286: {  	s4 =	simm.s32 $0x1000  }
0x287: {  	[tilespmem:s4], [sflag:$0x1] =	stream.indirect_vreg.gather [hbm4b:s5+s3], $0x80, v4, vm0, $0xb8;
	[tilespmem:$0x18800] =	vst v63  }
0x288: {  	s28 =	simm.s32 $0x1800  }
0x289: {  	[tilespmem:s28], [sflag:$0x1] =	stream.indirect_vreg.gather [hbm4b:s1+s3], $0x80, v3, vm0, $0xb8;
	[tilespmem:$0x18800] =	vst v63  }
0x28a: {  	s29 =	simm.s32 $0x2000  }
0x28b: {  	[tilespmem:s29], [sflag:$0x1] =	stream.indirect_vreg.gather [hbm4b:s5+s3], $0x80, v3, vm0, $0xb8;
	[tilespmem:$0x18800] =	vst v63  }
0x28c: {  	v3 =	vld [tilespmem:$0x250];
	_ =	sdelay $0x4  }
0x28d: {  	v29 =	vshll.u32 v3, $0x2  }
0x28e: {  	v3 =	vand.u32 $0x7, v3;
	v4 =	vand.u32 $0xFFFFFFE0, v29  }
0x28f: {  	v3 =	vor.u32 v3, v4  }
0x290: {  	v4 =	vperm.xlane v3, v0;
	_ =	sdelay $0x1  }
0x291: {  	v4 =	vadd.s32 v1, v4;
	_ =	sdelay $0x1  }
0x292: {  	v3 =	vperm.xlane v3, v2;
	_ =	sdelay $0x1  }
0x293: {  	s30 =	simm.s32 $0x2800;
	v3 =	vadd.s32 v1, v3  }
0x294: {  	[tilespmem:s30], [sflag:$0x1] =	stream.indirect_vreg.gather [hbm4b:s1+s3], $0x80, v4, vm0, $0xb8;
	[tilespmem:$0x18800] =	vst v63  }
0x295: {  	s9 =	simm.s32 $0x3000  }
0x296: {  	[tilespmem:s9], [sflag:$0x1] =	stream.indirect_vreg.gather [hbm4b:s5+s3], $0x80, v4, vm0, $0xb8;
	[tilespmem:$0x18800] =	vst v63  }
0x297: {  	s10 =	simm.s32 $0x3800  }
0x298: {  	[tilespmem:s10], [sflag:$0x1] =	stream.indirect_vreg.gather [hbm4b:s1+s3], $0x80, v3, vm0, $0xb8;
	[tilespmem:$0x18800] =	vst v63  }
0x299: {  	s14 =	simm.s32 $0x4000  }
0x29a: {  	[tilespmem:s14], [sflag:$0x1] =	stream.indirect_vreg.gather [hbm4b:s5+s3], $0x80, v3, vm0, $0xb8;
	[tilespmem:$0x18800] =	vst v63  }
0x29b: {  	v3 =	vld [tilespmem:$0x260];
	_ =	sdelay $0x4  }
0x29c: {  	v30 =	vshll.u32 v3, $0x2  }
0x29d: {  	v3 =	vand.u32 $0x7, v3;
	v4 =	vand.u32 $0xFFFFFFE0, v30  }
0x29e: {  	v3 =	vor.u32 v3, v4  }
0x29f: {  	v4 =	vperm.xlane v3, v0;
	_ =	sdelay $0x1  }
0x2a0: {  	v4 =	vadd.s32 v1, v4;
	_ =	sdelay $0x1  }
0x2a1: {  	v3 =	vperm.xlane v3, v2;
	_ =	sdelay $0x1  }
0x2a2: {  	s8 =	simm.s32 $0x4800;
	v3 =	vadd.s32 v1, v3  }
0x2a3: {  	[tilespmem:s8], [sflag:$0x1] =	stream.indirect_vreg.gather [hbm4b:s1+s3], $0x80, v4, vm0, $0xb8;
	[tilespmem:$0x18800] =	vst v63  }
0x2a4: {  	s12 =	simm.s32 $0x5000  }
0x2a5: {  	[tilespmem:s12], [sflag:$0x1] =	stream.indirect_vreg.gather [hbm4b:s5+s3], $0x80, v4, vm0, $0xb8;
	[tilespmem:$0x18800] =	vst v63  }
0x2a6: {  	s13 =	simm.s32 $0x5800  }
0x2a7: {  	[tilespmem:s13], [sflag:$0x1] =	stream.indirect_vreg.gather [hbm4b:s1+s3], $0x80, v3, vm0, $0xb8;
	[tilespmem:$0x18800] =	vst v63  }
0x2a8: {  	s31 =	simm.s32 $0x6000  }
0x2a9: {  	[tilespmem:s31], [sflag:$0x1] =	stream.indirect_vreg.gather [hbm4b:s5+s3], $0x80, v3, vm0, $0xb8;
	[tilespmem:$0x18800] =	vst v63  }
0x2aa: {  	v3 =	vld [tilespmem:$0x270];
	_ =	sdelay $0x4  }
0x2ab: {  	v31 =	vshll.u32 v3, $0x2  }
0x2ac: {  	v3 =	vand.u32 $0x7, v3;
	v4 =	vand.u32 $0xFFFFFFE0, v31  }
0x2ad: {  	v3 =	vor.u32 v3, v4  }
0x2ae: {  	v4 =	vperm.xlane v3, v0;
	_ =	sdelay $0x1  }
0x2af: {  	v4 =	vadd.s32 v1, v4;
	_ =	sdelay $0x1  }
0x2b0: {  	v3 =	vperm.xlane v3, v2;
	_ =	sdelay $0x1  }
0x2b1: {  	s14 =	simm.s32 $0x6800;
	v3 =	vadd.s32 v1, v3  }
0x2b2: {  	[tilespmem:s14], [sflag:$0x1] =	stream.indirect_vreg.gather [hbm4b:s1+s3], $0x80, v4, vm0, $0xb8;
	[tilespmem:$0x18800] =	vst v63  }
0x2b3: {  	s22 =	simm.s32 $0x7000  }
0x2b4: {  	[tilespmem:s22], [sflag:$0x1] =	stream.indirect_vreg.gather [hbm4b:s5+s3], $0x80, v4, vm0, $0xb8;
	[tilespmem:$0x18800] =	vst v63  }
0x2b5: {  	s23 =	simm.s32 $0x7800  }
0x2b6: {  	[tilespmem:s23], [sflag:$0x1] =	stream.indirect_vreg.gather [hbm4b:s1+s3], $0x80, v3, vm0, $0xb8;
	[tilespmem:$0x18800] =	vst v63  }
0x2b7: {  	s24 =	simm.s32 $0x8000  }
0x2b8: {  	[tilespmem:s24], [sflag:$0x1] =	stream.indirect_vreg.gather [hbm4b:s5+s3], $0x80, v3, vm0, $0xb8;
	[tilespmem:$0x18800] =	vst v63  }
0x2b9: {  	_ =	swait.ge [sflag:s17], $0x8000  }
0x2ba: {  	[sflag:s17] =	ssyncset.done $0x0  }
0x2bb: {  	s6 =	simm.s32 $0x8800;
	s0 =	rddreg [dreg:$0xb];
	[sflag:s17] =	ssyncadd.s32 $0xFFFF8000  }
0x2bc: {  	[hbm4b:s0+s3] =	stream.linear.scatter [tilespmem:s6], [sflag:$0x5], $0x8000, $0x38;
	[tilespmem:$0x18800] =	vst v63  }
0x2bd: {  	_ =	swait.ge [sflag:s18], $0x8000  }
0x2be: {  	[sflag:s18] =	ssyncset.done $0x0  }
0x2bf: {  	[sflag:s18] =	ssyncadd.s32 $0xFFFF8000  }
0x2c0: {  	v3 =	vld [tilespmem:$0x280];
	_ =	sdelay $0x4  }
0x2c1: {  	v32 =	vshll.u32 v3, $0x2  }
0x2c2: {  	v3 =	vand.u32 $0x7, v3;
	v4 =	vand.u32 $0xFFFFFFE0, v32  }
0x2c3: {  	v3 =	vor.u32 v3, v4  }
0x2c4: {  	v4 =	vperm.xlane v3, v0;
	_ =	sdelay $0x1  }
0x2c5: {  	v4 =	vadd.s32 v1, v4;
	_ =	sdelay $0x1  }
0x2c6: {  	v3 =	vperm.xlane v3, v2;
	_ =	sdelay $0x1  }
0x2c7: {  	v3 =	vadd.s32 v1, v3  }
0x2c8: {  	[tilespmem:s6], [sflag:$0x2] =	stream.indirect_vreg.gather [hbm4b:s1+s3], $0x80, v4, vm0, $0xb8;
	[tilespmem:$0x18800] =	vst v63  }
0x2c9: {  	s8 =	simm.s32 $0x9000  }
0x2ca: {  	[tilespmem:s8], [sflag:$0x2] =	stream.indirect_vreg.gather [hbm4b:s5+s3], $0x80, v4, vm0, $0xb8;
	[tilespmem:$0x18800] =	vst v63  }
0x2cb: {  	s25 =	simm.s32 $0x9800  }
0x2cc: {  	[tilespmem:s25], [sflag:$0x2] =	stream.indirect_vreg.gather [hbm4b:s1+s3], $0x80, v3, vm0, $0xb8;
	[tilespmem:$0x18800] =	vst v63  }
0x2cd: {  	s7 =	simm.s32 $0xA000  }
0x2ce: {  	[tilespmem:s7], [sflag:$0x2] =	stream.indirect_vreg.gather [hbm4b:s5+s3], $0x80, v3, vm0, $0xb8;
	[tilespmem:$0x18800] =	vst v63  }
0x2cf: {  	v3 =	vld [tilespmem:$0x290];
	_ =	sdelay $0x4  }
0x2d0: {  	v33 =	vshll.u32 v3, $0x2  }
0x2d1: {  	v3 =	vand.u32 $0x7, v3;
	v4 =	vand.u32 $0xFFFFFFE0, v33  }
0x2d2: {  	v3 =	vor.u32 v3, v4  }
0x2d3: {  	v4 =	vperm.xlane v3, v0;
	_ =	sdelay $0x1  }
0x2d4: {  	v4 =	vadd.s32 v1, v4;
	_ =	sdelay $0x1  }
0x2d5: {  	v3 =	vperm.xlane v3, v2;
	_ =	sdelay $0x1  }
0x2d6: {  	s26 =	simm.s32 $0xA800;
	v3 =	vadd.s32 v1, v3  }
0x2d7: {  	[tilespmem:s26], [sflag:$0x2] =	stream.indirect_vreg.gather [hbm4b:s1+s3], $0x80, v4, vm0, $0xb8;
	[tilespmem:$0x18800] =	vst v63  }
0x2d8: {  	s28 =	simm.s32 $0xB000  }
0x2d9: {  	[tilespmem:s28], [sflag:$0x2] =	stream.indirect_vreg.gather [hbm4b:s5+s3], $0x80, v4, vm0, $0xb8;
	[tilespmem:$0x18800] =	vst v63  }
0x2da: {  	s29 =	simm.s32 $0xB800  }
0x2db: {  	[tilespmem:s29], [sflag:$0x2] =	stream.indirect_vreg.gather [hbm4b:s1+s3], $0x80, v3, vm0, $0xb8;
	[tilespmem:$0x18800] =	vst v63  }
0x2dc: {  	s11 =	simm.s32 $0xC000  }
0x2dd: {  	[tilespmem:s11], [sflag:$0x2] =	stream.indirect_vreg.gather [hbm4b:s5+s3], $0x80, v3, vm0, $0xb8;
	[tilespmem:$0x18800] =	vst v63  }
0x2de: {  	v3 =	vld [tilespmem:$0x2A0];
	_ =	sdelay $0x4  }
0x2df: {  	v34 =	vshll.u32 v3, $0x2  }
0x2e0: {  	v3 =	vand.u32 $0x7, v3;
	v4 =	vand.u32 $0xFFFFFFE0, v34  }
0x2e1: {  	v3 =	vor.u32 v3, v4  }
0x2e2: {  	v4 =	vperm.xlane v3, v0;
	_ =	sdelay $0x1  }
0x2e3: {  	v4 =	vadd.s32 v1, v4;
	_ =	sdelay $0x1  }
0x2e4: {  	v3 =	vperm.xlane v3, v2;
	_ =	sdelay $0x1  }
0x2e5: {  	s30 =	simm.s32 $0xC800;
	v3 =	vadd.s32 v1, v3  }
0x2e6: {  	[tilespmem:s30], [sflag:$0x2] =	stream.indirect_vreg.gather [hbm4b:s1+s3], $0x80, v4, vm0, $0xb8;
	[tilespmem:$0x18800] =	vst v63  }
0x2e7: {  	s31 =	simm.s32 $0xD000  }
0x2e8: {  	[tilespmem:s31], [sflag:$0x2] =	stream.indirect_vreg.gather [hbm4b:s5+s3], $0x80, v4, vm0, $0xb8;
	[tilespmem:$0x18800] =	vst v63  }
0x2e9: {  	s7 =	simm.s32 $0xD800  }
0x2ea: {  	[tilespmem:s7], [sflag:$0x2] =	stream.indirect_vreg.gather [hbm4b:s1+s3], $0x80, v3, vm0, $0xb8;
	[tilespmem:$0x18800] =	vst v63  }
0x2eb: {  	s11 =	simm.s32 $0xE000  }
0x2ec: {  	[tilespmem:s11], [sflag:$0x2] =	stream.indirect_vreg.gather [hbm4b:s5+s3], $0x80, v3, vm0, $0xb8;
	[tilespmem:$0x18800] =	vst v63  }
0x2ed: {  	v3 =	vld [tilespmem:$0x2B0];
	_ =	sdelay $0x4  }
0x2ee: {  	v35 =	vshll.u32 v3, $0x2  }
0x2ef: {  	v3 =	vand.u32 $0x7, v3;
	v4 =	vand.u32 $0xFFFFFFE0, v35  }
0x2f0: {  	v3 =	vor.u32 v3, v4  }
0x2f1: {  	v4 =	vperm.xlane v3, v0;
	_ =	sdelay $0x1  }
0x2f2: {  	v4 =	vadd.s32 v1, v4;
	_ =	sdelay $0x1  }
0x2f3: {  	v3 =	vperm.xlane v3, v2;
	_ =	sdelay $0x1  }
0x2f4: {  	s6 =	simm.s32 $0xE800;
	v3 =	vadd.s32 v1, v3  }
0x2f5: {  	[tilespmem:s6], [sflag:$0x2] =	stream.indirect_vreg.gather [hbm4b:s1+s3], $0x80, v4, vm0, $0xb8;
	[tilespmem:$0x18800] =	vst v63  }
0x2f6: {  	s7 =	simm.s32 $0xF000  }
0x2f7: {  	[tilespmem:s7], [sflag:$0x2] =	stream.indirect_vreg.gather [hbm4b:s5+s3], $0x80, v4, vm0, $0xb8;
	[tilespmem:$0x18800] =	vst v63  }
0x2f8: {  	s11 =	simm.s32 $0xF800  }
0x2f9: {  	[tilespmem:s11], [sflag:$0x2] =	stream.indirect_vreg.gather [hbm4b:s1+s3], $0x80, v3, vm0, $0xb8;
	[tilespmem:$0x18800] =	vst v63  }
0x2fa: {  	s21 =	simm.s32 $0x10000  }
0x2fb: {  	[tilespmem:s21], [sflag:$0x2] =	stream.indirect_vreg.gather [hbm4b:s5+s3], $0x80, v3, vm0, $0xb8;
	[tilespmem:$0x18800] =	vst v63  }
0x2fc: {  	_ =	swait.ge [sflag:s19], $0x8000  }
0x2fd: {  	[sflag:s19] =	ssyncset.done $0x0  }
0x2fe: {  	s0 =	simm.s32 $0x10800;
	s21 =	rddreg [dreg:$0xc];
	[sflag:s19] =	ssyncadd.s32 $0xFFFF8000  }
0x2ff: {  	[hbm4b:s21+s3] =	stream.linear.scatter [tilespmem:s0], [sflag:$0x6], $0x8000, $0x38;
	[tilespmem:$0x18800] =	vst v63  }
0x300: {  	_ =	swait.ge [sflag:s20], $0x8000  }
0x301: {  	[sflag:s20] =	ssyncset.done $0x0  }
0x302: {  	[sflag:s20] =	ssyncadd.s32 $0xFFFF8000  }
0x303: {  	v3 =	vld [tilespmem:$0x2C0];
	_ =	sdelay $0x4  }
0x304: {  	v36 =	vshll.u32 v3, $0x2  }
0x305: {  	v3 =	vand.u32 $0x7, v3;
	v4 =	vand.u32 $0xFFFFFFE0, v36  }
0x306: {  	v3 =	vor.u32 v3, v4  }
0x307: {  	v4 =	vperm.xlane v3, v0;
	_ =	sdelay $0x1  }
0x308: {  	v4 =	vadd.s32 v1, v4;
	_ =	sdelay $0x1  }
0x309: {  	v3 =	vperm.xlane v3, v2;
	_ =	sdelay $0x1  }
0x30a: {  	v3 =	vadd.s32 v1, v3  }
0x30b: {  	[tilespmem:s0], [sflag:$0x3] =	stream.indirect_vreg.gather [hbm4b:s1+s3], $0x80, v4, vm0, $0xb8;
	[tilespmem:$0x18800] =	vst v63  }
0x30c: {  	s21 =	simm.s32 $0x11000  }
0x30d: {  	[tilespmem:s21], [sflag:$0x3] =	stream.indirect_vreg.gather [hbm4b:s5+s3], $0x80, v4, vm0, $0xb8;
	[tilespmem:$0x18800] =	vst v63  }
0x30e: {  	s21 =	simm.s32 $0x11800  }
0x30f: {  	[tilespmem:s21], [sflag:$0x3] =	stream.indirect_vreg.gather [hbm4b:s1+s3], $0x80, v3, vm0, $0xb8;
	[tilespmem:$0x18800] =	vst v63  }
0x310: {  	s21 =	simm.s32 $0x12000  }
0x311: {  	[tilespmem:s21], [sflag:$0x3] =	stream.indirect_vreg.gather [hbm4b:s5+s3], $0x80, v3, vm0, $0xb8;
	[tilespmem:$0x18800] =	vst v63  }
0x312: {  	v3 =	vld [tilespmem:$0x2D0];
	_ =	sdelay $0x4  }
0x313: {  	v37 =	vshll.u32 v3, $0x2  }
0x314: {  	v3 =	vand.u32 $0x7, v3;
	v4 =	vand.u32 $0xFFFFFFE0, v37  }
0x315: {  	v3 =	vor.u32 v3, v4  }
0x316: {  	v4 =	vperm.xlane v3, v0;
	_ =	sdelay $0x1  }
0x317: {  	v4 =	vadd.s32 v1, v4;
	_ =	sdelay $0x1  }
0x318: {  	v3 =	vperm.xlane v3, v2;
	_ =	sdelay $0x1  }
0x319: {  	s21 =	simm.s32 $0x12800;
	v3 =	vadd.s32 v1, v3  }
0x31a: {  	[tilespmem:s21], [sflag:$0x3] =	stream.indirect_vreg.gather [hbm4b:s1+s3], $0x80, v4, vm0, $0xb8;
	[tilespmem:$0x18800] =	vst v63  }
0x31b: {  	s21 =	simm.s32 $0x13000  }
0x31c: {  	[tilespmem:s21], [sflag:$0x3] =	stream.indirect_vreg.gather [hbm4b:s5+s3], $0x80, v4, vm0, $0xb8;
	[tilespmem:$0x18800] =	vst v63  }
0x31d: {  	s21 =	simm.s32 $0x13800  }
0x31e: {  	[tilespmem:s21], [sflag:$0x3] =	stream.indirect_vreg.gather [hbm4b:s1+s3], $0x80, v3, vm0, $0xb8;
	[tilespmem:$0x18800] =	vst v63  }
0x31f: {  	s21 =	simm.s32 $0x14000  }
0x320: {  	[tilespmem:s21], [sflag:$0x3] =	stream.indirect_vreg.gather [hbm4b:s5+s3], $0x80, v3, vm0, $0xb8;
	[tilespmem:$0x18800] =	vst v63  }
0x321: {  	v3 =	vld [tilespmem:$0x2E0];
	_ =	sdelay $0x4  }
0x322: {  	v38 =	vshll.u32 v3, $0x2  }
0x323: {  	v3 =	vand.u32 $0x7, v3;
	v4 =	vand.u32 $0xFFFFFFE0, v38  }
0x324: {  	v3 =	vor.u32 v3, v4  }
0x325: {  	v4 =	vperm.xlane v3, v0;
	_ =	sdelay $0x1  }
0x326: {  	v4 =	vadd.s32 v1, v4;
	_ =	sdelay $0x1  }
0x327: {  	v3 =	vperm.xlane v3, v2;
	_ =	sdelay $0x1  }
0x328: {  	s21 =	simm.s32 $0x14800;
	v3 =	vadd.s32 v1, v3  }
0x329: {  	[tilespmem:s21], [sflag:$0x3] =	stream.indirect_vreg.gather [hbm4b:s1+s3], $0x80, v4, vm0, $0xb8;
	[tilespmem:$0x18800] =	vst v63  }
0x32a: {  	s21 =	simm.s32 $0x15000  }
0x32b: {  	[tilespmem:s21], [sflag:$0x3] =	stream.indirect_vreg.gather [hbm4b:s5+s3], $0x80, v4, vm0, $0xb8;
	[tilespmem:$0x18800] =	vst v63  }
0x32c: {  	s21 =	simm.s32 $0x15800  }
0x32d: {  	[tilespmem:s21], [sflag:$0x3] =	stream.indirect_vreg.gather [hbm4b:s1+s3], $0x80, v3, vm0, $0xb8;
	[tilespmem:$0x18800] =	vst v63  }
0x32e: {  	s21 =	simm.s32 $0x16000  }
0x32f: {  	[tilespmem:s21], [sflag:$0x3] =	stream.indirect_vreg.gather [hbm4b:s5+s3], $0x80, v3, vm0, $0xb8;
	[tilespmem:$0x18800] =	vst v63  }
0x330: {  	v3 =	vld [tilespmem:$0x2F0];
	_ =	sdelay $0x4  }
0x331: {  	v39 =	vshll.u32 v3, $0x2  }
0x332: {  	v3 =	vand.u32 $0x7, v3;
	v4 =	vand.u32 $0xFFFFFFE0, v39  }
0x333: {  	v3 =	vor.u32 v3, v4  }
0x334: {  	v4 =	vperm.xlane v3, v0;
	_ =	sdelay $0x1  }
0x335: {  	v4 =	vadd.s32 v1, v4;
	_ =	sdelay $0x1  }
0x336: {  	v3 =	vperm.xlane v3, v2;
	_ =	sdelay $0x1  }
0x337: {  	s21 =	simm.s32 $0x16800;
	v3 =	vadd.s32 v1, v3  }
0x338: {  	[tilespmem:s21], [sflag:$0x3] =	stream.indirect_vreg.gather [hbm4b:s1+s3], $0x80, v4, vm0, $0xb8;
	[tilespmem:$0x18800] =	vst v63  }
0x339: {  	s21 =	simm.s32 $0x17000  }
0x33a: {  	[tilespmem:s21], [sflag:$0x3] =	stream.indirect_vreg.gather [hbm4b:s5+s3], $0x80, v4, vm0, $0xb8;
	[tilespmem:$0x18800] =	vst v63  }
0x33b: {  	_ = 	snop  }
0x33c: {  	[tilespmem:s2], [sflag:$0x3] =	stream.indirect_vreg.gather [hbm4b:s1+s3], $0x80, v3, vm0, $0xb8;
	[tilespmem:$0x18800] =	vst v63  }
0x33d: {  	s21 =	simm.s32 $0x18000  }
0x33e: {  	[tilespmem:s21], [sflag:$0x3] =	stream.indirect_vreg.gather [hbm4b:s5+s3], $0x80, v3, vm0, $0xb8;
	[tilespmem:$0x18800] =	vst v63  }
0x33f: {  	_ =	swait.ge [sflag:s15], $0x8000  }
0x340: {  	[sflag:s15] =	ssyncset.done $0x0  }
0x341: {  	s2 =	simm.s32 $0x800;
	s0 =	rddreg [dreg:$0xd];
	[sflag:s15] =	ssyncadd.s32 $0xFFFF8000  }
0x342: {  	[hbm4b:s0+s3] =	stream.linear.scatter [tilespmem:s2], [sflag:$0x4], $0x8000, $0x38;
	[tilespmem:$0x18800] =	vst v63  }
0x343: {  	_ =	swait.ge [sflag:s16], $0x8000  }
0x344: {  	[sflag:s16] =	ssyncset.done $0x0  }
0x345: {  	[sflag:s16] =	ssyncadd.s32 $0xFFFF8000  }
0x346: {  	v3 =	vld [tilespmem:$0x300];
	_ =	sdelay $0x4  }
0x347: {  	v40 =	vshll.u32 v3, $0x2  }
0x348: {  	v3 =	vand.u32 $0x7, v3;
	v4 =	vand.u32 $0xFFFFFFE0, v40  }
0x349: {  	v3 =	vor.u32 v3, v4  }
0x34a: {  	v4 =	vperm.xlane v3, v0;
	_ =	sdelay $0x1  }
0x34b: {  	v4 =	vadd.s32 v1, v4;
	_ =	sdelay $0x1  }
0x34c: {  	v3 =	vperm.xlane v3, v2;
	_ =	sdelay $0x1  }
0x34d: {  	v3 =	vadd.s32 v1, v3  }
0x34e: {  	[tilespmem:s2], [sflag:$0x1] =	stream.indirect_vreg.gather [hbm4b:s1+s3], $0x80, v4, vm0, $0xb8;
	[tilespmem:$0x18800] =	vst v63  }
0x34f: {  	_ = 	snop  }
0x350: {  	[tilespmem:s4], [sflag:$0x1] =	stream.indirect_vreg.gather [hbm4b:s5+s3], $0x80, v4, vm0, $0xb8;
	[tilespmem:$0x18800] =	vst v63  }
0x351: {  	s21 =	simm.s32 $0x1800  }
0x352: {  	[tilespmem:s21], [sflag:$0x1] =	stream.indirect_vreg.gather [hbm4b:s1+s3], $0x80, v3, vm0, $0xb8;
	[tilespmem:$0x18800] =	vst v63  }
0x353: {  	s2 =	simm.s32 $0x2000  }
0x354: {  	[tilespmem:s2], [sflag:$0x1] =	stream.indirect_vreg.gather [hbm4b:s5+s3], $0x80, v3, vm0, $0xb8;
	[tilespmem:$0x18800] =	vst v63  }
0x355: {  	v3 =	vld [tilespmem:$0x310];
	_ =	sdelay $0x4  }
0x356: {  	v41 =	vshll.u32 v3, $0x2  }
0x357: {  	v3 =	vand.u32 $0x7, v3;
	v4 =	vand.u32 $0xFFFFFFE0, v41  }
0x358: {  	v3 =	vor.u32 v3, v4  }
0x359: {  	v4 =	vperm.xlane v3, v0;
	_ =	sdelay $0x1  }
0x35a: {  	v4 =	vadd.s32 v1, v4;
	_ =	sdelay $0x1  }
0x35b: {  	v3 =	vperm.xlane v3, v2;
	_ =	sdelay $0x1  }
0x35c: {  	s4 =	simm.s32 $0x2800;
	v3 =	vadd.s32 v1, v3  }
0x35d: {  	[tilespmem:s4], [sflag:$0x1] =	stream.indirect_vreg.gather [hbm4b:s1+s3], $0x80, v4, vm0, $0xb8;
	[tilespmem:$0x18800] =	vst v63  }
0x35e: {  	_ = 	snop  }
0x35f: {  	[tilespmem:s9], [sflag:$0x1] =	stream.indirect_vreg.gather [hbm4b:s5+s3], $0x80, v4, vm0, $0xb8;
	[tilespmem:$0x18800] =	vst v63  }
0x360: {  	_ = 	snop  }
0x361: {  	[tilespmem:s10], [sflag:$0x1] =	stream.indirect_vreg.gather [hbm4b:s1+s3], $0x80, v3, vm0, $0xb8;
	[tilespmem:$0x18800] =	vst v63  }
0x362: {  	s9 =	simm.s32 $0x4000  }
0x363: {  	[tilespmem:s9], [sflag:$0x1] =	stream.indirect_vreg.gather [hbm4b:s5+s3], $0x80, v3, vm0, $0xb8;
	[tilespmem:$0x18800] =	vst v63  }
0x364: {  	v3 =	vld [tilespmem:$0x320];
	_ =	sdelay $0x4  }
0x365: {  	v42 =	vshll.u32 v3, $0x2  }
0x366: {  	v3 =	vand.u32 $0x7, v3;
	v4 =	vand.u32 $0xFFFFFFE0, v42  }
0x367: {  	v3 =	vor.u32 v3, v4  }
0x368: {  	v4 =	vperm.xlane v3, v0;
	_ =	sdelay $0x1  }
0x369: {  	v4 =	vadd.s32 v1, v4;
	_ =	sdelay $0x1  }
0x36a: {  	v3 =	vperm.xlane v3, v2;
	_ =	sdelay $0x1  }
0x36b: {  	s10 =	simm.s32 $0x4800;
	v3 =	vadd.s32 v1, v3  }
0x36c: {  	[tilespmem:s10], [sflag:$0x1] =	stream.indirect_vreg.gather [hbm4b:s1+s3], $0x80, v4, vm0, $0xb8;
	[tilespmem:$0x18800] =	vst v63  }
0x36d: {  	_ = 	snop  }
0x36e: {  	[tilespmem:s12], [sflag:$0x1] =	stream.indirect_vreg.gather [hbm4b:s5+s3], $0x80, v4, vm0, $0xb8;
	[tilespmem:$0x18800] =	vst v63  }
0x36f: {  	_ = 	snop  }
0x370: {  	[tilespmem:s13], [sflag:$0x1] =	stream.indirect_vreg.gather [hbm4b:s1+s3], $0x80, v3, vm0, $0xb8;
	[tilespmem:$0x18800] =	vst v63  }
0x371: {  	s12 =	simm.s32 $0x6000  }
0x372: {  	[tilespmem:s12], [sflag:$0x1] =	stream.indirect_vreg.gather [hbm4b:s5+s3], $0x80, v3, vm0, $0xb8;
	[tilespmem:$0x18800] =	vst v63  }
0x373: {  	v3 =	vld [tilespmem:$0x330];
	_ =	sdelay $0x4  }
0x374: {  	v43 =	vshll.u32 v3, $0x2  }
0x375: {  	v3 =	vand.u32 $0x7, v3;
	v4 =	vand.u32 $0xFFFFFFE0, v43  }
0x376: {  	v3 =	vor.u32 v3, v4  }
0x377: {  	v4 =	vperm.xlane v3, v0;
	_ =	sdelay $0x1  }
0x378: {  	v4 =	vadd.s32 v1, v4;
	_ =	sdelay $0x1  }
0x379: {  	v3 =	vperm.xlane v3, v2;
	_ =	sdelay $0x1  }
0x37a: {  	v3 =	vadd.s32 v1, v3  }
0x37b: {  	[tilespmem:s14], [sflag:$0x1] =	stream.indirect_vreg.gather [hbm4b:s1+s3], $0x80, v4, vm0, $0xb8;
	[tilespmem:$0x18800] =	vst v63  }
0x37c: {  	_ = 	snop  }
0x37d: {  	[tilespmem:s22], [sflag:$0x1] =	stream.indirect_vreg.gather [hbm4b:s5+s3], $0x80, v4, vm0, $0xb8;
	[tilespmem:$0x18800] =	vst v63  }
0x37e: {  	_ = 	snop  }
0x37f: {  	[tilespmem:s23], [sflag:$0x1] =	stream.indirect_vreg.gather [hbm4b:s1+s3], $0x80, v3, vm0, $0xb8;
	[tilespmem:$0x18800] =	vst v63  }
0x380: {  	_ = 	snop  }
0x381: {  	[tilespmem:s24], [sflag:$0x1] =	stream.indirect_vreg.gather [hbm4b:s5+s3], $0x80, v3, vm0, $0xb8;
	[tilespmem:$0x18800] =	vst v63  }
0x382: {  	_ =	swait.ge [sflag:s17], $0x8000  }
0x383: {  	[sflag:s17] =	ssyncset.done $0x0  }
0x384: {  	s14 =	simm.s32 $0x8800;
	s13 =	rddreg [dreg:$0xe];
	[sflag:s17] =	ssyncadd.s32 $0xFFFF8000  }
0x385: {  	[hbm4b:s13+s3] =	stream.linear.scatter [tilespmem:s14], [sflag:$0x5], $0x8000, $0x38;
	[tilespmem:$0x18800] =	vst v63  }
0x386: {  	_ =	swait.ge [sflag:s18], $0x8000  }
0x387: {  	[sflag:s18] =	ssyncset.done $0x0  }
0x388: {  	[sflag:s18] =	ssyncadd.s32 $0xFFFF8000  }
0x389: {  	v3 =	vld [tilespmem:$0x340];
	_ =	sdelay $0x4  }
0x38a: {  	v44 =	vshll.u32 v3, $0x2  }
0x38b: {  	v3 =	vand.u32 $0x7, v3;
	v4 =	vand.u32 $0xFFFFFFE0, v44  }
0x38c: {  	v3 =	vor.u32 v3, v4  }
0x38d: {  	v4 =	vperm.xlane v3, v0;
	_ =	sdelay $0x1  }
0x38e: {  	v4 =	vadd.s32 v1, v4;
	_ =	sdelay $0x1  }
0x38f: {  	v3 =	vperm.xlane v3, v2;
	_ =	sdelay $0x1  }
0x390: {  	v3 =	vadd.s32 v1, v3  }
0x391: {  	[tilespmem:s14], [sflag:$0x2] =	stream.indirect_vreg.gather [hbm4b:s1+s3], $0x80, v4, vm0, $0xb8;
	[tilespmem:$0x18800] =	vst v63  }
0x392: {  	_ = 	snop  }
0x393: {  	[tilespmem:s8], [sflag:$0x2] =	stream.indirect_vreg.gather [hbm4b:s5+s3], $0x80, v4, vm0, $0xb8;
	[tilespmem:$0x18800] =	vst v63  }
0x394: {  	_ = 	snop  }
0x395: {  	[tilespmem:s25], [sflag:$0x2] =	stream.indirect_vreg.gather [hbm4b:s1+s3], $0x80, v3, vm0, $0xb8;
	[tilespmem:$0x18800] =	vst v63  }
0x396: {  	s0 =	simm.s32 $0xA000  }
0x397: {  	[tilespmem:s0], [sflag:$0x2] =	stream.indirect_vreg.gather [hbm4b:s5+s3], $0x80, v3, vm0, $0xb8;
	[tilespmem:$0x18800] =	vst v63  }
0x398: {  	v3 =	vld [tilespmem:$0x350];
	_ =	sdelay $0x4  }
0x399: {  	v45 =	vshll.u32 v3, $0x2  }
0x39a: {  	v3 =	vand.u32 $0x7, v3;
	v4 =	vand.u32 $0xFFFFFFE0, v45  }
0x39b: {  	v3 =	vor.u32 v3, v4  }
0x39c: {  	v4 =	vperm.xlane v3, v0;
	_ =	sdelay $0x1  }
0x39d: {  	v4 =	vadd.s32 v1, v4;
	_ =	sdelay $0x1  }
0x39e: {  	v3 =	vperm.xlane v3, v2;
	_ =	sdelay $0x1  }
0x39f: {  	v3 =	vadd.s32 v1, v3  }
0x3a0: {  	[tilespmem:s26], [sflag:$0x2] =	stream.indirect_vreg.gather [hbm4b:s1+s3], $0x80, v4, vm0, $0xb8;
	[tilespmem:$0x18800] =	vst v63  }
0x3a1: {  	_ = 	snop  }
0x3a2: {  	[tilespmem:s28], [sflag:$0x2] =	stream.indirect_vreg.gather [hbm4b:s5+s3], $0x80, v4, vm0, $0xb8;
	[tilespmem:$0x18800] =	vst v63  }
0x3a3: {  	_ = 	snop  }
0x3a4: {  	[tilespmem:s29], [sflag:$0x2] =	stream.indirect_vreg.gather [hbm4b:s1+s3], $0x80, v3, vm0, $0xb8;
	[tilespmem:$0x18800] =	vst v63  }
0x3a5: {  	s2 =	simm.s32 $0xC000  }
0x3a6: {  	[tilespmem:s2], [sflag:$0x2] =	stream.indirect_vreg.gather [hbm4b:s5+s3], $0x80, v3, vm0, $0xb8;
	[tilespmem:$0x18800] =	vst v63  }
0x3a7: {  	v3 =	vld [tilespmem:$0x360];
	_ =	sdelay $0x4  }
0x3a8: {  	v46 =	vshll.u32 v3, $0x2  }
0x3a9: {  	v3 =	vand.u32 $0x7, v3;
	v4 =	vand.u32 $0xFFFFFFE0, v46  }
0x3aa: {  	v3 =	vor.u32 v3, v4  }
0x3ab: {  	v4 =	vperm.xlane v3, v0;
	_ =	sdelay $0x1  }
0x3ac: {  	v4 =	vadd.s32 v1, v4;
	_ =	sdelay $0x1  }
0x3ad: {  	v3 =	vperm.xlane v3, v2;
	_ =	sdelay $0x1  }
0x3ae: {  	v3 =	vadd.s32 v1, v3  }
0x3af: {  	[tilespmem:s30], [sflag:$0x2] =	stream.indirect_vreg.gather [hbm4b:s1+s3], $0x80, v4, vm0, $0xb8;
	[tilespmem:$0x18800] =	vst v63  }
0x3b0: {  	_ = 	snop  }
0x3b1: {  	[tilespmem:s31], [sflag:$0x2] =	stream.indirect_vreg.gather [hbm4b:s5+s3], $0x80, v4, vm0, $0xb8;
	[tilespmem:$0x18800] =	vst v63  }
0x3b2: {  	s21 =	simm.s32 $0xD800  }
0x3b3: {  	[tilespmem:s21], [sflag:$0x2] =	stream.indirect_vreg.gather [hbm4b:s1+s3], $0x80, v3, vm0, $0xb8;
	[tilespmem:$0x18800] =	vst v63  }
0x3b4: {  	s22 =	simm.s32 $0xE000  }
0x3b5: {  	[tilespmem:s22], [sflag:$0x2] =	stream.indirect_vreg.gather [hbm4b:s5+s3], $0x80, v3, vm0, $0xb8;
	[tilespmem:$0x18800] =	vst v63  }
0x3b6: {  	v3 =	vld [tilespmem:$0x370];
	_ =	sdelay $0x4  }
0x3b7: {  	v47 =	vshll.u32 v3, $0x2  }
0x3b8: {  	v3 =	vand.u32 $0x7, v3;
	v4 =	vand.u32 $0xFFFFFFE0, v47  }
0x3b9: {  	v3 =	vor.u32 v3, v4  }
0x3ba: {  	v4 =	vperm.xlane v3, v0;
	_ =	sdelay $0x1  }
0x3bb: {  	v4 =	vadd.s32 v1, v4;
	_ =	sdelay $0x1  }
0x3bc: {  	v3 =	vperm.xlane v3, v2;
	_ =	sdelay $0x1  }
0x3bd: {  	v3 =	vadd.s32 v1, v3  }
0x3be: {  	[tilespmem:s6], [sflag:$0x2] =	stream.indirect_vreg.gather [hbm4b:s1+s3], $0x80, v4, vm0, $0xb8;
	[tilespmem:$0x18800] =	vst v63  }
0x3bf: {  	_ = 	snop  }
0x3c0: {  	[tilespmem:s7], [sflag:$0x2] =	stream.indirect_vreg.gather [hbm4b:s5+s3], $0x80, v4, vm0, $0xb8;
	[tilespmem:$0x18800] =	vst v63  }
0x3c1: {  	_ = 	snop  }
0x3c2: {  	[tilespmem:s11], [sflag:$0x2] =	stream.indirect_vreg.gather [hbm4b:s1+s3], $0x80, v3, vm0, $0xb8;
	[tilespmem:$0x18800] =	vst v63  }
0x3c3: {  	s23 =	simm.s32 $0x10000  }
0x3c4: {  	[tilespmem:s23], [sflag:$0x2] =	stream.indirect_vreg.gather [hbm4b:s5+s3], $0x80, v3, vm0, $0xb8;
	[tilespmem:$0x18800] =	vst v63  }
0x3c5: {  	_ =	swait.ge [sflag:s19], $0x8000  }
0x3c6: {  	[sflag:s19] =	ssyncset.done $0x0  }
0x3c7: {  	s25 =	simm.s32 $0x10800;
	s24 =	rddreg [dreg:$0xf];
	[sflag:s19] =	ssyncadd.s32 $0xFFFF8000  }
0x3c8: {  	[hbm4b:s24+s3] =	stream.linear.scatter [tilespmem:s25], [sflag:$0x6], $0x8000, $0x38;
	[tilespmem:$0x18800] =	vst v63  }
0x3c9: {  	_ =	swait.ge [sflag:s20], $0x8000  }
0x3ca: {  	[sflag:s20] =	ssyncset.done $0x0  }
0x3cb: {  	[sflag:s20] =	ssyncadd.s32 $0xFFFF8000  }
0x3cc: {  	v3 =	vld [tilespmem:$0x380];
	_ =	sdelay $0x4  }
0x3cd: {  	v48 =	vshll.u32 v3, $0x2  }
0x3ce: {  	v3 =	vand.u32 $0x7, v3;
	v4 =	vand.u32 $0xFFFFFFE0, v48  }
0x3cf: {  	v3 =	vor.u32 v3, v4  }
0x3d0: {  	v4 =	vperm.xlane v3, v0;
	_ =	sdelay $0x1  }
0x3d1: {  	v4 =	vadd.s32 v1, v4;
	_ =	sdelay $0x1  }
0x3d2: {  	v3 =	vperm.xlane v3, v2;
	_ =	sdelay $0x1  }
0x3d3: {  	v3 =	vadd.s32 v1, v3  }
0x3d4: {  	[tilespmem:s25], [sflag:$0x3] =	stream.indirect_vreg.gather [hbm4b:s1+s3], $0x80, v4, vm0, $0xb8;
	[tilespmem:$0x18800] =	vst v63  }
0x3d5: {  	s4 =	simm.s32 $0x11000  }
0x3d6: {  	[tilespmem:s4], [sflag:$0x3] =	stream.indirect_vreg.gather [hbm4b:s5+s3], $0x80, v4, vm0, $0xb8;
	[tilespmem:$0x18800] =	vst v63  }
0x3d7: {  	s6 =	simm.s32 $0x11800  }
0x3d8: {  	[tilespmem:s6], [sflag:$0x3] =	stream.indirect_vreg.gather [hbm4b:s1+s3], $0x80, v3, vm0, $0xb8;
	[tilespmem:$0x18800] =	vst v63  }
0x3d9: {  	s26 =	simm.s32 $0x12000  }
0x3da: {  	[tilespmem:s26], [sflag:$0x3] =	stream.indirect_vreg.gather [hbm4b:s5+s3], $0x80, v3, vm0, $0xb8;
	[tilespmem:$0x18800] =	vst v63  }
0x3db: {  	v3 =	vld [tilespmem:$0x390];
	_ =	sdelay $0x4  }
0x3dc: {  	v49 =	vshll.u32 v3, $0x2  }
0x3dd: {  	v3 =	vand.u32 $0x7, v3;
	v4 =	vand.u32 $0xFFFFFFE0, v49  }
0x3de: {  	v3 =	vor.u32 v3, v4  }
0x3df: {  	v4 =	vperm.xlane v3, v0;
	_ =	sdelay $0x1  }
0x3e0: {  	v4 =	vadd.s32 v1, v4;
	_ =	sdelay $0x1  }
0x3e1: {  	v3 =	vperm.xlane v3, v2;
	_ =	sdelay $0x1  }
0x3e2: {  	s7 =	simm.s32 $0x12800;
	v3 =	vadd.s32 v1, v3  }
0x3e3: {  	[tilespmem:s7], [sflag:$0x3] =	stream.indirect_vreg.gather [hbm4b:s1+s3], $0x80, v4, vm0, $0xb8;
	[tilespmem:$0x18800] =	vst v63  }
0x3e4: {  	s8 =	simm.s32 $0x13000  }
0x3e5: {  	[tilespmem:s8], [sflag:$0x3] =	stream.indirect_vreg.gather [hbm4b:s5+s3], $0x80, v4, vm0, $0xb8;
	[tilespmem:$0x18800] =	vst v63  }
0x3e6: {  	s9 =	simm.s32 $0x13800  }
0x3e7: {  	[tilespmem:s9], [sflag:$0x3] =	stream.indirect_vreg.gather [hbm4b:s1+s3], $0x80, v3, vm0, $0xb8;
	[tilespmem:$0x18800] =	vst v63  }
0x3e8: {  	s28 =	simm.s32 $0x14000  }
0x3e9: {  	[tilespmem:s28], [sflag:$0x3] =	stream.indirect_vreg.gather [hbm4b:s5+s3], $0x80, v3, vm0, $0xb8;
	[tilespmem:$0x18800] =	vst v63  }
0x3ea: {  	v3 =	vld [tilespmem:$0x3A0];
	_ =	sdelay $0x4  }
0x3eb: {  	v50 =	vshll.u32 v3, $0x2  }
0x3ec: {  	v3 =	vand.u32 $0x7, v3;
	v4 =	vand.u32 $0xFFFFFFE0, v50  }
0x3ed: {  	v3 =	vor.u32 v3, v4  }
0x3ee: {  	v4 =	vperm.xlane v3, v0;
	_ =	sdelay $0x1  }
0x3ef: {  	v4 =	vadd.s32 v1, v4;
	_ =	sdelay $0x1  }
0x3f0: {  	v3 =	vperm.xlane v3, v2;
	_ =	sdelay $0x1  }
0x3f1: {  	s10 =	simm.s32 $0x14800;
	v3 =	vadd.s32 v1, v3  }
0x3f2: {  	[tilespmem:s10], [sflag:$0x3] =	stream.indirect_vreg.gather [hbm4b:s1+s3], $0x80, v4, vm0, $0xb8;
	[tilespmem:$0x18800] =	vst v63  }
0x3f3: {  	s11 =	simm.s32 $0x15000  }
0x3f4: {  	[tilespmem:s11], [sflag:$0x3] =	stream.indirect_vreg.gather [hbm4b:s5+s3], $0x80, v4, vm0, $0xb8;
	[tilespmem:$0x18800] =	vst v63  }
0x3f5: {  	s12 =	simm.s32 $0x15800  }
0x3f6: {  	[tilespmem:s12], [sflag:$0x3] =	stream.indirect_vreg.gather [hbm4b:s1+s3], $0x80, v3, vm0, $0xb8;
	[tilespmem:$0x18800] =	vst v63  }
0x3f7: {  	s29 =	simm.s32 $0x16000  }
0x3f8: {  	[tilespmem:s29], [sflag:$0x3] =	stream.indirect_vreg.gather [hbm4b:s5+s3], $0x80, v3, vm0, $0xb8;
	[tilespmem:$0x18800] =	vst v63  }
0x3f9: {  	v3 =	vld [tilespmem:$0x3B0];
	_ =	sdelay $0x4  }
0x3fa: {  	v51 =	vshll.u32 v3, $0x2  }
0x3fb: {  	v3 =	vand.u32 $0x7, v3;
	v4 =	vand.u32 $0xFFFFFFE0, v51  }
0x3fc: {  	v3 =	vor.u32 v3, v4  }
0x3fd: {  	v4 =	vperm.xlane v3, v0;
	_ =	sdelay $0x1  }
0x3fe: {  	v4 =	vadd.s32 v1, v4;
	_ =	sdelay $0x1  }
0x3ff: {  	v3 =	vperm.xlane v3, v2;
	_ =	sdelay $0x1  }
0x400: {  	s13 =	simm.s32 $0x16800;
	v3 =	vadd.s32 v1, v3  }
0x401: {  	[tilespmem:s13], [sflag:$0x3] =	stream.indirect_vreg.gather [hbm4b:s1+s3], $0x80, v4, vm0, $0xb8;
	[tilespmem:$0x18800] =	vst v63  }
0x402: {  	s14 =	simm.s32 $0x17000  }
0x403: {  	[tilespmem:s14], [sflag:$0x3] =	stream.indirect_vreg.gather [hbm4b:s5+s3], $0x80, v4, vm0, $0xb8;
	[tilespmem:$0x18800] =	vst v63  }
0x404: {  	s30 =	simm.s32 $0x17800  }
0x405: {  	[tilespmem:s30], [sflag:$0x3] =	stream.indirect_vreg.gather [hbm4b:s1+s3], $0x80, v3, vm0, $0xb8;
	[tilespmem:$0x18800] =	vst v63  }
0x406: {  	s31 =	simm.s32 $0x18000  }
0x407: {  	[tilespmem:s31], [sflag:$0x3] =	stream.indirect_vreg.gather [hbm4b:s5+s3], $0x80, v3, vm0, $0xb8;
	[tilespmem:$0x18800] =	vst v63  }
0x408: {  	_ =	swait.ge [sflag:s15], $0x8000  }
0x409: {  	[sflag:s15] =	ssyncset.done $0x0  }
0x40a: {  	s23 =	simm.s32 $0x800;
	s22 =	rddreg [dreg:$0x10];
	[sflag:s15] =	ssyncadd.s32 $0xFFFF8000  }
0x40b: {  	[hbm4b:s22+s3] =	stream.linear.scatter [tilespmem:s23], [sflag:$0x4], $0x8000, $0x38;
	[tilespmem:$0x18800] =	vst v63  }
0x40c: {  	_ =	swait.ge [sflag:s16], $0x8000  }
0x40d: {  	[sflag:s16] =	ssyncset.done $0x0  }
0x40e: {  	[sflag:s16] =	ssyncadd.s32 $0xFFFF8000  }
0x40f: {  	v3 =	vld [tilespmem:$0x3C0];
	_ =	sdelay $0x4  }
0x410: {  	v52 =	vshll.u32 v3, $0x2  }
0x411: {  	v3 =	vand.u32 $0x7, v3;
	v4 =	vand.u32 $0xFFFFFFE0, v52  }
0x412: {  	v3 =	vor.u32 v3, v4  }
0x413: {  	v4 =	vperm.xlane v3, v0;
	_ =	sdelay $0x1  }
0x414: {  	v4 =	vadd.s32 v1, v4;
	_ =	sdelay $0x1  }
0x415: {  	v3 =	vperm.xlane v3, v2;
	_ =	sdelay $0x1  }
0x416: {  	v3 =	vadd.s32 v1, v3  }
0x417: {  	[tilespmem:s23], [sflag:$0x1] =	stream.indirect_vreg.gather [hbm4b:s1+s3], $0x80, v4, vm0, $0xb8;
	[tilespmem:$0x18800] =	vst v63  }
0x418: {  	s24 =	simm.s32 $0x1000  }
0x419: {  	[tilespmem:s24], [sflag:$0x1] =	stream.indirect_vreg.gather [hbm4b:s5+s3], $0x80, v4, vm0, $0xb8;
	[tilespmem:$0x18800] =	vst v63  }
0x41a: {  	s25 =	simm.s32 $0x1800  }
0x41b: {  	[tilespmem:s25], [sflag:$0x1] =	stream.indirect_vreg.gather [hbm4b:s1+s3], $0x80, v3, vm0, $0xb8;
	[tilespmem:$0x18800] =	vst v63  }
0x41c: {  	s26 =	simm.s32 $0x2000  }
0x41d: {  	[tilespmem:s26], [sflag:$0x1] =	stream.indirect_vreg.gather [hbm4b:s5+s3], $0x80, v3, vm0, $0xb8;
	[tilespmem:$0x18800] =	vst v63  }
0x41e: {  	v3 =	vld [tilespmem:$0x3D0];
	_ =	sdelay $0x4  }
0x41f: {  	v53 =	vshll.u32 v3, $0x2  }
0x420: {  	v3 =	vand.u32 $0x7, v3;
	v4 =	vand.u32 $0xFFFFFFE0, v53  }
0x421: {  	v3 =	vor.u32 v3, v4  }
0x422: {  	v4 =	vperm.xlane v3, v0;
	_ =	sdelay $0x1  }
0x423: {  	v4 =	vadd.s32 v1, v4;
	_ =	sdelay $0x1  }
0x424: {  	v3 =	vperm.xlane v3, v2;
	_ =	sdelay $0x1  }
0x425: {  	s28 =	simm.s32 $0x2800;
	v3 =	vadd.s32 v1, v3  }
0x426: {  	[tilespmem:s28], [sflag:$0x1] =	stream.indirect_vreg.gather [hbm4b:s1+s3], $0x80, v4, vm0, $0xb8;
	[tilespmem:$0x18800] =	vst v63  }
0x427: {  	s29 =	simm.s32 $0x3000  }
0x428: {  	[tilespmem:s29], [sflag:$0x1] =	stream.indirect_vreg.gather [hbm4b:s5+s3], $0x80, v4, vm0, $0xb8;
	[tilespmem:$0x18800] =	vst v63  }
0x429: {  	s30 =	simm.s32 $0x3800  }
0x42a: {  	[tilespmem:s30], [sflag:$0x1] =	stream.indirect_vreg.gather [hbm4b:s1+s3], $0x80, v3, vm0, $0xb8;
	[tilespmem:$0x18800] =	vst v63  }
0x42b: {  	s23 =	simm.s32 $0x4000  }
0x42c: {  	[tilespmem:s23], [sflag:$0x1] =	stream.indirect_vreg.gather [hbm4b:s5+s3], $0x80, v3, vm0, $0xb8;
	[tilespmem:$0x18800] =	vst v63  }
0x42d: {  	v3 =	vld [tilespmem:$0x3E0];
	_ =	sdelay $0x4  }
0x42e: {  	v54 =	vshll.u32 v3, $0x2  }
0x42f: {  	v3 =	vand.u32 $0x7, v3;
	v4 =	vand.u32 $0xFFFFFFE0, v54  }
0x430: {  	v3 =	vor.u32 v3, v4  }
0x431: {  	v4 =	vperm.xlane v3, v0;
	_ =	sdelay $0x1  }
0x432: {  	v4 =	vadd.s32 v1, v4;
	_ =	sdelay $0x1  }
0x433: {  	v3 =	vperm.xlane v3, v2;
	_ =	sdelay $0x1  }
0x434: {  	s22 =	simm.s32 $0x4800;
	v3 =	vadd.s32 v1, v3  }
0x435: {  	[tilespmem:s22], [sflag:$0x1] =	stream.indirect_vreg.gather [hbm4b:s1+s3], $0x80, v4, vm0, $0xb8;
	[tilespmem:$0x18800] =	vst v63  }
0x436: {  	s31 =	simm.s32 $0x5000  }
0x437: {  	[tilespmem:s31], [sflag:$0x1] =	stream.indirect_vreg.gather [hbm4b:s5+s3], $0x80, v4, vm0, $0xb8;
	[tilespmem:$0x18800] =	vst v63  }
0x438: {  	s24 =	simm.s32 $0x5800  }
0x439: {  	[tilespmem:s24], [sflag:$0x1] =	stream.indirect_vreg.gather [hbm4b:s1+s3], $0x80, v3, vm0, $0xb8;
	[tilespmem:$0x18800] =	vst v63  }
0x43a: {  	s24 =	simm.s32 $0x6000  }
0x43b: {  	[tilespmem:s24], [sflag:$0x1] =	stream.indirect_vreg.gather [hbm4b:s5+s3], $0x80, v3, vm0, $0xb8;
	[tilespmem:$0x18800] =	vst v63  }
0x43c: {  	v3 =	vld [tilespmem:$0x3F0];
	_ =	sdelay $0x4  }
0x43d: {  	v55 =	vshll.u32 v3, $0x2  }
0x43e: {  	v3 =	vand.u32 $0x7, v3;
	v4 =	vand.u32 $0xFFFFFFE0, v55  }
0x43f: {  	v3 =	vor.u32 v3, v4  }
0x440: {  	v4 =	vperm.xlane v3, v0;
	_ =	sdelay $0x1  }
0x441: {  	v4 =	vadd.s32 v1, v4;
	_ =	sdelay $0x1  }
0x442: {  	v3 =	vperm.xlane v3, v2;
	_ =	sdelay $0x1  }
0x443: {  	s25 =	simm.s32 $0x6800;
	v3 =	vadd.s32 v1, v3  }
0x444: {  	[tilespmem:s25], [sflag:$0x1] =	stream.indirect_vreg.gather [hbm4b:s1+s3], $0x80, v4, vm0, $0xb8;
	[tilespmem:$0x18800] =	vst v63  }
0x445: {  	s26 =	simm.s32 $0x7000  }
0x446: {  	[tilespmem:s26], [sflag:$0x1] =	stream.indirect_vreg.gather [hbm4b:s5+s3], $0x80, v4, vm0, $0xb8;
	[tilespmem:$0x18800] =	vst v63  }
0x447: {  	s28 =	simm.s32 $0x7800  }
0x448: {  	[tilespmem:s28], [sflag:$0x1] =	stream.indirect_vreg.gather [hbm4b:s1+s3], $0x80, v3, vm0, $0xb8;
	[tilespmem:$0x18800] =	vst v63  }
0x449: {  	s29 =	simm.s32 $0x8000  }
0x44a: {  	[tilespmem:s29], [sflag:$0x1] =	stream.indirect_vreg.gather [hbm4b:s5+s3], $0x80, v3, vm0, $0xb8;
	[tilespmem:$0x18800] =	vst v63  }
0x44b: {  	_ =	swait.ge [sflag:s17], $0x8000  }
0x44c: {  	[sflag:s17] =	ssyncset.done $0x0  }
0x44d: {  	s31 =	simm.s32 $0x8800;
	s30 =	rddreg [dreg:$0x11];
	[sflag:s17] =	ssyncadd.s32 $0xFFFF8000  }
0x44e: {  	[hbm4b:s30+s3] =	stream.linear.scatter [tilespmem:s31], [sflag:$0x5], $0x8000, $0x38;
	[tilespmem:$0x18800] =	vst v63  }
0x44f: {  	_ =	swait.ge [sflag:s18], $0x8000  }
0x450: {  	[sflag:s18] =	ssyncset.done $0x0  }
0x451: {  	[sflag:s18] =	ssyncadd.s32 $0xFFFF8000  }
0x452: {  	v3 =	vld [tilespmem:$0x400];
	_ =	sdelay $0x4  }
0x453: {  	v56 =	vshll.u32 v3, $0x2  }
0x454: {  	v3 =	vand.u32 $0x7, v3;
	v4 =	vand.u32 $0xFFFFFFE0, v56  }
0x455: {  	v3 =	vor.u32 v3, v4  }
0x456: {  	v4 =	vperm.xlane v3, v0;
	_ =	sdelay $0x1  }
0x457: {  	v4 =	vadd.s32 v1, v4;
	_ =	sdelay $0x1  }
0x458: {  	v3 =	vperm.xlane v3, v2;
	_ =	sdelay $0x1  }
0x459: {  	v3 =	vadd.s32 v1, v3  }
0x45a: {  	[tilespmem:s31], [sflag:$0x2] =	stream.indirect_vreg.gather [hbm4b:s1+s3], $0x80, v4, vm0, $0xb8;
	[tilespmem:$0x18800] =	vst v63  }
0x45b: {  	s30 =	simm.s32 $0x9000  }
0x45c: {  	[tilespmem:s30], [sflag:$0x2] =	stream.indirect_vreg.gather [hbm4b:s5+s3], $0x80, v4, vm0, $0xb8;
	[tilespmem:$0x18800] =	vst v63  }
0x45d: {  	s25 =	simm.s32 $0x9800  }
0x45e: {  	[tilespmem:s25], [sflag:$0x2] =	stream.indirect_vreg.gather [hbm4b:s1+s3], $0x80, v3, vm0, $0xb8;
	[tilespmem:$0x18800] =	vst v63  }
0x45f: {  	_ = 	snop  }
0x460: {  	[tilespmem:s0], [sflag:$0x2] =	stream.indirect_vreg.gather [hbm4b:s5+s3], $0x80, v3, vm0, $0xb8;
	[tilespmem:$0x18800] =	vst v63  }
0x461: {  	v3 =	vld [tilespmem:$0x410];
	_ =	sdelay $0x4  }
0x462: {  	v57 =	vshll.u32 v3, $0x2  }
0x463: {  	v3 =	vand.u32 $0x7, v3;
	v4 =	vand.u32 $0xFFFFFFE0, v57  }
0x464: {  	v3 =	vor.u32 v3, v4  }
0x465: {  	v4 =	vperm.xlane v3, v0;
	_ =	sdelay $0x1  }
0x466: {  	v4 =	vadd.s32 v1, v4;
	_ =	sdelay $0x1  }
0x467: {  	v3 =	vperm.xlane v3, v2;
	_ =	sdelay $0x1  }
0x468: {  	s26 =	simm.s32 $0xA800;
	v3 =	vadd.s32 v1, v3  }
0x469: {  	[tilespmem:s26], [sflag:$0x2] =	stream.indirect_vreg.gather [hbm4b:s1+s3], $0x80, v4, vm0, $0xb8;
	[tilespmem:$0x18800] =	vst v63  }
0x46a: {  	s28 =	simm.s32 $0xB000  }
0x46b: {  	[tilespmem:s28], [sflag:$0x2] =	stream.indirect_vreg.gather [hbm4b:s5+s3], $0x80, v4, vm0, $0xb8;
	[tilespmem:$0x18800] =	vst v63  }
0x46c: {  	s29 =	simm.s32 $0xB800  }
0x46d: {  	[tilespmem:s29], [sflag:$0x2] =	stream.indirect_vreg.gather [hbm4b:s1+s3], $0x80, v3, vm0, $0xb8;
	[tilespmem:$0x18800] =	vst v63  }
0x46e: {  	_ = 	snop  }
0x46f: {  	[tilespmem:s2], [sflag:$0x2] =	stream.indirect_vreg.gather [hbm4b:s5+s3], $0x80, v3, vm0, $0xb8;
	[tilespmem:$0x18800] =	vst v63  }
0x470: {  	v3 =	vld [tilespmem:$0x420];
	_ =	sdelay $0x4  }
0x471: {  	v58 =	vshll.u32 v3, $0x2  }
0x472: {  	v3 =	vand.u32 $0x7, v3;
	v4 =	vand.u32 $0xFFFFFFE0, v58  }
0x473: {  	v3 =	vor.u32 v3, v4  }
0x474: {  	v4 =	vperm.xlane v3, v0;
	_ =	sdelay $0x1  }
0x475: {  	v4 =	vadd.s32 v1, v4;
	_ =	sdelay $0x1  }
0x476: {  	v3 =	vperm.xlane v3, v2;
	_ =	sdelay $0x1  }
0x477: {  	s31 =	simm.s32 $0xC800;
	v3 =	vadd.s32 v1, v3  }
0x478: {  	[tilespmem:s31], [sflag:$0x2] =	stream.indirect_vreg.gather [hbm4b:s1+s3], $0x80, v4, vm0, $0xb8;
	[tilespmem:$0x18800] =	vst v63  }
0x479: {  	s21 =	simm.s32 $0xD000  }
0x47a: {  	[tilespmem:s21], [sflag:$0x2] =	stream.indirect_vreg.gather [hbm4b:s5+s3], $0x80, v4, vm0, $0xb8;
	[tilespmem:$0x18800] =	vst v63  }
0x47b: {  	s2 =	simm.s32 $0xD800  }
0x47c: {  	[tilespmem:s2], [sflag:$0x2] =	stream.indirect_vreg.gather [hbm4b:s1+s3], $0x80, v3, vm0, $0xb8;
	[tilespmem:$0x18800] =	vst v63  }
0x47d: {  	s21 =	simm.s32 $0xE000  }
0x47e: {  	[tilespmem:s21], [sflag:$0x2] =	stream.indirect_vreg.gather [hbm4b:s5+s3], $0x80, v3, vm0, $0xb8;
	[tilespmem:$0x18800] =	vst v63  }
0x47f: {  	v3 =	vld [tilespmem:$0x430];
	_ =	sdelay $0x4  }
0x480: {  	v59 =	vshll.u32 v3, $0x2  }
0x481: {  	v3 =	vand.u32 $0x7, v3;
	v4 =	vand.u32 $0xFFFFFFE0, v59  }
0x482: {  	v3 =	vor.u32 v3, v4  }
0x483: {  	v4 =	vperm.xlane v3, v0;
	_ =	sdelay $0x1  }
0x484: {  	v4 =	vadd.s32 v1, v4;
	_ =	sdelay $0x1  }
0x485: {  	v3 =	vperm.xlane v3, v2;
	_ =	sdelay $0x1  }
0x486: {  	s2 =	simm.s32 $0xE800;
	v3 =	vadd.s32 v1, v3  }
0x487: {  	[tilespmem:s2], [sflag:$0x2] =	stream.indirect_vreg.gather [hbm4b:s1+s3], $0x80, v4, vm0, $0xb8;
	[tilespmem:$0x18800] =	vst v63  }
0x488: {  	s21 =	simm.s32 $0xF000  }
0x489: {  	[tilespmem:s21], [sflag:$0x2] =	stream.indirect_vreg.gather [hbm4b:s5+s3], $0x80, v4, vm0, $0xb8;
	[tilespmem:$0x18800] =	vst v63  }
0x48a: {  	s2 =	simm.s32 $0xF800  }
0x48b: {  	[tilespmem:s2], [sflag:$0x2] =	stream.indirect_vreg.gather [hbm4b:s1+s3], $0x80, v3, vm0, $0xb8;
	[tilespmem:$0x18800] =	vst v63  }
0x48c: {  	s21 =	simm.s32 $0x10000  }
0x48d: {  	[tilespmem:s21], [sflag:$0x2] =	stream.indirect_vreg.gather [hbm4b:s5+s3], $0x80, v3, vm0, $0xb8;
	[tilespmem:$0x18800] =	vst v63  }
0x48e: {  	_ =	swait.ge [sflag:s19], $0x8000  }
0x48f: {  	[sflag:s19] =	ssyncset.done $0x0  }
0x490: {  	s2 =	simm.s32 $0x10800;
	s0 =	rddreg [dreg:$0x12];
	[sflag:s19] =	ssyncadd.s32 $0xFFFF8000  }
0x491: {  	[hbm4b:s0+s3] =	stream.linear.scatter [tilespmem:s2], [sflag:$0x6], $0x8000, $0x38;
	[tilespmem:$0x18800] =	vst v63  }
0x492: {  	_ =	swait.ge [sflag:s20], $0x8000  }
0x493: {  	[sflag:s20] =	ssyncset.done $0x0  }
0x494: {  	[sflag:s20] =	ssyncadd.s32 $0xFFFF8000  }
0x495: {  	v3 =	vld [tilespmem:$0x440];
	_ =	sdelay $0x4  }
0x496: {  	v60 =	vshll.u32 v3, $0x2  }
0x497: {  	v3 =	vand.u32 $0x7, v3;
	v4 =	vand.u32 $0xFFFFFFE0, v60  }
0x498: {  	v3 =	vor.u32 v3, v4  }
0x499: {  	v4 =	vperm.xlane v3, v0;
	_ =	sdelay $0x1  }
0x49a: {  	v4 =	vadd.s32 v1, v4;
	_ =	sdelay $0x1  }
0x49b: {  	v3 =	vperm.xlane v3, v2;
	_ =	sdelay $0x1  }
0x49c: {  	v3 =	vadd.s32 v1, v3  }
0x49d: {  	[tilespmem:s2], [sflag:$0x3] =	stream.indirect_vreg.gather [hbm4b:s1+s3], $0x80, v4, vm0, $0xb8;
	[tilespmem:$0x18800] =	vst v63  }
0x49e: {  	_ = 	snop  }
0x49f: {  	[tilespmem:s4], [sflag:$0x3] =	stream.indirect_vreg.gather [hbm4b:s5+s3], $0x80, v4, vm0, $0xb8;
	[tilespmem:$0x18800] =	vst v63  }
0x4a0: {  	_ = 	snop  }
0x4a1: {  	[tilespmem:s6], [sflag:$0x3] =	stream.indirect_vreg.gather [hbm4b:s1+s3], $0x80, v3, vm0, $0xb8;
	[tilespmem:$0x18800] =	vst v63  }
0x4a2: {  	s6 =	simm.s32 $0x12000  }
0x4a3: {  	[tilespmem:s6], [sflag:$0x3] =	stream.indirect_vreg.gather [hbm4b:s5+s3], $0x80, v3, vm0, $0xb8;
	[tilespmem:$0x18800] =	vst v63  }
0x4a4: {  	v3 =	vld [tilespmem:$0x450];
	_ =	sdelay $0x4  }
0x4a5: {  	v61 =	vshll.u32 v3, $0x2  }
0x4a6: {  	v3 =	vand.u32 $0x7, v3;
	v4 =	vand.u32 $0xFFFFFFE0, v61  }
0x4a7: {  	v3 =	vor.u32 v3, v4  }
0x4a8: {  	v4 =	vperm.xlane v3, v0;
	_ =	sdelay $0x1  }
0x4a9: {  	v4 =	vadd.s32 v1, v4;
	_ =	sdelay $0x1  }
0x4aa: {  	v3 =	vperm.xlane v3, v2;
	_ =	sdelay $0x1  }
0x4ab: {  	v3 =	vadd.s32 v1, v3  }
0x4ac: {  	[tilespmem:s7], [sflag:$0x3] =	stream.indirect_vreg.gather [hbm4b:s1+s3], $0x80, v4, vm0, $0xb8;
	[tilespmem:$0x18800] =	vst v63  }
0x4ad: {  	_ = 	snop  }
0x4ae: {  	[tilespmem:s8], [sflag:$0x3] =	stream.indirect_vreg.gather [hbm4b:s5+s3], $0x80, v4, vm0, $0xb8;
	[tilespmem:$0x18800] =	vst v63  }
0x4af: {  	_ = 	snop  }
0x4b0: {  	[tilespmem:s9], [sflag:$0x3] =	stream.indirect_vreg.gather [hbm4b:s1+s3], $0x80, v3, vm0, $0xb8;
	[tilespmem:$0x18800] =	vst v63  }
0x4b1: {  	s4 =	simm.s32 $0x14000  }
0x4b2: {  	[tilespmem:s4], [sflag:$0x3] =	stream.indirect_vreg.gather [hbm4b:s5+s3], $0x80, v3, vm0, $0xb8;
	[tilespmem:$0x18800] =	vst v63  }
0x4b3: {  	v3 =	vld [tilespmem:$0x460];
	_ =	sdelay $0x4  }
0x4b4: {  	v62 =	vshll.u32 v3, $0x2  }
0x4b5: {  	v3 =	vand.u32 $0x7, v3;
	v4 =	vand.u32 $0xFFFFFFE0, v62  }
0x4b6: {  	v3 =	vor.u32 v3, v4  }
0x4b7: {  	v4 =	vperm.xlane v3, v0;
	_ =	sdelay $0x1  }
0x4b8: {  	v4 =	vadd.s32 v1, v4;
	_ =	sdelay $0x1  }
0x4b9: {  	v3 =	vperm.xlane v3, v2;
	_ =	sdelay $0x1  }
0x4ba: {  	v3 =	vadd.s32 v1, v3  }
0x4bb: {  	[tilespmem:s10], [sflag:$0x3] =	stream.indirect_vreg.gather [hbm4b:s1+s3], $0x80, v4, vm0, $0xb8;
	[tilespmem:$0x18800] =	vst v63  }
0x4bc: {  	_ = 	snop  }
0x4bd: {  	[tilespmem:s11], [sflag:$0x3] =	stream.indirect_vreg.gather [hbm4b:s5+s3], $0x80, v4, vm0, $0xb8;
	[tilespmem:$0x18800] =	vst v63  }
0x4be: {  	_ = 	snop  }
0x4bf: {  	[tilespmem:s12], [sflag:$0x3] =	stream.indirect_vreg.gather [hbm4b:s1+s3], $0x80, v3, vm0, $0xb8;
	[tilespmem:$0x18800] =	vst v63  }
0x4c0: {  	s6 =	simm.s32 $0x16000  }
0x4c1: {  	[tilespmem:s6], [sflag:$0x3] =	stream.indirect_vreg.gather [hbm4b:s5+s3], $0x80, v3, vm0, $0xb8;
	[tilespmem:$0x18800] =	vst v63  }
0x4c2: {  	v3 =	vld [tilespmem:$0x470];
	_ =	sdelay $0x4  }
0x4c3: {  	v63 =	vshll.u32 v3, $0x2  }
0x4c4: {  	v3 =	vand.u32 $0x7, v3;
	v4 =	vand.u32 $0xFFFFFFE0, v63  }
0x4c5: {  	v3 =	vor.u32 v3, v4  }
0x4c6: {  	v4 =	vperm.xlane v3, v0;
	_ =	sdelay $0x1  }
0x4c7: {  	v4 =	vadd.s32 v1, v4;
	_ =	sdelay $0x1  }
0x4c8: {  	v3 =	vperm.xlane v3, v2;
	_ =	sdelay $0x1  }
0x4c9: {  	v3 =	vadd.s32 v1, v3  }
0x4ca: {  	[tilespmem:s13], [sflag:$0x3] =	stream.indirect_vreg.gather [hbm4b:s1+s3], $0x80, v4, vm0, $0xb8;
	[tilespmem:$0x18800] =	vst v63  }
0x4cb: {  	_ = 	snop  }
0x4cc: {  	[tilespmem:s14], [sflag:$0x3] =	stream.indirect_vreg.gather [hbm4b:s5+s3], $0x80, v4, vm0, $0xb8;
	[tilespmem:$0x18800] =	vst v63  }
0x4cd: {  	s0 =	simm.s32 $0x17800  }
0x4ce: {  	[tilespmem:s0], [sflag:$0x3] =	stream.indirect_vreg.gather [hbm4b:s1+s3], $0x80, v3, vm0, $0xb8;
	[tilespmem:$0x18800] =	vst v63  }
0x4cf: {  	s11 =	simm.s32 $0x18000  }
0x4d0: {  	[tilespmem:s11], [sflag:$0x3] =	stream.indirect_vreg.gather [hbm4b:s5+s3], $0x80, v3, vm0, $0xb8;
	[tilespmem:$0x18800] =	vst v63  }
0x4d1: {  	_ =	swait.ge [sflag:s15], $0x8000  }
0x4d2: {  	[sflag:s15] =	ssyncset.done $0x0  }
0x4d3: {  	s8 =	simm.s32 $0x800;
	s7 =	rddreg [dreg:$0x13];
	[sflag:s15] =	ssyncadd.s32 $0xFFFF8000  }
0x4d4: {  	[hbm4b:s7+s3] =	stream.linear.scatter [tilespmem:s8], [sflag:$0x4], $0x8000, $0x38;
	[tilespmem:$0x18800] =	vst v63  }
0x4d5: {  	_ =	swait.ge [sflag:s16], $0x8000  }
0x4d6: {  	[sflag:s16] =	ssyncset.done $0x0  }
0x4d7: {  	[sflag:s16] =	ssyncadd.s32 $0xFFFF8000  }
0x4d8: {  	v3 =	vld [tilespmem:$0x480];
	_ =	sdelay $0x4  }
0x4d9: {  	v8 =	vshll.u32 v3, $0x2  }
0x4da: {  	v3 =	vand.u32 $0x7, v3;
	v4 =	vand.u32 $0xFFFFFFE0, v8  }
0x4db: {  	v3 =	vor.u32 v3, v4  }
0x4dc: {  	v4 =	vperm.xlane v3, v0;
	_ =	sdelay $0x1  }
0x4dd: {  	v4 =	vadd.s32 v1, v4;
	_ =	sdelay $0x1  }
0x4de: {  	v3 =	vperm.xlane v3, v2;
	_ =	sdelay $0x1  }
0x4df: {  	v3 =	vadd.s32 v1, v3  }
0x4e0: {  	[tilespmem:s8], [sflag:$0x1] =	stream.indirect_vreg.gather [hbm4b:s1+s3], $0x80, v4, vm0, $0xb8;
	[tilespmem:$0x18800] =	vst v63  }
0x4e1: {  	s13 =	simm.s32 $0x1000  }
0x4e2: {  	[tilespmem:s13], [sflag:$0x1] =	stream.indirect_vreg.gather [hbm4b:s5+s3], $0x80, v4, vm0, $0xb8;
	[tilespmem:$0x18800] =	vst v63  }
0x4e3: {  	s14 =	simm.s32 $0x1800  }
0x4e4: {  	[tilespmem:s14], [sflag:$0x1] =	stream.indirect_vreg.gather [hbm4b:s1+s3], $0x80, v3, vm0, $0xb8;
	[tilespmem:$0x18800] =	vst v63  }
0x4e5: {  	s9 =	simm.s32 $0x2000  }
0x4e6: {  	[tilespmem:s9], [sflag:$0x1] =	stream.indirect_vreg.gather [hbm4b:s5+s3], $0x80, v3, vm0, $0xb8;
	[tilespmem:$0x18800] =	vst v63  }
0x4e7: {  	v3 =	vld [tilespmem:$0x490];
	_ =	sdelay $0x4  }
0x4e8: {  	v9 =	vshll.u32 v3, $0x2  }
0x4e9: {  	v3 =	vand.u32 $0x7, v3;
	v4 =	vand.u32 $0xFFFFFFE0, v9  }
0x4ea: {  	v3 =	vor.u32 v3, v4  }
0x4eb: {  	v4 =	vperm.xlane v3, v0;
	_ =	sdelay $0x1  }
0x4ec: {  	v4 =	vadd.s32 v1, v4;
	_ =	sdelay $0x1  }
0x4ed: {  	v3 =	vperm.xlane v3, v2;
	_ =	sdelay $0x1  }
0x4ee: {  	s10 =	simm.s32 $0x2800;
	v3 =	vadd.s32 v1, v3  }
0x4ef: {  	[tilespmem:s10], [sflag:$0x1] =	stream.indirect_vreg.gather [hbm4b:s1+s3], $0x80, v4, vm0, $0xb8;
	[tilespmem:$0x18800] =	vst v63  }
0x4f0: {  	s12 =	simm.s32 $0x3000  }
0x4f1: {  	[tilespmem:s12], [sflag:$0x1] =	stream.indirect_vreg.gather [hbm4b:s5+s3], $0x80, v4, vm0, $0xb8;
	[tilespmem:$0x18800] =	vst v63  }
0x4f2: {  	s21 =	simm.s32 $0x3800  }
0x4f3: {  	[tilespmem:s21], [sflag:$0x1] =	stream.indirect_vreg.gather [hbm4b:s1+s3], $0x80, v3, vm0, $0xb8;
	[tilespmem:$0x18800] =	vst v63  }
0x4f4: {  	_ = 	snop  }
0x4f5: {  	[tilespmem:s23], [sflag:$0x1] =	stream.indirect_vreg.gather [hbm4b:s5+s3], $0x80, v3, vm0, $0xb8;
	[tilespmem:$0x18800] =	vst v63  }
0x4f6: {  	v3 =	vld [tilespmem:$0x4A0];
	_ =	sdelay $0x4  }
0x4f7: {  	v10 =	vshll.u32 v3, $0x2  }
0x4f8: {  	v3 =	vand.u32 $0x7, v3;
	v4 =	vand.u32 $0xFFFFFFE0, v10  }
0x4f9: {  	v3 =	vor.u32 v3, v4  }
0x4fa: {  	v4 =	vperm.xlane v3, v0;
	_ =	sdelay $0x1  }
0x4fb: {  	v4 =	vadd.s32 v1, v4;
	_ =	sdelay $0x1  }
0x4fc: {  	v3 =	vperm.xlane v3, v2;
	_ =	sdelay $0x1  }
0x4fd: {  	v3 =	vadd.s32 v1, v3  }
0x4fe: {  	[tilespmem:s22], [sflag:$0x1] =	stream.indirect_vreg.gather [hbm4b:s1+s3], $0x80, v4, vm0, $0xb8;
	[tilespmem:$0x18800] =	vst v63  }
0x4ff: {  	s2 =	simm.s32 $0x5000  }
0x500: {  	[tilespmem:s2], [sflag:$0x1] =	stream.indirect_vreg.gather [hbm4b:s5+s3], $0x80, v4, vm0, $0xb8;
	[tilespmem:$0x18800] =	vst v63  }
0x501: {  	s8 =	simm.s32 $0x5800  }
0x502: {  	[tilespmem:s8], [sflag:$0x1] =	stream.indirect_vreg.gather [hbm4b:s1+s3], $0x80, v3, vm0, $0xb8;
	[tilespmem:$0x18800] =	vst v63  }
0x503: {  	_ = 	snop  }
0x504: {  	[tilespmem:s24], [sflag:$0x1] =	stream.indirect_vreg.gather [hbm4b:s5+s3], $0x80, v3, vm0, $0xb8;
	[tilespmem:$0x18800] =	vst v63  }
0x505: {  	v3 =	vld [tilespmem:$0x4B0];
	_ =	sdelay $0x4  }
0x506: {  	v11 =	vshll.u32 v3, $0x2  }
0x507: {  	v3 =	vand.u32 $0x7, v3;
	v4 =	vand.u32 $0xFFFFFFE0, v11  }
0x508: {  	v3 =	vor.u32 v3, v4  }
0x509: {  	v4 =	vperm.xlane v3, v0;
	_ =	sdelay $0x1  }
0x50a: {  	v4 =	vadd.s32 v1, v4;
	_ =	sdelay $0x1  }
0x50b: {  	v3 =	vperm.xlane v3, v2;
	_ =	sdelay $0x1  }
0x50c: {  	s9 =	simm.s32 $0x6800;
	v3 =	vadd.s32 v1, v3  }
0x50d: {  	[tilespmem:s9], [sflag:$0x1] =	stream.indirect_vreg.gather [hbm4b:s1+s3], $0x80, v4, vm0, $0xb8;
	[tilespmem:$0x18800] =	vst v63  }
0x50e: {  	s10 =	simm.s32 $0x7000  }
0x50f: {  	[tilespmem:s10], [sflag:$0x1] =	stream.indirect_vreg.gather [hbm4b:s5+s3], $0x80, v4, vm0, $0xb8;
	[tilespmem:$0x18800] =	vst v63  }
0x510: {  	s22 =	simm.s32 $0x7800  }
0x511: {  	[tilespmem:s22], [sflag:$0x1] =	stream.indirect_vreg.gather [hbm4b:s1+s3], $0x80, v3, vm0, $0xb8;
	[tilespmem:$0x18800] =	vst v63  }
0x512: {  	s12 =	simm.s32 $0x8000  }
0x513: {  	[tilespmem:s12], [sflag:$0x1] =	stream.indirect_vreg.gather [hbm4b:s5+s3], $0x80, v3, vm0, $0xb8;
	[tilespmem:$0x18800] =	vst v63  }
0x514: {  	_ =	swait.ge [sflag:s17], $0x8000  }
0x515: {  	[sflag:s17] =	ssyncset.done $0x0  }
0x516: {  	s24 =	simm.s32 $0x8800;
	s23 =	rddreg [dreg:$0x14];
	[sflag:s17] =	ssyncadd.s32 $0xFFFF8000  }
0x517: {  	[hbm4b:s23+s3] =	stream.linear.scatter [tilespmem:s24], [sflag:$0x5], $0x8000, $0x38;
	[tilespmem:$0x18800] =	vst v63  }
0x518: {  	_ =	swait.ge [sflag:s18], $0x8000  }
0x519: {  	[sflag:s18] =	ssyncset.done $0x0  }
0x51a: {  	[sflag:s18] =	ssyncadd.s32 $0xFFFF8000  }
0x51b: {  	v3 =	vld [tilespmem:$0x4C0];
	_ =	sdelay $0x4  }
0x51c: {  	v12 =	vshll.u32 v3, $0x2  }
0x51d: {  	v3 =	vand.u32 $0x7, v3;
	v4 =	vand.u32 $0xFFFFFFE0, v12  }
0x51e: {  	v3 =	vor.u32 v3, v4  }
0x51f: {  	v4 =	vperm.xlane v3, v0;
	_ =	sdelay $0x1  }
0x520: {  	v4 =	vadd.s32 v1, v4;
	_ =	sdelay $0x1  }
0x521: {  	v3 =	vperm.xlane v3, v2;
	_ =	sdelay $0x1  }
0x522: {  	v3 =	vadd.s32 v1, v3  }
0x523: {  	[tilespmem:s24], [sflag:$0x2] =	stream.indirect_vreg.gather [hbm4b:s1+s3], $0x80, v4, vm0, $0xb8;
	[tilespmem:$0x18800] =	vst v63  }
0x524: {  	_ = 	snop  }
0x525: {  	[tilespmem:s30], [sflag:$0x2] =	stream.indirect_vreg.gather [hbm4b:s5+s3], $0x80, v4, vm0, $0xb8;
	[tilespmem:$0x18800] =	vst v63  }
0x526: {  	_ = 	snop  }
0x527: {  	[tilespmem:s25], [sflag:$0x2] =	stream.indirect_vreg.gather [hbm4b:s1+s3], $0x80, v3, vm0, $0xb8;
	[tilespmem:$0x18800] =	vst v63  }
0x528: {  	s30 =	simm.s32 $0xA000  }
0x529: {  	[tilespmem:s30], [sflag:$0x2] =	stream.indirect_vreg.gather [hbm4b:s5+s3], $0x80, v3, vm0, $0xb8;
	[tilespmem:$0x18800] =	vst v63  }
0x52a: {  	v3 =	vld [tilespmem:$0x4D0];
	_ =	sdelay $0x4  }
0x52b: {  	v13 =	vshll.u32 v3, $0x2  }
0x52c: {  	v3 =	vand.u32 $0x7, v3;
	v4 =	vand.u32 $0xFFFFFFE0, v13  }
0x52d: {  	v3 =	vor.u32 v3, v4  }
0x52e: {  	v4 =	vperm.xlane v3, v0;
	_ =	sdelay $0x1  }
0x52f: {  	v4 =	vadd.s32 v1, v4;
	_ =	sdelay $0x1  }
0x530: {  	v3 =	vperm.xlane v3, v2;
	_ =	sdelay $0x1  }
0x531: {  	v3 =	vadd.s32 v1, v3  }
0x532: {  	[tilespmem:s26], [sflag:$0x2] =	stream.indirect_vreg.gather [hbm4b:s1+s3], $0x80, v4, vm0, $0xb8;
	[tilespmem:$0x18800] =	vst v63  }
0x533: {  	_ = 	snop  }
0x534: {  	[tilespmem:s28], [sflag:$0x2] =	stream.indirect_vreg.gather [hbm4b:s5+s3], $0x80, v4, vm0, $0xb8;
	[tilespmem:$0x18800] =	vst v63  }
0x535: {  	_ = 	snop  }
0x536: {  	[tilespmem:s29], [sflag:$0x2] =	stream.indirect_vreg.gather [hbm4b:s1+s3], $0x80, v3, vm0, $0xb8;
	[tilespmem:$0x18800] =	vst v63  }
0x537: {  	s7 =	simm.s32 $0xC000  }
0x538: {  	[tilespmem:s7], [sflag:$0x2] =	stream.indirect_vreg.gather [hbm4b:s5+s3], $0x80, v3, vm0, $0xb8;
	[tilespmem:$0x18800] =	vst v63  }
0x539: {  	v3 =	vld [tilespmem:$0x4E0];
	_ =	sdelay $0x4  }
0x53a: {  	v14 =	vshll.u32 v3, $0x2  }
0x53b: {  	v3 =	vand.u32 $0x7, v3;
	v4 =	vand.u32 $0xFFFFFFE0, v14  }
0x53c: {  	v3 =	vor.u32 v3, v4  }
0x53d: {  	v4 =	vperm.xlane v3, v0;
	_ =	sdelay $0x1  }
0x53e: {  	v4 =	vadd.s32 v1, v4;
	_ =	sdelay $0x1  }
0x53f: {  	v3 =	vperm.xlane v3, v2;
	_ =	sdelay $0x1  }
0x540: {  	v3 =	vadd.s32 v1, v3  }
0x541: {  	[tilespmem:s31], [sflag:$0x2] =	stream.indirect_vreg.gather [hbm4b:s1+s3], $0x80, v4, vm0, $0xb8;
	[tilespmem:$0x18800] =	vst v63  }
0x542: {  	s26 =	simm.s32 $0xD000  }
0x543: {  	[tilespmem:s26], [sflag:$0x2] =	stream.indirect_vreg.gather [hbm4b:s5+s3], $0x80, v4, vm0, $0xb8;
	[tilespmem:$0x18800] =	vst v63  }
0x544: {  	s28 =	simm.s32 $0xD800  }
0x545: {  	[tilespmem:s28], [sflag:$0x2] =	stream.indirect_vreg.gather [hbm4b:s1+s3], $0x80, v3, vm0, $0xb8;
	[tilespmem:$0x18800] =	vst v63  }
0x546: {  	s29 =	simm.s32 $0xE000  }
0x547: {  	[tilespmem:s29], [sflag:$0x2] =	stream.indirect_vreg.gather [hbm4b:s5+s3], $0x80, v3, vm0, $0xb8;
	[tilespmem:$0x18800] =	vst v63  }
0x548: {  	v3 =	vld [tilespmem:$0x4F0];
	_ =	sdelay $0x4  }
0x549: {  	v15 =	vshll.u32 v3, $0x2  }
0x54a: {  	v3 =	vand.u32 $0x7, v3;
	v4 =	vand.u32 $0xFFFFFFE0, v15  }
0x54b: {  	v3 =	vor.u32 v3, v4  }
0x54c: {  	v4 =	vperm.xlane v3, v0;
	_ =	sdelay $0x1  }
0x54d: {  	v4 =	vadd.s32 v1, v4;
	_ =	sdelay $0x1  }
0x54e: {  	v3 =	vperm.xlane v3, v2;
	_ =	sdelay $0x1  }
0x54f: {  	s31 =	simm.s32 $0xE800;
	v3 =	vadd.s32 v1, v3  }
0x550: {  	[tilespmem:s31], [sflag:$0x2] =	stream.indirect_vreg.gather [hbm4b:s1+s3], $0x80, v4, vm0, $0xb8;
	[tilespmem:$0x18800] =	vst v63  }
0x551: {  	s22 =	simm.s32 $0xF000  }
0x552: {  	[tilespmem:s22], [sflag:$0x2] =	stream.indirect_vreg.gather [hbm4b:s5+s3], $0x80, v4, vm0, $0xb8;
	[tilespmem:$0x18800] =	vst v63  }
0x553: {  	s23 =	simm.s32 $0xF800  }
0x554: {  	[tilespmem:s23], [sflag:$0x2] =	stream.indirect_vreg.gather [hbm4b:s1+s3], $0x80, v3, vm0, $0xb8;
	[tilespmem:$0x18800] =	vst v63  }
0x555: {  	s24 =	simm.s32 $0x10000  }
0x556: {  	[tilespmem:s24], [sflag:$0x2] =	stream.indirect_vreg.gather [hbm4b:s5+s3], $0x80, v3, vm0, $0xb8;
	[tilespmem:$0x18800] =	vst v63  }
0x557: {  	_ =	swait.ge [sflag:s19], $0x8000  }
0x558: {  	[sflag:s19] =	ssyncset.done $0x0  }
0x559: {  	s26 =	simm.s32 $0x10800;
	s25 =	rddreg [dreg:$0x15];
	[sflag:s19] =	ssyncadd.s32 $0xFFFF8000  }
0x55a: {  	[hbm4b:s25+s3] =	stream.linear.scatter [tilespmem:s26], [sflag:$0x6], $0x8000, $0x38;
	[tilespmem:$0x18800] =	vst v63  }
0x55b: {  	_ =	swait.ge [sflag:s20], $0x8000  }
0x55c: {  	[sflag:s20] =	ssyncset.done $0x0  }
0x55d: {  	[sflag:s20] =	ssyncadd.s32 $0xFFFF8000  }
0x55e: {  	v3 =	vld [tilespmem:$0x500];
	_ =	sdelay $0x4  }
0x55f: {  	v16 =	vshll.u32 v3, $0x2  }
0x560: {  	v3 =	vand.u32 $0x7, v3;
	v4 =	vand.u32 $0xFFFFFFE0, v16  }
0x561: {  	v3 =	vor.u32 v3, v4  }
0x562: {  	v4 =	vperm.xlane v3, v0;
	_ =	sdelay $0x1  }
0x563: {  	v4 =	vadd.s32 v1, v4;
	_ =	sdelay $0x1  }
0x564: {  	v3 =	vperm.xlane v3, v2;
	_ =	sdelay $0x1  }
0x565: {  	v3 =	vadd.s32 v1, v3  }
0x566: {  	[tilespmem:s26], [sflag:$0x3] =	stream.indirect_vreg.gather [hbm4b:s1+s3], $0x80, v4, vm0, $0xb8;
	[tilespmem:$0x18800] =	vst v63  }
0x567: {  	s28 =	simm.s32 $0x11000  }
0x568: {  	[tilespmem:s28], [sflag:$0x3] =	stream.indirect_vreg.gather [hbm4b:s5+s3], $0x80, v4, vm0, $0xb8;
	[tilespmem:$0x18800] =	vst v63  }
0x569: {  	s29 =	simm.s32 $0x11800  }
0x56a: {  	[tilespmem:s29], [sflag:$0x3] =	stream.indirect_vreg.gather [hbm4b:s1+s3], $0x80, v3, vm0, $0xb8;
	[tilespmem:$0x18800] =	vst v63  }
0x56b: {  	s22 =	simm.s32 $0x12000  }
0x56c: {  	[tilespmem:s22], [sflag:$0x3] =	stream.indirect_vreg.gather [hbm4b:s5+s3], $0x80, v3, vm0, $0xb8;
	[tilespmem:$0x18800] =	vst v63  }
0x56d: {  	v3 =	vld [tilespmem:$0x510];
	_ =	sdelay $0x4  }
0x56e: {  	v17 =	vshll.u32 v3, $0x2  }
0x56f: {  	v3 =	vand.u32 $0x7, v3;
	v4 =	vand.u32 $0xFFFFFFE0, v17  }
0x570: {  	v3 =	vor.u32 v3, v4  }
0x571: {  	v4 =	vperm.xlane v3, v0;
	_ =	sdelay $0x1  }
0x572: {  	v4 =	vadd.s32 v1, v4;
	_ =	sdelay $0x1  }
0x573: {  	v3 =	vperm.xlane v3, v2;
	_ =	sdelay $0x1  }
0x574: {  	s31 =	simm.s32 $0x12800;
	v3 =	vadd.s32 v1, v3  }
0x575: {  	[tilespmem:s31], [sflag:$0x3] =	stream.indirect_vreg.gather [hbm4b:s1+s3], $0x80, v4, vm0, $0xb8;
	[tilespmem:$0x18800] =	vst v63  }
0x576: {  	s23 =	simm.s32 $0x13000  }
0x577: {  	[tilespmem:s23], [sflag:$0x3] =	stream.indirect_vreg.gather [hbm4b:s5+s3], $0x80, v4, vm0, $0xb8;
	[tilespmem:$0x18800] =	vst v63  }
0x578: {  	s24 =	simm.s32 $0x13800  }
0x579: {  	[tilespmem:s24], [sflag:$0x3] =	stream.indirect_vreg.gather [hbm4b:s1+s3], $0x80, v3, vm0, $0xb8;
	[tilespmem:$0x18800] =	vst v63  }
0x57a: {  	_ = 	snop  }
0x57b: {  	[tilespmem:s4], [sflag:$0x3] =	stream.indirect_vreg.gather [hbm4b:s5+s3], $0x80, v3, vm0, $0xb8;
	[tilespmem:$0x18800] =	vst v63  }
0x57c: {  	v3 =	vld [tilespmem:$0x520];
	_ =	sdelay $0x4  }
0x57d: {  	v18 =	vshll.u32 v3, $0x2  }
0x57e: {  	v3 =	vand.u32 $0x7, v3;
	v4 =	vand.u32 $0xFFFFFFE0, v18  }
0x57f: {  	v3 =	vor.u32 v3, v4  }
0x580: {  	v4 =	vperm.xlane v3, v0;
	_ =	sdelay $0x1  }
0x581: {  	v4 =	vadd.s32 v1, v4;
	_ =	sdelay $0x1  }
0x582: {  	v3 =	vperm.xlane v3, v2;
	_ =	sdelay $0x1  }
0x583: {  	s29 =	simm.s32 $0x14800;
	v3 =	vadd.s32 v1, v3  }
0x584: {  	[tilespmem:s29], [sflag:$0x3] =	stream.indirect_vreg.gather [hbm4b:s1+s3], $0x80, v4, vm0, $0xb8;
	[tilespmem:$0x18800] =	vst v63  }
0x585: {  	s25 =	simm.s32 $0x15000  }
0x586: {  	[tilespmem:s25], [sflag:$0x3] =	stream.indirect_vreg.gather [hbm4b:s5+s3], $0x80, v4, vm0, $0xb8;
	[tilespmem:$0x18800] =	vst v63  }
0x587: {  	s26 =	simm.s32 $0x15800  }
0x588: {  	[tilespmem:s26], [sflag:$0x3] =	stream.indirect_vreg.gather [hbm4b:s1+s3], $0x80, v3, vm0, $0xb8;
	[tilespmem:$0x18800] =	vst v63  }
0x589: {  	_ = 	snop  }
0x58a: {  	[tilespmem:s6], [sflag:$0x3] =	stream.indirect_vreg.gather [hbm4b:s5+s3], $0x80, v3, vm0, $0xb8;
	[tilespmem:$0x18800] =	vst v63  }
0x58b: {  	v3 =	vld [tilespmem:$0x530];
	_ =	sdelay $0x4  }
0x58c: {  	v19 =	vshll.u32 v3, $0x2  }
0x58d: {  	v3 =	vand.u32 $0x7, v3;
	v4 =	vand.u32 $0xFFFFFFE0, v19  }
0x58e: {  	v3 =	vor.u32 v3, v4  }
0x58f: {  	v4 =	vperm.xlane v3, v0;
	_ =	sdelay $0x1  }
0x590: {  	v4 =	vadd.s32 v1, v4;
	_ =	sdelay $0x1  }
0x591: {  	v3 =	vperm.xlane v3, v2;
	_ =	sdelay $0x1  }
0x592: {  	s6 =	simm.s32 $0x16800;
	v3 =	vadd.s32 v1, v3  }
0x593: {  	[tilespmem:s6], [sflag:$0x3] =	stream.indirect_vreg.gather [hbm4b:s1+s3], $0x80, v4, vm0, $0xb8;
	[tilespmem:$0x18800] =	vst v63  }
0x594: {  	s28 =	simm.s32 $0x17000  }
0x595: {  	[tilespmem:s28], [sflag:$0x3] =	stream.indirect_vreg.gather [hbm4b:s5+s3], $0x80, v4, vm0, $0xb8;
	[tilespmem:$0x18800] =	vst v63  }
0x596: {  	_ = 	snop  }
0x597: {  	[tilespmem:s0], [sflag:$0x3] =	stream.indirect_vreg.gather [hbm4b:s1+s3], $0x80, v3, vm0, $0xb8;
	[tilespmem:$0x18800] =	vst v63  }
0x598: {  	_ = 	snop  }
0x599: {  	[tilespmem:s11], [sflag:$0x3] =	stream.indirect_vreg.gather [hbm4b:s5+s3], $0x80, v3, vm0, $0xb8;
	[tilespmem:$0x18800] =	vst v63  }
0x59a: {  	_ =	swait.ge [sflag:s15], $0x8000  }
0x59b: {  	[sflag:s15] =	ssyncset.done $0x0  }
0x59c: {  	s11 =	simm.s32 $0x800;
	s4 =	rddreg [dreg:$0x16];
	[sflag:s15] =	ssyncadd.s32 $0xFFFF8000  }
0x59d: {  	[hbm4b:s4+s3] =	stream.linear.scatter [tilespmem:s11], [sflag:$0x4], $0x8000, $0x38;
	[tilespmem:$0x18800] =	vst v63  }
0x59e: {  	_ =	swait.ge [sflag:s16], $0x8000  }
0x59f: {  	[sflag:s16] =	ssyncset.done $0x0  }
0x5a0: {  	[sflag:s16] =	ssyncadd.s32 $0xFFFF8000  }
0x5a1: {  	v3 =	vld [tilespmem:$0x540];
	_ =	sdelay $0x4  }
0x5a2: {  	v20 =	vshll.u32 v3, $0x2  }
0x5a3: {  	v3 =	vand.u32 $0x7, v3;
	v4 =	vand.u32 $0xFFFFFFE0, v20  }
0x5a4: {  	v3 =	vor.u32 v3, v4  }
0x5a5: {  	v4 =	vperm.xlane v3, v0;
	_ =	sdelay $0x1  }
0x5a6: {  	v4 =	vadd.s32 v1, v4;
	_ =	sdelay $0x1  }
0x5a7: {  	v3 =	vperm.xlane v3, v2;
	_ =	sdelay $0x1  }
0x5a8: {  	v3 =	vadd.s32 v1, v3  }
0x5a9: {  	[tilespmem:s11], [sflag:$0x1] =	stream.indirect_vreg.gather [hbm4b:s1+s3], $0x80, v4, vm0, $0xb8;
	[tilespmem:$0x18800] =	vst v63  }
0x5aa: {  	_ = 	snop  }
0x5ab: {  	[tilespmem:s13], [sflag:$0x1] =	stream.indirect_vreg.gather [hbm4b:s5+s3], $0x80, v4, vm0, $0xb8;
	[tilespmem:$0x18800] =	vst v63  }
0x5ac: {  	_ = 	snop  }
0x5ad: {  	[tilespmem:s14], [sflag:$0x1] =	stream.indirect_vreg.gather [hbm4b:s1+s3], $0x80, v3, vm0, $0xb8;
	[tilespmem:$0x18800] =	vst v63  }
0x5ae: {  	s14 =	simm.s32 $0x2000  }
0x5af: {  	[tilespmem:s14], [sflag:$0x1] =	stream.indirect_vreg.gather [hbm4b:s5+s3], $0x80, v3, vm0, $0xb8;
	[tilespmem:$0x18800] =	vst v63  }
0x5b0: {  	v3 =	vld [tilespmem:$0x550];
	_ =	sdelay $0x4  }
0x5b1: {  	v21 =	vshll.u32 v3, $0x2  }
0x5b2: {  	v3 =	vand.u32 $0x7, v3;
	v4 =	vand.u32 $0xFFFFFFE0, v21  }
0x5b3: {  	v3 =	vor.u32 v3, v4  }
0x5b4: {  	v4 =	vperm.xlane v3, v0;
	_ =	sdelay $0x1  }
0x5b5: {  	v4 =	vadd.s32 v1, v4;
	_ =	sdelay $0x1  }
0x5b6: {  	v3 =	vperm.xlane v3, v2;
	_ =	sdelay $0x1  }
0x5b7: {  	s21 =	simm.s32 $0x2800;
	v3 =	vadd.s32 v1, v3  }
0x5b8: {  	[tilespmem:s21], [sflag:$0x1] =	stream.indirect_vreg.gather [hbm4b:s1+s3], $0x80, v4, vm0, $0xb8;
	[tilespmem:$0x18800] =	vst v63  }
0x5b9: {  	s31 =	simm.s32 $0x3000  }
0x5ba: {  	[tilespmem:s31], [sflag:$0x1] =	stream.indirect_vreg.gather [hbm4b:s5+s3], $0x80, v4, vm0, $0xb8;
	[tilespmem:$0x18800] =	vst v63  }
0x5bb: {  	s4 =	simm.s32 $0x3800  }
0x5bc: {  	[tilespmem:s4], [sflag:$0x1] =	stream.indirect_vreg.gather [hbm4b:s1+s3], $0x80, v3, vm0, $0xb8;
	[tilespmem:$0x18800] =	vst v63  }
0x5bd: {  	s11 =	simm.s32 $0x4000  }
0x5be: {  	[tilespmem:s11], [sflag:$0x1] =	stream.indirect_vreg.gather [hbm4b:s5+s3], $0x80, v3, vm0, $0xb8;
	[tilespmem:$0x18800] =	vst v63  }
0x5bf: {  	v3 =	vld [tilespmem:$0x560];
	_ =	sdelay $0x4  }
0x5c0: {  	v22 =	vshll.u32 v3, $0x2  }
0x5c1: {  	v3 =	vand.u32 $0x7, v3;
	v4 =	vand.u32 $0xFFFFFFE0, v22  }
0x5c2: {  	v3 =	vor.u32 v3, v4  }
0x5c3: {  	v4 =	vperm.xlane v3, v0;
	_ =	sdelay $0x1  }
0x5c4: {  	v4 =	vadd.s32 v1, v4;
	_ =	sdelay $0x1  }
0x5c5: {  	v3 =	vperm.xlane v3, v2;
	_ =	sdelay $0x1  }
0x5c6: {  	s13 =	simm.s32 $0x4800;
	v3 =	vadd.s32 v1, v3  }
0x5c7: {  	[tilespmem:s13], [sflag:$0x1] =	stream.indirect_vreg.gather [hbm4b:s1+s3], $0x80, v4, vm0, $0xb8;
	[tilespmem:$0x18800] =	vst v63  }
0x5c8: {  	_ = 	snop  }
0x5c9: {  	[tilespmem:s2], [sflag:$0x1] =	stream.indirect_vreg.gather [hbm4b:s5+s3], $0x80, v4, vm0, $0xb8;
	[tilespmem:$0x18800] =	vst v63  }
0x5ca: {  	_ = 	snop  }
0x5cb: {  	[tilespmem:s8], [sflag:$0x1] =	stream.indirect_vreg.gather [hbm4b:s1+s3], $0x80, v3, vm0, $0xb8;
	[tilespmem:$0x18800] =	vst v63  }
0x5cc: {  	s2 =	simm.s32 $0x6000  }
0x5cd: {  	[tilespmem:s2], [sflag:$0x1] =	stream.indirect_vreg.gather [hbm4b:s5+s3], $0x80, v3, vm0, $0xb8;
	[tilespmem:$0x18800] =	vst v63  }
0x5ce: {  	v3 =	vld [tilespmem:$0x570];
	_ =	sdelay $0x4  }
0x5cf: {  	v23 =	vshll.u32 v3, $0x2  }
0x5d0: {  	v3 =	vand.u32 $0x7, v3;
	v4 =	vand.u32 $0xFFFFFFE0, v23  }
0x5d1: {  	v3 =	vor.u32 v3, v4  }
0x5d2: {  	v4 =	vperm.xlane v3, v0;
	_ =	sdelay $0x1  }
0x5d3: {  	v4 =	vadd.s32 v1, v4;
	_ =	sdelay $0x1  }
0x5d4: {  	v3 =	vperm.xlane v3, v2;
	_ =	sdelay $0x1  }
0x5d5: {  	v3 =	vadd.s32 v1, v3  }
0x5d6: {  	[tilespmem:s9], [sflag:$0x1] =	stream.indirect_vreg.gather [hbm4b:s1+s3], $0x80, v4, vm0, $0xb8;
	[tilespmem:$0x18800] =	vst v63  }
0x5d7: {  	_ = 	snop  }
0x5d8: {  	[tilespmem:s10], [sflag:$0x1] =	stream.indirect_vreg.gather [hbm4b:s5+s3], $0x80, v4, vm0, $0xb8;
	[tilespmem:$0x18800] =	vst v63  }
0x5d9: {  	s10 =	simm.s32 $0x7800  }
0x5da: {  	[tilespmem:s10], [sflag:$0x1] =	stream.indirect_vreg.gather [hbm4b:s1+s3], $0x80, v3, vm0, $0xb8;
	[tilespmem:$0x18800] =	vst v63  }
0x5db: {  	_ = 	snop  }
0x5dc: {  	[tilespmem:s12], [sflag:$0x1] =	stream.indirect_vreg.gather [hbm4b:s5+s3], $0x80, v3, vm0, $0xb8;
	[tilespmem:$0x18800] =	vst v63  }
0x5dd: {  	_ =	swait.ge [sflag:s17], $0x8000  }
0x5de: {  	[sflag:s17] =	ssyncset.done $0x0  }
0x5df: {  	s14 =	simm.s32 $0x8800;
	s12 =	rddreg [dreg:$0x17];
	[sflag:s17] =	ssyncadd.s32 $0xFFFF8000  }
0x5e0: {  	[hbm4b:s12+s3] =	stream.linear.scatter [tilespmem:s14], [sflag:$0x5], $0x8000, $0x38;
	[tilespmem:$0x18800] =	vst v63  }
0x5e1: {  	_ =	swait.ge [sflag:s18], $0x8000  }
0x5e2: {  	[sflag:s18] =	ssyncset.done $0x0  }
0x5e3: {  	[sflag:s18] =	ssyncadd.s32 $0xFFFF8000  }
0x5e4: {  	v3 =	vld [tilespmem:$0x580];
	_ =	sdelay $0x4  }
0x5e5: {  	v24 =	vshll.u32 v3, $0x2  }
0x5e6: {  	v3 =	vand.u32 $0x7, v3;
	v4 =	vand.u32 $0xFFFFFFE0, v24  }
0x5e7: {  	v3 =	vor.u32 v3, v4  }
0x5e8: {  	v4 =	vperm.xlane v3, v0;
	_ =	sdelay $0x1  }
0x5e9: {  	v4 =	vadd.s32 v1, v4;
	_ =	sdelay $0x1  }
0x5ea: {  	v3 =	vperm.xlane v3, v2;
	_ =	sdelay $0x1  }
0x5eb: {  	v3 =	vadd.s32 v1, v3  }
0x5ec: {  	[tilespmem:s14], [sflag:$0x2] =	stream.indirect_vreg.gather [hbm4b:s1+s3], $0x80, v4, vm0, $0xb8;
	[tilespmem:$0x18800] =	vst v63  }
0x5ed: {  	s9 =	simm.s32 $0x9000  }
0x5ee: {  	[tilespmem:s9], [sflag:$0x2] =	stream.indirect_vreg.gather [hbm4b:s5+s3], $0x80, v4, vm0, $0xb8;
	[tilespmem:$0x18800] =	vst v63  }
0x5ef: {  	s31 =	simm.s32 $0x9800  }
0x5f0: {  	[tilespmem:s31], [sflag:$0x2] =	stream.indirect_vreg.gather [hbm4b:s1+s3], $0x80, v3, vm0, $0xb8;
	[tilespmem:$0x18800] =	vst v63  }
0x5f1: {  	_ = 	snop  }
0x5f2: {  	[tilespmem:s30], [sflag:$0x2] =	stream.indirect_vreg.gather [hbm4b:s5+s3], $0x80, v3, vm0, $0xb8;
	[tilespmem:$0x18800] =	vst v63  }
0x5f3: {  	v3 =	vld [tilespmem:$0x590];
	_ =	sdelay $0x4  }
0x5f4: {  	v25 =	vshll.u32 v3, $0x2  }
0x5f5: {  	v3 =	vand.u32 $0x7, v3;
	v4 =	vand.u32 $0xFFFFFFE0, v25  }
0x5f6: {  	v3 =	vor.u32 v3, v4  }
0x5f7: {  	v4 =	vperm.xlane v3, v0;
	_ =	sdelay $0x1  }
0x5f8: {  	v4 =	vadd.s32 v1, v4;
	_ =	sdelay $0x1  }
0x5f9: {  	v3 =	vperm.xlane v3, v2;
	_ =	sdelay $0x1  }
0x5fa: {  	s4 =	simm.s32 $0xA800;
	v3 =	vadd.s32 v1, v3  }
0x5fb: {  	[tilespmem:s4], [sflag:$0x2] =	stream.indirect_vreg.gather [hbm4b:s1+s3], $0x80, v4, vm0, $0xb8;
	[tilespmem:$0x18800] =	vst v63  }
0x5fc: {  	s8 =	simm.s32 $0xB000  }
0x5fd: {  	[tilespmem:s8], [sflag:$0x2] =	stream.indirect_vreg.gather [hbm4b:s5+s3], $0x80, v4, vm0, $0xb8;
	[tilespmem:$0x18800] =	vst v63  }
0x5fe: {  	s14 =	simm.s32 $0xB800  }
0x5ff: {  	[tilespmem:s14], [sflag:$0x2] =	stream.indirect_vreg.gather [hbm4b:s1+s3], $0x80, v3, vm0, $0xb8;
	[tilespmem:$0x18800] =	vst v63  }
0x600: {  	_ = 	snop  }
0x601: {  	[tilespmem:s7], [sflag:$0x2] =	stream.indirect_vreg.gather [hbm4b:s5+s3], $0x80, v3, vm0, $0xb8;
	[tilespmem:$0x18800] =	vst v63  }
0x602: {  	v3 =	vld [tilespmem:$0x5A0];
	_ =	sdelay $0x4  }
0x603: {  	v26 =	vshll.u32 v3, $0x2  }
0x604: {  	v3 =	vand.u32 $0x7, v3;
	v4 =	vand.u32 $0xFFFFFFE0, v26  }
0x605: {  	v3 =	vor.u32 v3, v4  }
0x606: {  	v4 =	vperm.xlane v3, v0;
	_ =	sdelay $0x1  }
0x607: {  	v4 =	vadd.s32 v1, v4;
	_ =	sdelay $0x1  }
0x608: {  	v3 =	vperm.xlane v3, v2;
	_ =	sdelay $0x1  }
0x609: {  	s30 =	simm.s32 $0xC800;
	v3 =	vadd.s32 v1, v3  }
0x60a: {  	[tilespmem:s30], [sflag:$0x2] =	stream.indirect_vreg.gather [hbm4b:s1+s3], $0x80, v4, vm0, $0xb8;
	[tilespmem:$0x18800] =	vst v63  }
0x60b: {  	s31 =	simm.s32 $0xD000  }
0x60c: {  	[tilespmem:s31], [sflag:$0x2] =	stream.indirect_vreg.gather [hbm4b:s5+s3], $0x80, v4, vm0, $0xb8;
	[tilespmem:$0x18800] =	vst v63  }
0x60d: {  	s10 =	simm.s32 $0xD800  }
0x60e: {  	[tilespmem:s10], [sflag:$0x2] =	stream.indirect_vreg.gather [hbm4b:s1+s3], $0x80, v3, vm0, $0xb8;
	[tilespmem:$0x18800] =	vst v63  }
0x60f: {  	s12 =	simm.s32 $0xE000  }
0x610: {  	[tilespmem:s12], [sflag:$0x2] =	stream.indirect_vreg.gather [hbm4b:s5+s3], $0x80, v3, vm0, $0xb8;
	[tilespmem:$0x18800] =	vst v63  }
0x611: {  	v3 =	vld [tilespmem:$0x5B0];
	_ =	sdelay $0x4  }
0x612: {  	v27 =	vshll.u32 v3, $0x2  }
0x613: {  	v3 =	vand.u32 $0x7, v3;
	v4 =	vand.u32 $0xFFFFFFE0, v27  }
0x614: {  	v3 =	vor.u32 v3, v4  }
0x615: {  	v4 =	vperm.xlane v3, v0;
	_ =	sdelay $0x1  }
0x616: {  	v4 =	vadd.s32 v1, v4;
	_ =	sdelay $0x1  }
0x617: {  	v3 =	vperm.xlane v3, v2;
	_ =	sdelay $0x1  }
0x618: {  	s21 =	simm.s32 $0xE800;
	v3 =	vadd.s32 v1, v3  }
0x619: {  	[tilespmem:s21], [sflag:$0x2] =	stream.indirect_vreg.gather [hbm4b:s1+s3], $0x80, v4, vm0, $0xb8;
	[tilespmem:$0x18800] =	vst v63  }
0x61a: {  	s4 =	simm.s32 $0xF000  }
0x61b: {  	[tilespmem:s4], [sflag:$0x2] =	stream.indirect_vreg.gather [hbm4b:s5+s3], $0x80, v4, vm0, $0xb8;
	[tilespmem:$0x18800] =	vst v63  }
0x61c: {  	s7 =	simm.s32 $0xF800  }
0x61d: {  	[tilespmem:s7], [sflag:$0x2] =	stream.indirect_vreg.gather [hbm4b:s1+s3], $0x80, v3, vm0, $0xb8;
	[tilespmem:$0x18800] =	vst v63  }
0x61e: {  	s8 =	simm.s32 $0x10000  }
0x61f: {  	[tilespmem:s8], [sflag:$0x2] =	stream.indirect_vreg.gather [hbm4b:s5+s3], $0x80, v3, vm0, $0xb8;
	[tilespmem:$0x18800] =	vst v63  }
0x620: {  	_ =	swait.ge [sflag:s19], $0x8000  }
0x621: {  	[sflag:s19] =	ssyncset.done $0x0  }
0x622: {  	s12 =	simm.s32 $0x10800;
	s10 =	rddreg [dreg:$0x18];
	[sflag:s19] =	ssyncadd.s32 $0xFFFF8000  }
0x623: {  	[hbm4b:s10+s3] =	stream.linear.scatter [tilespmem:s12], [sflag:$0x6], $0x8000, $0x38;
	[tilespmem:$0x18800] =	vst v63  }
0x624: {  	_ =	swait.ge [sflag:s20], $0x8000  }
0x625: {  	[sflag:s20] =	ssyncset.done $0x0  }
0x626: {  	[sflag:s20] =	ssyncadd.s32 $0xFFFF8000  }
0x627: {  	v3 =	vld [tilespmem:$0x5C0];
	_ =	sdelay $0x4  }
0x628: {  	v28 =	vshll.u32 v3, $0x2  }
0x629: {  	v3 =	vand.u32 $0x7, v3;
	v4 =	vand.u32 $0xFFFFFFE0, v28  }
0x62a: {  	v3 =	vor.u32 v3, v4  }
0x62b: {  	v4 =	vperm.xlane v3, v0;
	_ =	sdelay $0x1  }
0x62c: {  	v4 =	vadd.s32 v1, v4;
	_ =	sdelay $0x1  }
0x62d: {  	v3 =	vperm.xlane v3, v2;
	_ =	sdelay $0x1  }
0x62e: {  	v3 =	vadd.s32 v1, v3  }
0x62f: {  	[tilespmem:s12], [sflag:$0x3] =	stream.indirect_vreg.gather [hbm4b:s1+s3], $0x80, v4, vm0, $0xb8;
	[tilespmem:$0x18800] =	vst v63  }
0x630: {  	s21 =	simm.s32 $0x11000  }
0x631: {  	[tilespmem:s21], [sflag:$0x3] =	stream.indirect_vreg.gather [hbm4b:s5+s3], $0x80, v4, vm0, $0xb8;
	[tilespmem:$0x18800] =	vst v63  }
0x632: {  	s12 =	simm.s32 $0x11800  }
0x633: {  	[tilespmem:s12], [sflag:$0x3] =	stream.indirect_vreg.gather [hbm4b:s1+s3], $0x80, v3, vm0, $0xb8;
	[tilespmem:$0x18800] =	vst v63  }
0x634: {  	_ = 	snop  }
0x635: {  	[tilespmem:s22], [sflag:$0x3] =	stream.indirect_vreg.gather [hbm4b:s5+s3], $0x80, v3, vm0, $0xb8;
	[tilespmem:$0x18800] =	vst v63  }
0x636: {  	v3 =	vld [tilespmem:$0x5D0];
	_ =	sdelay $0x4  }
0x637: {  	v29 =	vshll.u32 v3, $0x2  }
0x638: {  	v3 =	vand.u32 $0x7, v3;
	v4 =	vand.u32 $0xFFFFFFE0, v29  }
0x639: {  	v3 =	vor.u32 v3, v4  }
0x63a: {  	v4 =	vperm.xlane v3, v0;
	_ =	sdelay $0x1  }
0x63b: {  	v4 =	vadd.s32 v1, v4;
	_ =	sdelay $0x1  }
0x63c: {  	v3 =	vperm.xlane v3, v2;
	_ =	sdelay $0x1  }
0x63d: {  	s22 =	simm.s32 $0x12800;
	v3 =	vadd.s32 v1, v3  }
0x63e: {  	[tilespmem:s22], [sflag:$0x3] =	stream.indirect_vreg.gather [hbm4b:s1+s3], $0x80, v4, vm0, $0xb8;
	[tilespmem:$0x18800] =	vst v63  }
0x63f: {  	_ = 	snop  }
0x640: {  	[tilespmem:s23], [sflag:$0x3] =	stream.indirect_vreg.gather [hbm4b:s5+s3], $0x80, v4, vm0, $0xb8;
	[tilespmem:$0x18800] =	vst v63  }
0x641: {  	_ = 	snop  }
0x642: {  	[tilespmem:s24], [sflag:$0x3] =	stream.indirect_vreg.gather [hbm4b:s1+s3], $0x80, v3, vm0, $0xb8;
	[tilespmem:$0x18800] =	vst v63  }
0x643: {  	s7 =	simm.s32 $0x14000  }
0x644: {  	[tilespmem:s7], [sflag:$0x3] =	stream.indirect_vreg.gather [hbm4b:s5+s3], $0x80, v3, vm0, $0xb8;
	[tilespmem:$0x18800] =	vst v63  }
0x645: {  	v3 =	vld [tilespmem:$0x5E0];
	_ =	sdelay $0x4  }
0x646: {  	v30 =	vshll.u32 v3, $0x2  }
0x647: {  	v3 =	vand.u32 $0x7, v3;
	v4 =	vand.u32 $0xFFFFFFE0, v30  }
0x648: {  	v3 =	vor.u32 v3, v4  }
0x649: {  	v4 =	vperm.xlane v3, v0;
	_ =	sdelay $0x1  }
0x64a: {  	v4 =	vadd.s32 v1, v4;
	_ =	sdelay $0x1  }
0x64b: {  	v3 =	vperm.xlane v3, v2;
	_ =	sdelay $0x1  }
0x64c: {  	v3 =	vadd.s32 v1, v3  }
0x64d: {  	[tilespmem:s29], [sflag:$0x3] =	stream.indirect_vreg.gather [hbm4b:s1+s3], $0x80, v4, vm0, $0xb8;
	[tilespmem:$0x18800] =	vst v63  }
0x64e: {  	_ = 	snop  }
0x64f: {  	[tilespmem:s25], [sflag:$0x3] =	stream.indirect_vreg.gather [hbm4b:s5+s3], $0x80, v4, vm0, $0xb8;
	[tilespmem:$0x18800] =	vst v63  }
0x650: {  	_ = 	snop  }
0x651: {  	[tilespmem:s26], [sflag:$0x3] =	stream.indirect_vreg.gather [hbm4b:s1+s3], $0x80, v3, vm0, $0xb8;
	[tilespmem:$0x18800] =	vst v63  }
0x652: {  	s8 =	simm.s32 $0x16000  }
0x653: {  	[tilespmem:s8], [sflag:$0x3] =	stream.indirect_vreg.gather [hbm4b:s5+s3], $0x80, v3, vm0, $0xb8;
	[tilespmem:$0x18800] =	vst v63  }
0x654: {  	v3 =	vld [tilespmem:$0x5F0];
	_ =	sdelay $0x4  }
0x655: {  	v31 =	vshll.u32 v3, $0x2  }
0x656: {  	v3 =	vand.u32 $0x7, v3;
	v4 =	vand.u32 $0xFFFFFFE0, v31  }
0x657: {  	v3 =	vor.u32 v3, v4  }
0x658: {  	v4 =	vperm.xlane v3, v0;
	_ =	sdelay $0x1  }
0x659: {  	v4 =	vadd.s32 v1, v4;
	_ =	sdelay $0x1  }
0x65a: {  	v3 =	vperm.xlane v3, v2;
	_ =	sdelay $0x1  }
0x65b: {  	v3 =	vadd.s32 v1, v3  }
0x65c: {  	[tilespmem:s6], [sflag:$0x3] =	stream.indirect_vreg.gather [hbm4b:s1+s3], $0x80, v4, vm0, $0xb8;
	[tilespmem:$0x18800] =	vst v63  }
0x65d: {  	_ = 	snop  }
0x65e: {  	[tilespmem:s28], [sflag:$0x3] =	stream.indirect_vreg.gather [hbm4b:s5+s3], $0x80, v4, vm0, $0xb8;
	[tilespmem:$0x18800] =	vst v63  }
0x65f: {  	s10 =	simm.s32 $0x17800  }
0x660: {  	[tilespmem:s10], [sflag:$0x3] =	stream.indirect_vreg.gather [hbm4b:s1+s3], $0x80, v3, vm0, $0xb8;
	[tilespmem:$0x18800] =	vst v63  }
0x661: {  	s23 =	simm.s32 $0x18000  }
0x662: {  	[tilespmem:s23], [sflag:$0x3] =	stream.indirect_vreg.gather [hbm4b:s5+s3], $0x80, v3, vm0, $0xb8;
	[tilespmem:$0x18800] =	vst v63  }
0x663: {  	_ =	swait.ge [sflag:s15], $0x8000  }
0x664: {  	[sflag:s15] =	ssyncset.done $0x0  }
0x665: {  	s24 =	simm.s32 $0x800;
	s6 =	rddreg [dreg:$0x19];
	[sflag:s15] =	ssyncadd.s32 $0xFFFF8000  }
0x666: {  	[hbm4b:s6+s3] =	stream.linear.scatter [tilespmem:s24], [sflag:$0x4], $0x8000, $0x38;
	[tilespmem:$0x18800] =	vst v63  }
0x667: {  	_ =	swait.ge [sflag:s16], $0x8000  }
0x668: {  	[sflag:s16] =	ssyncset.done $0x0  }
0x669: {  	[sflag:s16] =	ssyncadd.s32 $0xFFFF8000  }
0x66a: {  	v3 =	vld [tilespmem:$0x600];
	_ =	sdelay $0x4  }
0x66b: {  	v32 =	vshll.u32 v3, $0x2  }
0x66c: {  	v3 =	vand.u32 $0x7, v3;
	v4 =	vand.u32 $0xFFFFFFE0, v32  }
0x66d: {  	v3 =	vor.u32 v3, v4  }
0x66e: {  	v4 =	vperm.xlane v3, v0;
	_ =	sdelay $0x1  }
0x66f: {  	v4 =	vadd.s32 v1, v4;
	_ =	sdelay $0x1  }
0x670: {  	v3 =	vperm.xlane v3, v2;
	_ =	sdelay $0x1  }
0x671: {  	v3 =	vadd.s32 v1, v3  }
0x672: {  	[tilespmem:s24], [sflag:$0x1] =	stream.indirect_vreg.gather [hbm4b:s1+s3], $0x80, v4, vm0, $0xb8;
	[tilespmem:$0x18800] =	vst v63  }
0x673: {  	s6 =	simm.s32 $0x1000  }
0x674: {  	[tilespmem:s6], [sflag:$0x1] =	stream.indirect_vreg.gather [hbm4b:s5+s3], $0x80, v4, vm0, $0xb8;
	[tilespmem:$0x18800] =	vst v63  }
0x675: {  	s25 =	simm.s32 $0x1800  }
0x676: {  	[tilespmem:s25], [sflag:$0x1] =	stream.indirect_vreg.gather [hbm4b:s1+s3], $0x80, v3, vm0, $0xb8;
	[tilespmem:$0x18800] =	vst v63  }
0x677: {  	s26 =	simm.s32 $0x2000  }
0x678: {  	[tilespmem:s26], [sflag:$0x1] =	stream.indirect_vreg.gather [hbm4b:s5+s3], $0x80, v3, vm0, $0xb8;
	[tilespmem:$0x18800] =	vst v63  }
0x679: {  	v3 =	vld [tilespmem:$0x610];
	_ =	sdelay $0x4  }
0x67a: {  	v33 =	vshll.u32 v3, $0x2  }
0x67b: {  	v3 =	vand.u32 $0x7, v3;
	v4 =	vand.u32 $0xFFFFFFE0, v33  }
0x67c: {  	v3 =	vor.u32 v3, v4  }
0x67d: {  	v4 =	vperm.xlane v3, v0;
	_ =	sdelay $0x1  }
0x67e: {  	v4 =	vadd.s32 v1, v4;
	_ =	sdelay $0x1  }
0x67f: {  	v3 =	vperm.xlane v3, v2;
	_ =	sdelay $0x1  }
0x680: {  	s28 =	simm.s32 $0x2800;
	v3 =	vadd.s32 v1, v3  }
0x681: {  	[tilespmem:s28], [sflag:$0x1] =	stream.indirect_vreg.gather [hbm4b:s1+s3], $0x80, v4, vm0, $0xb8;
	[tilespmem:$0x18800] =	vst v63  }
0x682: {  	s29 =	simm.s32 $0x3000  }
0x683: {  	[tilespmem:s29], [sflag:$0x1] =	stream.indirect_vreg.gather [hbm4b:s5+s3], $0x80, v4, vm0, $0xb8;
	[tilespmem:$0x18800] =	vst v63  }
0x684: {  	s24 =	simm.s32 $0x3800  }
0x685: {  	[tilespmem:s24], [sflag:$0x1] =	stream.indirect_vreg.gather [hbm4b:s1+s3], $0x80, v3, vm0, $0xb8;
	[tilespmem:$0x18800] =	vst v63  }
0x686: {  	_ = 	snop  }
0x687: {  	[tilespmem:s11], [sflag:$0x1] =	stream.indirect_vreg.gather [hbm4b:s5+s3], $0x80, v3, vm0, $0xb8;
	[tilespmem:$0x18800] =	vst v63  }
0x688: {  	v3 =	vld [tilespmem:$0x620];
	_ =	sdelay $0x4  }
0x689: {  	v34 =	vshll.u32 v3, $0x2  }
0x68a: {  	v3 =	vand.u32 $0x7, v3;
	v4 =	vand.u32 $0xFFFFFFE0, v34  }
0x68b: {  	v3 =	vor.u32 v3, v4  }
0x68c: {  	v4 =	vperm.xlane v3, v0;
	_ =	sdelay $0x1  }
0x68d: {  	v4 =	vadd.s32 v1, v4;
	_ =	sdelay $0x1  }
0x68e: {  	v3 =	vperm.xlane v3, v2;
	_ =	sdelay $0x1  }
0x68f: {  	v3 =	vadd.s32 v1, v3  }
0x690: {  	[tilespmem:s13], [sflag:$0x1] =	stream.indirect_vreg.gather [hbm4b:s1+s3], $0x80, v4, vm0, $0xb8;
	[tilespmem:$0x18800] =	vst v63  }
0x691: {  	s11 =	simm.s32 $0x5000  }
0x692: {  	[tilespmem:s11], [sflag:$0x1] =	stream.indirect_vreg.gather [hbm4b:s5+s3], $0x80, v4, vm0, $0xb8;
	[tilespmem:$0x18800] =	vst v63  }
0x693: {  	s13 =	simm.s32 $0x5800  }
0x694: {  	[tilespmem:s13], [sflag:$0x1] =	stream.indirect_vreg.gather [hbm4b:s1+s3], $0x80, v3, vm0, $0xb8;
	[tilespmem:$0x18800] =	vst v63  }
0x695: {  	_ = 	snop  }
0x696: {  	[tilespmem:s2], [sflag:$0x1] =	stream.indirect_vreg.gather [hbm4b:s5+s3], $0x80, v3, vm0, $0xb8;
	[tilespmem:$0x18800] =	vst v63  }
0x697: {  	v3 =	vld [tilespmem:$0x630];
	_ =	sdelay $0x4  }
0x698: {  	v35 =	vshll.u32 v3, $0x2  }
0x699: {  	v3 =	vand.u32 $0x7, v3;
	v4 =	vand.u32 $0xFFFFFFE0, v35  }
0x69a: {  	v3 =	vor.u32 v3, v4  }
0x69b: {  	v4 =	vperm.xlane v3, v0;
	_ =	sdelay $0x1  }
0x69c: {  	v4 =	vadd.s32 v1, v4;
	_ =	sdelay $0x1  }
0x69d: {  	v3 =	vperm.xlane v3, v2;
	_ =	sdelay $0x1  }
0x69e: {  	s25 =	simm.s32 $0x6800;
	v3 =	vadd.s32 v1, v3  }
0x69f: {  	[tilespmem:s25], [sflag:$0x1] =	stream.indirect_vreg.gather [hbm4b:s1+s3], $0x80, v4, vm0, $0xb8;
	[tilespmem:$0x18800] =	vst v63  }
0x6a0: {  	s26 =	simm.s32 $0x7000  }
0x6a1: {  	[tilespmem:s26], [sflag:$0x1] =	stream.indirect_vreg.gather [hbm4b:s5+s3], $0x80, v4, vm0, $0xb8;
	[tilespmem:$0x18800] =	vst v63  }
0x6a2: {  	s28 =	simm.s32 $0x7800  }
0x6a3: {  	[tilespmem:s28], [sflag:$0x1] =	stream.indirect_vreg.gather [hbm4b:s1+s3], $0x80, v3, vm0, $0xb8;
	[tilespmem:$0x18800] =	vst v63  }
0x6a4: {  	s29 =	simm.s32 $0x8000  }
0x6a5: {  	[tilespmem:s29], [sflag:$0x1] =	stream.indirect_vreg.gather [hbm4b:s5+s3], $0x80, v3, vm0, $0xb8;
	[tilespmem:$0x18800] =	vst v63  }
0x6a6: {  	_ =	swait.ge [sflag:s17], $0x8000  }
0x6a7: {  	[sflag:s17] =	ssyncset.done $0x0  }
0x6a8: {  	s2 =	simm.s32 $0x8800;
	s21 =	rddreg [dreg:$0x1a];
	[sflag:s17] =	ssyncadd.s32 $0xFFFF8000  }
0x6a9: {  	[hbm4b:s21+s3] =	stream.linear.scatter [tilespmem:s2], [sflag:$0x5], $0x8000, $0x38;
	[tilespmem:$0x18800] =	vst v63  }
0x6aa: {  	_ =	swait.ge [sflag:s18], $0x8000  }
0x6ab: {  	[sflag:s18] =	ssyncset.done $0x0  }
0x6ac: {  	[sflag:s18] =	ssyncadd.s32 $0xFFFF8000  }
0x6ad: {  	v3 =	vld [tilespmem:$0x640];
	_ =	sdelay $0x4  }
0x6ae: {  	v36 =	vshll.u32 v3, $0x2  }
0x6af: {  	v3 =	vand.u32 $0x7, v3;
	v4 =	vand.u32 $0xFFFFFFE0, v36  }
0x6b0: {  	v3 =	vor.u32 v3, v4  }
0x6b1: {  	v4 =	vperm.xlane v3, v0;
	_ =	sdelay $0x1  }
0x6b2: {  	v4 =	vadd.s32 v1, v4;
	_ =	sdelay $0x1  }
0x6b3: {  	v3 =	vperm.xlane v3, v2;
	_ =	sdelay $0x1  }
0x6b4: {  	v3 =	vadd.s32 v1, v3  }
0x6b5: {  	[tilespmem:s2], [sflag:$0x2] =	stream.indirect_vreg.gather [hbm4b:s1+s3], $0x80, v4, vm0, $0xb8;
	[tilespmem:$0x18800] =	vst v63  }
0x6b6: {  	_ = 	snop  }
0x6b7: {  	[tilespmem:s9], [sflag:$0x2] =	stream.indirect_vreg.gather [hbm4b:s5+s3], $0x80, v4, vm0, $0xb8;
	[tilespmem:$0x18800] =	vst v63  }
0x6b8: {  	s9 =	simm.s32 $0x9800  }
0x6b9: {  	[tilespmem:s9], [sflag:$0x2] =	stream.indirect_vreg.gather [hbm4b:s1+s3], $0x80, v3, vm0, $0xb8;
	[tilespmem:$0x18800] =	vst v63  }
0x6ba: {  	s2 =	simm.s32 $0xA000  }
0x6bb: {  	[tilespmem:s2], [sflag:$0x2] =	stream.indirect_vreg.gather [hbm4b:s5+s3], $0x80, v3, vm0, $0xb8;
	[tilespmem:$0x18800] =	vst v63  }
0x6bc: {  	v3 =	vld [tilespmem:$0x650];
	_ =	sdelay $0x4  }
0x6bd: {  	v37 =	vshll.u32 v3, $0x2  }
0x6be: {  	v3 =	vand.u32 $0x7, v3;
	v4 =	vand.u32 $0xFFFFFFE0, v37  }
0x6bf: {  	v3 =	vor.u32 v3, v4  }
0x6c0: {  	v4 =	vperm.xlane v3, v0;
	_ =	sdelay $0x1  }
0x6c1: {  	v4 =	vadd.s32 v1, v4;
	_ =	sdelay $0x1  }
0x6c2: {  	v3 =	vperm.xlane v3, v2;
	_ =	sdelay $0x1  }
0x6c3: {  	s21 =	simm.s32 $0xA800;
	v3 =	vadd.s32 v1, v3  }
0x6c4: {  	[tilespmem:s21], [sflag:$0x2] =	stream.indirect_vreg.gather [hbm4b:s1+s3], $0x80, v4, vm0, $0xb8;
	[tilespmem:$0x18800] =	vst v63  }
0x6c5: {  	s21 =	simm.s32 $0xB000  }
0x6c6: {  	[tilespmem:s21], [sflag:$0x2] =	stream.indirect_vreg.gather [hbm4b:s5+s3], $0x80, v4, vm0, $0xb8;
	[tilespmem:$0x18800] =	vst v63  }
0x6c7: {  	_ = 	snop  }
0x6c8: {  	[tilespmem:s14], [sflag:$0x2] =	stream.indirect_vreg.gather [hbm4b:s1+s3], $0x80, v3, vm0, $0xb8;
	[tilespmem:$0x18800] =	vst v63  }
0x6c9: {  	s9 =	simm.s32 $0xC000  }
0x6ca: {  	[tilespmem:s9], [sflag:$0x2] =	stream.indirect_vreg.gather [hbm4b:s5+s3], $0x80, v3, vm0, $0xb8;
	[tilespmem:$0x18800] =	vst v63  }
0x6cb: {  	v3 =	vld [tilespmem:$0x660];
	_ =	sdelay $0x4  }
0x6cc: {  	v38 =	vshll.u32 v3, $0x2  }
0x6cd: {  	v3 =	vand.u32 $0x7, v3;
	v4 =	vand.u32 $0xFFFFFFE0, v38  }
0x6ce: {  	v3 =	vor.u32 v3, v4  }
0x6cf: {  	v4 =	vperm.xlane v3, v0;
	_ =	sdelay $0x1  }
0x6d0: {  	v4 =	vadd.s32 v1, v4;
	_ =	sdelay $0x1  }
0x6d1: {  	v3 =	vperm.xlane v3, v2;
	_ =	sdelay $0x1  }
0x6d2: {  	v3 =	vadd.s32 v1, v3  }
0x6d3: {  	[tilespmem:s30], [sflag:$0x2] =	stream.indirect_vreg.gather [hbm4b:s1+s3], $0x80, v4, vm0, $0xb8;
	[tilespmem:$0x18800] =	vst v63  }
0x6d4: {  	_ = 	snop  }
0x6d5: {  	[tilespmem:s31], [sflag:$0x2] =	stream.indirect_vreg.gather [hbm4b:s5+s3], $0x80, v4, vm0, $0xb8;
	[tilespmem:$0x18800] =	vst v63  }
0x6d6: {  	s21 =	simm.s32 $0xD800  }
0x6d7: {  	[tilespmem:s21], [sflag:$0x2] =	stream.indirect_vreg.gather [hbm4b:s1+s3], $0x80, v3, vm0, $0xb8;
	[tilespmem:$0x18800] =	vst v63  }
0x6d8: {  	s30 =	simm.s32 $0xE000  }
0x6d9: {  	[tilespmem:s30], [sflag:$0x2] =	stream.indirect_vreg.gather [hbm4b:s5+s3], $0x80, v3, vm0, $0xb8;
	[tilespmem:$0x18800] =	vst v63  }
0x6da: {  	v3 =	vld [tilespmem:$0x670];
	_ =	sdelay $0x4  }
0x6db: {  	v39 =	vshll.u32 v3, $0x2  }
0x6dc: {  	v3 =	vand.u32 $0x7, v3;
	v4 =	vand.u32 $0xFFFFFFE0, v39  }
0x6dd: {  	v3 =	vor.u32 v3, v4  }
0x6de: {  	v4 =	vperm.xlane v3, v0;
	_ =	sdelay $0x1  }
0x6df: {  	v4 =	vadd.s32 v1, v4;
	_ =	sdelay $0x1  }
0x6e0: {  	v3 =	vperm.xlane v3, v2;
	_ =	sdelay $0x1  }
0x6e1: {  	s31 =	simm.s32 $0xE800;
	v3 =	vadd.s32 v1, v3  }
0x6e2: {  	[tilespmem:s31], [sflag:$0x2] =	stream.indirect_vreg.gather [hbm4b:s1+s3], $0x80, v4, vm0, $0xb8;
	[tilespmem:$0x18800] =	vst v63  }
0x6e3: {  	s21 =	simm.s32 $0xF000  }
0x6e4: {  	[tilespmem:s21], [sflag:$0x2] =	stream.indirect_vreg.gather [hbm4b:s5+s3], $0x80, v4, vm0, $0xb8;
	[tilespmem:$0x18800] =	vst v63  }
0x6e5: {  	s30 =	simm.s32 $0xF800  }
0x6e6: {  	[tilespmem:s30], [sflag:$0x2] =	stream.indirect_vreg.gather [hbm4b:s1+s3], $0x80, v3, vm0, $0xb8;
	[tilespmem:$0x18800] =	vst v63  }
0x6e7: {  	s31 =	simm.s32 $0x10000  }
0x6e8: {  	[tilespmem:s31], [sflag:$0x2] =	stream.indirect_vreg.gather [hbm4b:s5+s3], $0x80, v3, vm0, $0xb8;
	[tilespmem:$0x18800] =	vst v63  }
0x6e9: {  	_ =	swait.ge [sflag:s19], $0x8000  }
0x6ea: {  	[sflag:s19] =	ssyncset.done $0x0  }
0x6eb: {  	s4 =	simm.s32 $0x10800;
	s14 =	rddreg [dreg:$0x1b];
	[sflag:s19] =	ssyncadd.s32 $0xFFFF8000  }
0x6ec: {  	[hbm4b:s14+s3] =	stream.linear.scatter [tilespmem:s4], [sflag:$0x6], $0x8000, $0x38;
	[tilespmem:$0x18800] =	vst v63  }
0x6ed: {  	_ =	swait.ge [sflag:s20], $0x8000  }
0x6ee: {  	[sflag:s20] =	ssyncset.done $0x0  }
0x6ef: {  	[sflag:s20] =	ssyncadd.s32 $0xFFFF8000  }
0x6f0: {  	v3 =	vld [tilespmem:$0x680];
	_ =	sdelay $0x4  }
0x6f1: {  	v40 =	vshll.u32 v3, $0x2  }
0x6f2: {  	v3 =	vand.u32 $0x7, v3;
	v4 =	vand.u32 $0xFFFFFFE0, v40  }
0x6f3: {  	v3 =	vor.u32 v3, v4  }
0x6f4: {  	v4 =	vperm.xlane v3, v0;
	_ =	sdelay $0x1  }
0x6f5: {  	v4 =	vadd.s32 v1, v4;
	_ =	sdelay $0x1  }
0x6f6: {  	v3 =	vperm.xlane v3, v2;
	_ =	sdelay $0x1  }
0x6f7: {  	v3 =	vadd.s32 v1, v3  }
0x6f8: {  	[tilespmem:s4], [sflag:$0x3] =	stream.indirect_vreg.gather [hbm4b:s1+s3], $0x80, v4, vm0, $0xb8;
	[tilespmem:$0x18800] =	vst v63  }
0x6f9: {  	s21 =	simm.s32 $0x11000  }
0x6fa: {  	[tilespmem:s21], [sflag:$0x3] =	stream.indirect_vreg.gather [hbm4b:s5+s3], $0x80, v4, vm0, $0xb8;
	[tilespmem:$0x18800] =	vst v63  }
0x6fb: {  	_ = 	snop  }
0x6fc: {  	[tilespmem:s12], [sflag:$0x3] =	stream.indirect_vreg.gather [hbm4b:s1+s3], $0x80, v3, vm0, $0xb8;
	[tilespmem:$0x18800] =	vst v63  }
0x6fd: {  	s30 =	simm.s32 $0x12000  }
0x6fe: {  	[tilespmem:s30], [sflag:$0x3] =	stream.indirect_vreg.gather [hbm4b:s5+s3], $0x80, v3, vm0, $0xb8;
	[tilespmem:$0x18800] =	vst v63  }
0x6ff: {  	v3 =	vld [tilespmem:$0x690];
	_ =	sdelay $0x4  }
0x700: {  	v41 =	vshll.u32 v3, $0x2  }
0x701: {  	v3 =	vand.u32 $0x7, v3;
	v4 =	vand.u32 $0xFFFFFFE0, v41  }
0x702: {  	v3 =	vor.u32 v3, v4  }
0x703: {  	v4 =	vperm.xlane v3, v0;
	_ =	sdelay $0x1  }
0x704: {  	v4 =	vadd.s32 v1, v4;
	_ =	sdelay $0x1  }
0x705: {  	v3 =	vperm.xlane v3, v2;
	_ =	sdelay $0x1  }
0x706: {  	v3 =	vadd.s32 v1, v3  }
0x707: {  	[tilespmem:s22], [sflag:$0x3] =	stream.indirect_vreg.gather [hbm4b:s1+s3], $0x80, v4, vm0, $0xb8;
	[tilespmem:$0x18800] =	vst v63  }
0x708: {  	s4 =	simm.s32 $0x13000  }
0x709: {  	[tilespmem:s4], [sflag:$0x3] =	stream.indirect_vreg.gather [hbm4b:s5+s3], $0x80, v4, vm0, $0xb8;
	[tilespmem:$0x18800] =	vst v63  }
0x70a: {  	s31 =	simm.s32 $0x13800  }
0x70b: {  	[tilespmem:s31], [sflag:$0x3] =	stream.indirect_vreg.gather [hbm4b:s1+s3], $0x80, v3, vm0, $0xb8;
	[tilespmem:$0x18800] =	vst v63  }
0x70c: {  	_ = 	snop  }
0x70d: {  	[tilespmem:s7], [sflag:$0x3] =	stream.indirect_vreg.gather [hbm4b:s5+s3], $0x80, v3, vm0, $0xb8;
	[tilespmem:$0x18800] =	vst v63  }
0x70e: {  	v3 =	vld [tilespmem:$0x6A0];
	_ =	sdelay $0x4  }
0x70f: {  	v42 =	vshll.u32 v3, $0x2  }
0x710: {  	v3 =	vand.u32 $0x7, v3;
	v4 =	vand.u32 $0xFFFFFFE0, v42  }
0x711: {  	v3 =	vor.u32 v3, v4  }
0x712: {  	v4 =	vperm.xlane v3, v0;
	_ =	sdelay $0x1  }
0x713: {  	v4 =	vadd.s32 v1, v4;
	_ =	sdelay $0x1  }
0x714: {  	v3 =	vperm.xlane v3, v2;
	_ =	sdelay $0x1  }
0x715: {  	s22 =	simm.s32 $0x14800;
	v3 =	vadd.s32 v1, v3  }
0x716: {  	[tilespmem:s22], [sflag:$0x3] =	stream.indirect_vreg.gather [hbm4b:s1+s3], $0x80, v4, vm0, $0xb8;
	[tilespmem:$0x18800] =	vst v63  }
0x717: {  	s12 =	simm.s32 $0x15000  }
0x718: {  	[tilespmem:s12], [sflag:$0x3] =	stream.indirect_vreg.gather [hbm4b:s5+s3], $0x80, v4, vm0, $0xb8;
	[tilespmem:$0x18800] =	vst v63  }
0x719: {  	s14 =	simm.s32 $0x15800  }
0x71a: {  	[tilespmem:s14], [sflag:$0x3] =	stream.indirect_vreg.gather [hbm4b:s1+s3], $0x80, v3, vm0, $0xb8;
	[tilespmem:$0x18800] =	vst v63  }
0x71b: {  	_ = 	snop  }
0x71c: {  	[tilespmem:s8], [sflag:$0x3] =	stream.indirect_vreg.gather [hbm4b:s5+s3], $0x80, v3, vm0, $0xb8;
	[tilespmem:$0x18800] =	vst v63  }
0x71d: {  	v3 =	vld [tilespmem:$0x6B0];
	_ =	sdelay $0x4  }
0x71e: {  	v43 =	vshll.u32 v3, $0x2  }
0x71f: {  	v3 =	vand.u32 $0x7, v3;
	v4 =	vand.u32 $0xFFFFFFE0, v43  }
0x720: {  	v3 =	vor.u32 v3, v4  }
0x721: {  	v4 =	vperm.xlane v3, v0;
	_ =	sdelay $0x1  }
0x722: {  	v4 =	vadd.s32 v1, v4;
	_ =	sdelay $0x1  }
0x723: {  	v3 =	vperm.xlane v3, v2;
	_ =	sdelay $0x1  }
0x724: {  	s7 =	simm.s32 $0x16800;
	v3 =	vadd.s32 v1, v3  }
0x725: {  	[tilespmem:s7], [sflag:$0x3] =	stream.indirect_vreg.gather [hbm4b:s1+s3], $0x80, v4, vm0, $0xb8;
	[tilespmem:$0x18800] =	vst v63  }
0x726: {  	s7 =	simm.s32 $0x17000  }
0x727: {  	[tilespmem:s7], [sflag:$0x3] =	stream.indirect_vreg.gather [hbm4b:s5+s3], $0x80, v4, vm0, $0xb8;
	[tilespmem:$0x18800] =	vst v63  }
0x728: {  	_ = 	snop  }
0x729: {  	[tilespmem:s10], [sflag:$0x3] =	stream.indirect_vreg.gather [hbm4b:s1+s3], $0x80, v3, vm0, $0xb8;
	[tilespmem:$0x18800] =	vst v63  }
0x72a: {  	_ = 	snop  }
0x72b: {  	[tilespmem:s23], [sflag:$0x3] =	stream.indirect_vreg.gather [hbm4b:s5+s3], $0x80, v3, vm0, $0xb8;
	[tilespmem:$0x18800] =	vst v63  }
0x72c: {  	_ =	swait.ge [sflag:s15], $0x8000  }
0x72d: {  	[sflag:s15] =	ssyncset.done $0x0  }
0x72e: {  	s0 =	simm.s32 $0x800;
	s8 =	rddreg [dreg:$0x1c];
	[sflag:s15] =	ssyncadd.s32 $0xFFFF8000  }
0x72f: {  	[hbm4b:s8+s3] =	stream.linear.scatter [tilespmem:s0], [sflag:$0x4], $0x8000, $0x38;
	[tilespmem:$0x18800] =	vst v63  }
0x730: {  	_ =	swait.ge [sflag:s16], $0x8000  }
0x731: {  	[sflag:s16] =	ssyncset.done $0x0  }
0x732: {  	[sflag:s16] =	ssyncadd.s32 $0xFFFF8000  }
0x733: {  	v3 =	vld [tilespmem:$0x6C0];
	_ =	sdelay $0x4  }
0x734: {  	v44 =	vshll.u32 v3, $0x2  }
0x735: {  	v3 =	vand.u32 $0x7, v3;
	v4 =	vand.u32 $0xFFFFFFE0, v44  }
0x736: {  	v3 =	vor.u32 v3, v4  }
0x737: {  	v4 =	vperm.xlane v3, v0;
	_ =	sdelay $0x1  }
0x738: {  	v4 =	vadd.s32 v1, v4;
	_ =	sdelay $0x1  }
0x739: {  	v3 =	vperm.xlane v3, v2;
	_ =	sdelay $0x1  }
0x73a: {  	v3 =	vadd.s32 v1, v3  }
0x73b: {  	[tilespmem:s0], [sflag:$0x1] =	stream.indirect_vreg.gather [hbm4b:s1+s3], $0x80, v4, vm0, $0xb8;
	[tilespmem:$0x18800] =	vst v63  }
0x73c: {  	_ = 	snop  }
0x73d: {  	[tilespmem:s6], [sflag:$0x1] =	stream.indirect_vreg.gather [hbm4b:s5+s3], $0x80, v4, vm0, $0xb8;
	[tilespmem:$0x18800] =	vst v63  }
0x73e: {  	s10 =	simm.s32 $0x1800  }
0x73f: {  	[tilespmem:s10], [sflag:$0x1] =	stream.indirect_vreg.gather [hbm4b:s1+s3], $0x80, v3, vm0, $0xb8;
	[tilespmem:$0x18800] =	vst v63  }
0x740: {  	s21 =	simm.s32 $0x2000  }
0x741: {  	[tilespmem:s21], [sflag:$0x1] =	stream.indirect_vreg.gather [hbm4b:s5+s3], $0x80, v3, vm0, $0xb8;
	[tilespmem:$0x18800] =	vst v63  }
0x742: {  	v3 =	vld [tilespmem:$0x6D0];
	_ =	sdelay $0x4  }
0x743: {  	v45 =	vshll.u32 v3, $0x2  }
0x744: {  	v3 =	vand.u32 $0x7, v3;
	v4 =	vand.u32 $0xFFFFFFE0, v45  }
0x745: {  	v3 =	vor.u32 v3, v4  }
0x746: {  	v4 =	vperm.xlane v3, v0;
	_ =	sdelay $0x1  }
0x747: {  	v4 =	vadd.s32 v1, v4;
	_ =	sdelay $0x1  }
0x748: {  	v3 =	vperm.xlane v3, v2;
	_ =	sdelay $0x1  }
0x749: {  	s0 =	simm.s32 $0x2800;
	v3 =	vadd.s32 v1, v3  }
0x74a: {  	[tilespmem:s0], [sflag:$0x1] =	stream.indirect_vreg.gather [hbm4b:s1+s3], $0x80, v4, vm0, $0xb8;
	[tilespmem:$0x18800] =	vst v63  }
0x74b: {  	s8 =	simm.s32 $0x3000  }
0x74c: {  	[tilespmem:s8], [sflag:$0x1] =	stream.indirect_vreg.gather [hbm4b:s5+s3], $0x80, v4, vm0, $0xb8;
	[tilespmem:$0x18800] =	vst v63  }
0x74d: {  	_ = 	snop  }
0x74e: {  	[tilespmem:s24], [sflag:$0x1] =	stream.indirect_vreg.gather [hbm4b:s1+s3], $0x80, v3, vm0, $0xb8;
	[tilespmem:$0x18800] =	vst v63  }
0x74f: {  	s6 =	simm.s32 $0x4000  }
0x750: {  	[tilespmem:s6], [sflag:$0x1] =	stream.indirect_vreg.gather [hbm4b:s5+s3], $0x80, v3, vm0, $0xb8;
	[tilespmem:$0x18800] =	vst v63  }
0x751: {  	v3 =	vld [tilespmem:$0x6E0];
	_ =	sdelay $0x4  }
0x752: {  	v46 =	vshll.u32 v3, $0x2  }
0x753: {  	v3 =	vand.u32 $0x7, v3;
	v4 =	vand.u32 $0xFFFFFFE0, v46  }
0x754: {  	v3 =	vor.u32 v3, v4  }
0x755: {  	v4 =	vperm.xlane v3, v0;
	_ =	sdelay $0x1  }
0x756: {  	v4 =	vadd.s32 v1, v4;
	_ =	sdelay $0x1  }
0x757: {  	v3 =	vperm.xlane v3, v2;
	_ =	sdelay $0x1  }
0x758: {  	s8 =	simm.s32 $0x4800;
	v3 =	vadd.s32 v1, v3  }
0x759: {  	[tilespmem:s8], [sflag:$0x1] =	stream.indirect_vreg.gather [hbm4b:s1+s3], $0x80, v4, vm0, $0xb8;
	[tilespmem:$0x18800] =	vst v63  }
0x75a: {  	_ = 	snop  }
0x75b: {  	[tilespmem:s11], [sflag:$0x1] =	stream.indirect_vreg.gather [hbm4b:s5+s3], $0x80, v4, vm0, $0xb8;
	[tilespmem:$0x18800] =	vst v63  }
0x75c: {  	_ = 	snop  }
0x75d: {  	[tilespmem:s13], [sflag:$0x1] =	stream.indirect_vreg.gather [hbm4b:s1+s3], $0x80, v3, vm0, $0xb8;
	[tilespmem:$0x18800] =	vst v63  }
0x75e: {  	s21 =	simm.s32 $0x6000  }
0x75f: {  	[tilespmem:s21], [sflag:$0x1] =	stream.indirect_vreg.gather [hbm4b:s5+s3], $0x80, v3, vm0, $0xb8;
	[tilespmem:$0x18800] =	vst v63  }
0x760: {  	v3 =	vld [tilespmem:$0x6F0];
	_ =	sdelay $0x4  }
0x761: {  	v47 =	vshll.u32 v3, $0x2  }
0x762: {  	v3 =	vand.u32 $0x7, v3;
	v4 =	vand.u32 $0xFFFFFFE0, v47  }
0x763: {  	v3 =	vor.u32 v3, v4  }
0x764: {  	v4 =	vperm.xlane v3, v0;
	_ =	sdelay $0x1  }
0x765: {  	v4 =	vadd.s32 v1, v4;
	_ =	sdelay $0x1  }
0x766: {  	v3 =	vperm.xlane v3, v2;
	_ =	sdelay $0x1  }
0x767: {  	v3 =	vadd.s32 v1, v3  }
0x768: {  	[tilespmem:s25], [sflag:$0x1] =	stream.indirect_vreg.gather [hbm4b:s1+s3], $0x80, v4, vm0, $0xb8;
	[tilespmem:$0x18800] =	vst v63  }
0x769: {  	_ = 	snop  }
0x76a: {  	[tilespmem:s26], [sflag:$0x1] =	stream.indirect_vreg.gather [hbm4b:s5+s3], $0x80, v4, vm0, $0xb8;
	[tilespmem:$0x18800] =	vst v63  }
0x76b: {  	_ = 	snop  }
0x76c: {  	[tilespmem:s28], [sflag:$0x1] =	stream.indirect_vreg.gather [hbm4b:s1+s3], $0x80, v3, vm0, $0xb8;
	[tilespmem:$0x18800] =	vst v63  }
0x76d: {  	_ = 	snop  }
0x76e: {  	[tilespmem:s29], [sflag:$0x1] =	stream.indirect_vreg.gather [hbm4b:s5+s3], $0x80, v3, vm0, $0xb8;
	[tilespmem:$0x18800] =	vst v63  }
0x76f: {  	_ =	swait.ge [sflag:s17], $0x8000  }
0x770: {  	[sflag:s17] =	ssyncset.done $0x0  }
0x771: {  	s11 =	simm.s32 $0x8800;
	s0 =	rddreg [dreg:$0x1d];
	[sflag:s17] =	ssyncadd.s32 $0xFFFF8000  }
0x772: {  	[hbm4b:s0+s3] =	stream.linear.scatter [tilespmem:s11], [sflag:$0x5], $0x8000, $0x38;
	[tilespmem:$0x18800] =	vst v63  }
0x773: {  	_ =	swait.ge [sflag:s18], $0x8000  }
0x774: {  	[sflag:s18] =	ssyncset.done $0x0  }
0x775: {  	[sflag:s18] =	ssyncadd.s32 $0xFFFF8000  }
0x776: {  	v3 =	vld [tilespmem:$0x700];
	_ =	sdelay $0x4  }
0x777: {  	v48 =	vshll.u32 v3, $0x2  }
0x778: {  	v3 =	vand.u32 $0x7, v3;
	v4 =	vand.u32 $0xFFFFFFE0, v48  }
0x779: {  	v3 =	vor.u32 v3, v4  }
0x77a: {  	v4 =	vperm.xlane v3, v0;
	_ =	sdelay $0x1  }
0x77b: {  	v4 =	vadd.s32 v1, v4;
	_ =	sdelay $0x1  }
0x77c: {  	v3 =	vperm.xlane v3, v2;
	_ =	sdelay $0x1  }
0x77d: {  	v3 =	vadd.s32 v1, v3  }
0x77e: {  	[tilespmem:s11], [sflag:$0x2] =	stream.indirect_vreg.gather [hbm4b:s1+s3], $0x80, v4, vm0, $0xb8;
	[tilespmem:$0x18800] =	vst v63  }
0x77f: {  	s21 =	simm.s32 $0x9000  }
0x780: {  	[tilespmem:s21], [sflag:$0x2] =	stream.indirect_vreg.gather [hbm4b:s5+s3], $0x80, v4, vm0, $0xb8;
	[tilespmem:$0x18800] =	vst v63  }
0x781: {  	s21 =	simm.s32 $0x9800  }
0x782: {  	[tilespmem:s21], [sflag:$0x2] =	stream.indirect_vreg.gather [hbm4b:s1+s3], $0x80, v3, vm0, $0xb8;
	[tilespmem:$0x18800] =	vst v63  }
0x783: {  	_ = 	snop  }
0x784: {  	[tilespmem:s2], [sflag:$0x2] =	stream.indirect_vreg.gather [hbm4b:s5+s3], $0x80, v3, vm0, $0xb8;
	[tilespmem:$0x18800] =	vst v63  }
0x785: {  	v3 =	vld [tilespmem:$0x710];
	_ =	sdelay $0x4  }
0x786: {  	v49 =	vshll.u32 v3, $0x2  }
0x787: {  	v3 =	vand.u32 $0x7, v3;
	v4 =	vand.u32 $0xFFFFFFE0, v49  }
0x788: {  	v3 =	vor.u32 v3, v4  }
0x789: {  	v4 =	vperm.xlane v3, v0;
	_ =	sdelay $0x1  }
0x78a: {  	v4 =	vadd.s32 v1, v4;
	_ =	sdelay $0x1  }
0x78b: {  	v3 =	vperm.xlane v3, v2;
	_ =	sdelay $0x1  }
0x78c: {  	s21 =	simm.s32 $0xA800;
	v3 =	vadd.s32 v1, v3  }
0x78d: {  	[tilespmem:s21], [sflag:$0x2] =	stream.indirect_vreg.gather [hbm4b:s1+s3], $0x80, v4, vm0, $0xb8;
	[tilespmem:$0x18800] =	vst v63  }
0x78e: {  	s21 =	simm.s32 $0xB000  }
0x78f: {  	[tilespmem:s21], [sflag:$0x2] =	stream.indirect_vreg.gather [hbm4b:s5+s3], $0x80, v4, vm0, $0xb8;
	[tilespmem:$0x18800] =	vst v63  }
0x790: {  	s21 =	simm.s32 $0xB800  }
0x791: {  	[tilespmem:s21], [sflag:$0x2] =	stream.indirect_vreg.gather [hbm4b:s1+s3], $0x80, v3, vm0, $0xb8;
	[tilespmem:$0x18800] =	vst v63  }
0x792: {  	_ = 	snop  }
0x793: {  	[tilespmem:s9], [sflag:$0x2] =	stream.indirect_vreg.gather [hbm4b:s5+s3], $0x80, v3, vm0, $0xb8;
	[tilespmem:$0x18800] =	vst v63  }
0x794: {  	v3 =	vld [tilespmem:$0x720];
	_ =	sdelay $0x4  }
0x795: {  	v50 =	vshll.u32 v3, $0x2  }
0x796: {  	v3 =	vand.u32 $0x7, v3;
	v4 =	vand.u32 $0xFFFFFFE0, v50  }
0x797: {  	v3 =	vor.u32 v3, v4  }
0x798: {  	v4 =	vperm.xlane v3, v0;
	_ =	sdelay $0x1  }
0x799: {  	v4 =	vadd.s32 v1, v4;
	_ =	sdelay $0x1  }
0x79a: {  	v3 =	vperm.xlane v3, v2;
	_ =	sdelay $0x1  }
0x79b: {  	s21 =	simm.s32 $0xC800;
	v3 =	vadd.s32 v1, v3  }
0x79c: {  	[tilespmem:s21], [sflag:$0x2] =	stream.indirect_vreg.gather [hbm4b:s1+s3], $0x80, v4, vm0, $0xb8;
	[tilespmem:$0x18800] =	vst v63  }
0x79d: {  	s21 =	simm.s32 $0xD000  }
0x79e: {  	[tilespmem:s21], [sflag:$0x2] =	stream.indirect_vreg.gather [hbm4b:s5+s3], $0x80, v4, vm0, $0xb8;
	[tilespmem:$0x18800] =	vst v63  }
0x79f: {  	s21 =	simm.s32 $0xD800  }
0x7a0: {  	[tilespmem:s21], [sflag:$0x2] =	stream.indirect_vreg.gather [hbm4b:s1+s3], $0x80, v3, vm0, $0xb8;
	[tilespmem:$0x18800] =	vst v63  }
0x7a1: {  	s21 =	simm.s32 $0xE000  }
0x7a2: {  	[tilespmem:s21], [sflag:$0x2] =	stream.indirect_vreg.gather [hbm4b:s5+s3], $0x80, v3, vm0, $0xb8;
	[tilespmem:$0x18800] =	vst v63  }
0x7a3: {  	v3 =	vld [tilespmem:$0x730];
	_ =	sdelay $0x4  }
0x7a4: {  	v51 =	vshll.u32 v3, $0x2  }
0x7a5: {  	v3 =	vand.u32 $0x7, v3;
	v4 =	vand.u32 $0xFFFFFFE0, v51  }
0x7a6: {  	v3 =	vor.u32 v3, v4  }
0x7a7: {  	v4 =	vperm.xlane v3, v0;
	_ =	sdelay $0x1  }
0x7a8: {  	v4 =	vadd.s32 v1, v4;
	_ =	sdelay $0x1  }
0x7a9: {  	v3 =	vperm.xlane v3, v2;
	_ =	sdelay $0x1  }
0x7aa: {  	s21 =	simm.s32 $0xE800;
	v3 =	vadd.s32 v1, v3  }
0x7ab: {  	[tilespmem:s21], [sflag:$0x2] =	stream.indirect_vreg.gather [hbm4b:s1+s3], $0x80, v4, vm0, $0xb8;
	[tilespmem:$0x18800] =	vst v63  }
0x7ac: {  	s21 =	simm.s32 $0xF000  }
0x7ad: {  	[tilespmem:s21], [sflag:$0x2] =	stream.indirect_vreg.gather [hbm4b:s5+s3], $0x80, v4, vm0, $0xb8;
	[tilespmem:$0x18800] =	vst v63  }
0x7ae: {  	s21 =	simm.s32 $0xF800  }
0x7af: {  	[tilespmem:s21], [sflag:$0x2] =	stream.indirect_vreg.gather [hbm4b:s1+s3], $0x80, v3, vm0, $0xb8;
	[tilespmem:$0x18800] =	vst v63  }
0x7b0: {  	s21 =	simm.s32 $0x10000  }
0x7b1: {  	[tilespmem:s21], [sflag:$0x2] =	stream.indirect_vreg.gather [hbm4b:s5+s3], $0x80, v3, vm0, $0xb8;
	[tilespmem:$0x18800] =	vst v63  }
0x7b2: {  	_ =	swait.ge [sflag:s19], $0x8000  }
0x7b3: {  	[sflag:s19] =	ssyncset.done $0x0  }
0x7b4: {  	s0 =	simm.s32 $0x10800;
	s21 =	rddreg [dreg:$0x1e];
	[sflag:s19] =	ssyncadd.s32 $0xFFFF8000  }
0x7b5: {  	[hbm4b:s21+s3] =	stream.linear.scatter [tilespmem:s0], [sflag:$0x6], $0x8000, $0x38;
	[tilespmem:$0x18800] =	vst v63  }
0x7b6: {  	_ =	swait.ge [sflag:s20], $0x8000  }
0x7b7: {  	[sflag:s20] =	ssyncset.done $0x0  }
0x7b8: {  	[sflag:s20] =	ssyncadd.s32 $0xFFFF8000  }
0x7b9: {  	v3 =	vld [tilespmem:$0x740];
	_ =	sdelay $0x4  }
0x7ba: {  	v52 =	vshll.u32 v3, $0x2  }
0x7bb: {  	v3 =	vand.u32 $0x7, v3;
	v4 =	vand.u32 $0xFFFFFFE0, v52  }
0x7bc: {  	v3 =	vor.u32 v3, v4  }
0x7bd: {  	v4 =	vperm.xlane v3, v0;
	_ =	sdelay $0x1  }
0x7be: {  	v4 =	vadd.s32 v1, v4;
	_ =	sdelay $0x1  }
0x7bf: {  	v3 =	vperm.xlane v3, v2;
	_ =	sdelay $0x1  }
0x7c0: {  	v3 =	vadd.s32 v1, v3  }
0x7c1: {  	[tilespmem:s0], [sflag:$0x3] =	stream.indirect_vreg.gather [hbm4b:s1+s3], $0x80, v4, vm0, $0xb8;
	[tilespmem:$0x18800] =	vst v63  }
0x7c2: {  	s21 =	simm.s32 $0x11000  }
0x7c3: {  	[tilespmem:s21], [sflag:$0x3] =	stream.indirect_vreg.gather [hbm4b:s5+s3], $0x80, v4, vm0, $0xb8;
	[tilespmem:$0x18800] =	vst v63  }
0x7c4: {  	s21 =	simm.s32 $0x11800  }
0x7c5: {  	[tilespmem:s21], [sflag:$0x3] =	stream.indirect_vreg.gather [hbm4b:s1+s3], $0x80, v3, vm0, $0xb8;
	[tilespmem:$0x18800] =	vst v63  }
0x7c6: {  	s21 =	simm.s32 $0x12000  }
0x7c7: {  	[tilespmem:s21], [sflag:$0x3] =	stream.indirect_vreg.gather [hbm4b:s5+s3], $0x80, v3, vm0, $0xb8;
	[tilespmem:$0x18800] =	vst v63  }
0x7c8: {  	v3 =	vld [tilespmem:$0x750];
	_ =	sdelay $0x4  }
0x7c9: {  	v53 =	vshll.u32 v3, $0x2  }
0x7ca: {  	v3 =	vand.u32 $0x7, v3;
	v4 =	vand.u32 $0xFFFFFFE0, v53  }
0x7cb: {  	v3 =	vor.u32 v3, v4  }
0x7cc: {  	v4 =	vperm.xlane v3, v0;
	_ =	sdelay $0x1  }
0x7cd: {  	v4 =	vadd.s32 v1, v4;
	_ =	sdelay $0x1  }
0x7ce: {  	v3 =	vperm.xlane v3, v2;
	_ =	sdelay $0x1  }
0x7cf: {  	s21 =	simm.s32 $0x12800;
	v3 =	vadd.s32 v1, v3  }
0x7d0: {  	[tilespmem:s21], [sflag:$0x3] =	stream.indirect_vreg.gather [hbm4b:s1+s3], $0x80, v4, vm0, $0xb8;
	[tilespmem:$0x18800] =	vst v63  }
0x7d1: {  	_ = 	snop  }
0x7d2: {  	[tilespmem:s4], [sflag:$0x3] =	stream.indirect_vreg.gather [hbm4b:s5+s3], $0x80, v4, vm0, $0xb8;
	[tilespmem:$0x18800] =	vst v63  }
0x7d3: {  	s21 =	simm.s32 $0x13800  }
0x7d4: {  	[tilespmem:s21], [sflag:$0x3] =	stream.indirect_vreg.gather [hbm4b:s1+s3], $0x80, v3, vm0, $0xb8;
	[tilespmem:$0x18800] =	vst v63  }
0x7d5: {  	s21 =	simm.s32 $0x14000  }
0x7d6: {  	[tilespmem:s21], [sflag:$0x3] =	stream.indirect_vreg.gather [hbm4b:s5+s3], $0x80, v3, vm0, $0xb8;
	[tilespmem:$0x18800] =	vst v63  }
0x7d7: {  	v3 =	vld [tilespmem:$0x760];
	_ =	sdelay $0x4  }
0x7d8: {  	v54 =	vshll.u32 v3, $0x2  }
0x7d9: {  	v3 =	vand.u32 $0x7, v3;
	v4 =	vand.u32 $0xFFFFFFE0, v54  }
0x7da: {  	v3 =	vor.u32 v3, v4  }
0x7db: {  	v4 =	vperm.xlane v3, v0;
	_ =	sdelay $0x1  }
0x7dc: {  	v4 =	vadd.s32 v1, v4;
	_ =	sdelay $0x1  }
0x7dd: {  	v3 =	vperm.xlane v3, v2;
	_ =	sdelay $0x1  }
0x7de: {  	v3 =	vadd.s32 v1, v3  }
0x7df: {  	[tilespmem:s22], [sflag:$0x3] =	stream.indirect_vreg.gather [hbm4b:s1+s3], $0x80, v4, vm0, $0xb8;
	[tilespmem:$0x18800] =	vst v63  }
0x7e0: {  	_ = 	snop  }
0x7e1: {  	[tilespmem:s12], [sflag:$0x3] =	stream.indirect_vreg.gather [hbm4b:s5+s3], $0x80, v4, vm0, $0xb8;
	[tilespmem:$0x18800] =	vst v63  }
0x7e2: {  	_ = 	snop  }
0x7e3: {  	[tilespmem:s14], [sflag:$0x3] =	stream.indirect_vreg.gather [hbm4b:s1+s3], $0x80, v3, vm0, $0xb8;
	[tilespmem:$0x18800] =	vst v63  }
0x7e4: {  	s21 =	simm.s32 $0x16000  }
0x7e5: {  	[tilespmem:s21], [sflag:$0x3] =	stream.indirect_vreg.gather [hbm4b:s5+s3], $0x80, v3, vm0, $0xb8;
	[tilespmem:$0x18800] =	vst v63  }
0x7e6: {  	v3 =	vld [tilespmem:$0x770];
	_ =	sdelay $0x4  }
0x7e7: {  	v55 =	vshll.u32 v3, $0x2  }
0x7e8: {  	v3 =	vand.u32 $0x7, v3;
	v4 =	vand.u32 $0xFFFFFFE0, v55  }
0x7e9: {  	v3 =	vor.u32 v3, v4  }
0x7ea: {  	v4 =	vperm.xlane v3, v0;
	_ =	sdelay $0x1  }
0x7eb: {  	v4 =	vadd.s32 v1, v4;
	_ =	sdelay $0x1  }
0x7ec: {  	v3 =	vperm.xlane v3, v2;
	_ =	sdelay $0x1  }
0x7ed: {  	s22 =	simm.s32 $0x16800;
	v3 =	vadd.s32 v1, v3  }
0x7ee: {  	[tilespmem:s22], [sflag:$0x3] =	stream.indirect_vreg.gather [hbm4b:s1+s3], $0x80, v4, vm0, $0xb8;
	[tilespmem:$0x18800] =	vst v63  }
0x7ef: {  	_ = 	snop  }
0x7f0: {  	[tilespmem:s7], [sflag:$0x3] =	stream.indirect_vreg.gather [hbm4b:s5+s3], $0x80, v4, vm0, $0xb8;
	[tilespmem:$0x18800] =	vst v63  }
0x7f1: {  	s31 =	simm.s32 $0x17800  }
0x7f2: {  	[tilespmem:s31], [sflag:$0x3] =	stream.indirect_vreg.gather [hbm4b:s1+s3], $0x80, v3, vm0, $0xb8;
	[tilespmem:$0x18800] =	vst v63  }
0x7f3: {  	s23 =	simm.s32 $0x18000  }
0x7f4: {  	[tilespmem:s23], [sflag:$0x3] =	stream.indirect_vreg.gather [hbm4b:s5+s3], $0x80, v3, vm0, $0xb8;
	[tilespmem:$0x18800] =	vst v63  }
0x7f5: {  	_ =	swait.ge [sflag:s15], $0x8000  }
0x7f6: {  	[sflag:s15] =	ssyncset.done $0x0  }
0x7f7: {  	s12 =	simm.s32 $0x800;
	s7 =	rddreg [dreg:$0x1f];
	[sflag:s15] =	ssyncadd.s32 $0xFFFF8000  }
0x7f8: {  	[hbm4b:s7+s3] =	stream.linear.scatter [tilespmem:s12], [sflag:$0x4], $0x8000, $0x38;
	[tilespmem:$0x18800] =	vst v63  }
0x7f9: {  	_ =	swait.ge [sflag:s16], $0x8000  }
0x7fa: {  	[sflag:s16] =	ssyncset.done $0x0  }
0x7fb: {  	[sflag:s16] =	ssyncadd.s32 $0xFFFF8000  }
0x7fc: {  	v3 =	vld [tilespmem:$0x780];
	_ =	sdelay $0x4  }
0x7fd: {  	v56 =	vshll.u32 v3, $0x2  }
0x7fe: {  	v3 =	vand.u32 $0x7, v3;
	v4 =	vand.u32 $0xFFFFFFE0, v56  }
0x7ff: {  	v3 =	vor.u32 v3, v4  }
0x800: {  	v4 =	vperm.xlane v3, v0;
	_ =	sdelay $0x1  }
0x801: {  	v4 =	vadd.s32 v1, v4;
	_ =	sdelay $0x1  }
0x802: {  	v3 =	vperm.xlane v3, v2;
	_ =	sdelay $0x1  }
0x803: {  	v3 =	vadd.s32 v1, v3  }
0x804: {  	[tilespmem:s12], [sflag:$0x1] =	stream.indirect_vreg.gather [hbm4b:s1+s3], $0x80, v4, vm0, $0xb8;
	[tilespmem:$0x18800] =	vst v63  }
0x805: {  	s14 =	simm.s32 $0x1000  }
0x806: {  	[tilespmem:s14], [sflag:$0x1] =	stream.indirect_vreg.gather [hbm4b:s5+s3], $0x80, v4, vm0, $0xb8;
	[tilespmem:$0x18800] =	vst v63  }
0x807: {  	s30 =	simm.s32 $0x1800  }
0x808: {  	[tilespmem:s30], [sflag:$0x1] =	stream.indirect_vreg.gather [hbm4b:s1+s3], $0x80, v3, vm0, $0xb8;
	[tilespmem:$0x18800] =	vst v63  }
0x809: {  	s10 =	simm.s32 $0x2000  }
0x80a: {  	[tilespmem:s10], [sflag:$0x1] =	stream.indirect_vreg.gather [hbm4b:s5+s3], $0x80, v3, vm0, $0xb8;
	[tilespmem:$0x18800] =	vst v63  }
0x80b: {  	v3 =	vld [tilespmem:$0x790];
	_ =	sdelay $0x4  }
0x80c: {  	v57 =	vshll.u32 v3, $0x2  }
0x80d: {  	v3 =	vand.u32 $0x7, v3;
	v4 =	vand.u32 $0xFFFFFFE0, v57  }
0x80e: {  	v3 =	vor.u32 v3, v4  }
0x80f: {  	v4 =	vperm.xlane v3, v0;
	_ =	sdelay $0x1  }
0x810: {  	v4 =	vadd.s32 v1, v4;
	_ =	sdelay $0x1  }
0x811: {  	v3 =	vperm.xlane v3, v2;
	_ =	sdelay $0x1  }
0x812: {  	s21 =	simm.s32 $0x2800;
	v3 =	vadd.s32 v1, v3  }
0x813: {  	[tilespmem:s21], [sflag:$0x1] =	stream.indirect_vreg.gather [hbm4b:s1+s3], $0x80, v4, vm0, $0xb8;
	[tilespmem:$0x18800] =	vst v63  }
0x814: {  	s22 =	simm.s32 $0x3000  }
0x815: {  	[tilespmem:s22], [sflag:$0x1] =	stream.indirect_vreg.gather [hbm4b:s5+s3], $0x80, v4, vm0, $0xb8;
	[tilespmem:$0x18800] =	vst v63  }
0x816: {  	s24 =	simm.s32 $0x3800  }
0x817: {  	[tilespmem:s24], [sflag:$0x1] =	stream.indirect_vreg.gather [hbm4b:s1+s3], $0x80, v3, vm0, $0xb8;
	[tilespmem:$0x18800] =	vst v63  }
0x818: {  	_ = 	snop  }
0x819: {  	[tilespmem:s6], [sflag:$0x1] =	stream.indirect_vreg.gather [hbm4b:s5+s3], $0x80, v3, vm0, $0xb8;
	[tilespmem:$0x18800] =	vst v63  }
0x81a: {  	v3 =	vld [tilespmem:$0x7A0];
	_ =	sdelay $0x4  }
0x81b: {  	v58 =	vshll.u32 v3, $0x2  }
0x81c: {  	v3 =	vand.u32 $0x7, v3;
	v4 =	vand.u32 $0xFFFFFFE0, v58  }
0x81d: {  	v3 =	vor.u32 v3, v4  }
0x81e: {  	v4 =	vperm.xlane v3, v0;
	_ =	sdelay $0x1  }
0x81f: {  	v4 =	vadd.s32 v1, v4;
	_ =	sdelay $0x1  }
0x820: {  	v3 =	vperm.xlane v3, v2;
	_ =	sdelay $0x1  }
0x821: {  	v3 =	vadd.s32 v1, v3  }
0x822: {  	[tilespmem:s8], [sflag:$0x1] =	stream.indirect_vreg.gather [hbm4b:s1+s3], $0x80, v4, vm0, $0xb8;
	[tilespmem:$0x18800] =	vst v63  }
0x823: {  	s23 =	simm.s32 $0x5000  }
0x824: {  	[tilespmem:s23], [sflag:$0x1] =	stream.indirect_vreg.gather [hbm4b:s5+s3], $0x80, v4, vm0, $0xb8;
	[tilespmem:$0x18800] =	vst v63  }
0x825: {  	s13 =	simm.s32 $0x5800  }
0x826: {  	[tilespmem:s13], [sflag:$0x1] =	stream.indirect_vreg.gather [hbm4b:s1+s3], $0x80, v3, vm0, $0xb8;
	[tilespmem:$0x18800] =	vst v63  }
0x827: {  	s24 =	simm.s32 $0x6000  }
0x828: {  	[tilespmem:s24], [sflag:$0x1] =	stream.indirect_vreg.gather [hbm4b:s5+s3], $0x80, v3, vm0, $0xb8;
	[tilespmem:$0x18800] =	vst v63  }
0x829: {  	v3 =	vld [tilespmem:$0x7B0];
	_ =	sdelay $0x4  }
0x82a: {  	v59 =	vshll.u32 v3, $0x2  }
0x82b: {  	v3 =	vand.u32 $0x7, v3;
	v4 =	vand.u32 $0xFFFFFFE0, v59  }
0x82c: {  	v3 =	vor.u32 v3, v4  }
0x82d: {  	v4 =	vperm.xlane v3, v0;
	_ =	sdelay $0x1  }
0x82e: {  	v4 =	vadd.s32 v1, v4;
	_ =	sdelay $0x1  }
0x82f: {  	v3 =	vperm.xlane v3, v2;
	_ =	sdelay $0x1  }
0x830: {  	s25 =	simm.s32 $0x6800;
	v3 =	vadd.s32 v1, v3  }
0x831: {  	[tilespmem:s25], [sflag:$0x1] =	stream.indirect_vreg.gather [hbm4b:s1+s3], $0x80, v4, vm0, $0xb8;
	[tilespmem:$0x18800] =	vst v63  }
0x832: {  	s26 =	simm.s32 $0x7000  }
0x833: {  	[tilespmem:s26], [sflag:$0x1] =	stream.indirect_vreg.gather [hbm4b:s5+s3], $0x80, v4, vm0, $0xb8;
	[tilespmem:$0x18800] =	vst v63  }
0x834: {  	s28 =	simm.s32 $0x7800  }
0x835: {  	[tilespmem:s28], [sflag:$0x1] =	stream.indirect_vreg.gather [hbm4b:s1+s3], $0x80, v3, vm0, $0xb8;
	[tilespmem:$0x18800] =	vst v63  }
0x836: {  	s29 =	simm.s32 $0x8000  }
0x837: {  	[tilespmem:s29], [sflag:$0x1] =	stream.indirect_vreg.gather [hbm4b:s5+s3], $0x80, v3, vm0, $0xb8;
	[tilespmem:$0x18800] =	vst v63  }
0x838: {  	_ =	swait.ge [sflag:s17], $0x8000  }
0x839: {  	s30 =	sld [smem:$0x7F9]  }
0x83a: {  	[sflag:s17] =	ssyncset.done $0x0  }
0x83b: {  	s11 =	simm.s32 $0x8800;
	[sflag:s17] =	ssyncadd.s32 $0xFFFF8000  }
0x83c: {  	[hbm4b:s30+s3] =	stream.linear.scatter [tilespmem:s11], [sflag:$0x5], $0x8000, $0x38;
	[tilespmem:$0x18800] =	vst v63  }
0x83d: {  	_ =	swait.ge [sflag:s18], $0x8000  }
0x83e: {  	[sflag:s18] =	ssyncset.done $0x0  }
0x83f: {  	[sflag:s18] =	ssyncadd.s32 $0xFFFF8000  }
0x840: {  	v3 =	vld [tilespmem:$0x7C0];
	_ =	sdelay $0x4  }
0x841: {  	v60 =	vshll.u32 v3, $0x2  }
0x842: {  	v3 =	vand.u32 $0x7, v3;
	v4 =	vand.u32 $0xFFFFFFE0, v60  }
0x843: {  	v3 =	vor.u32 v3, v4  }
0x844: {  	v4 =	vperm.xlane v3, v0;
	_ =	sdelay $0x1  }
0x845: {  	v4 =	vadd.s32 v1, v4;
	_ =	sdelay $0x1  }
0x846: {  	v3 =	vperm.xlane v3, v2;
	_ =	sdelay $0x1  }
0x847: {  	v3 =	vadd.s32 v1, v3  }
0x848: {  	[tilespmem:s11], [sflag:$0x2] =	stream.indirect_vreg.gather [hbm4b:s1+s3], $0x80, v4, vm0, $0xb8;
	[tilespmem:$0x18800] =	vst v63  }
0x849: {  	s31 =	simm.s32 $0x9000  }
0x84a: {  	[tilespmem:s31], [sflag:$0x2] =	stream.indirect_vreg.gather [hbm4b:s5+s3], $0x80, v4, vm0, $0xb8;
	[tilespmem:$0x18800] =	vst v63  }
0x84b: {  	s6 =	simm.s32 $0x9800  }
0x84c: {  	[tilespmem:s6], [sflag:$0x2] =	stream.indirect_vreg.gather [hbm4b:s1+s3], $0x80, v3, vm0, $0xb8;
	[tilespmem:$0x18800] =	vst v63  }
0x84d: {  	s2 =	simm.s32 $0xA000  }
0x84e: {  	[tilespmem:s2], [sflag:$0x2] =	stream.indirect_vreg.gather [hbm4b:s5+s3], $0x80, v3, vm0, $0xb8;
	[tilespmem:$0x18800] =	vst v63  }
0x84f: {  	v3 =	vld [tilespmem:$0x7D0];
	_ =	sdelay $0x4  }
0x850: {  	v61 =	vshll.u32 v3, $0x2  }
0x851: {  	v3 =	vand.u32 $0x7, v3;
	v4 =	vand.u32 $0xFFFFFFE0, v61  }
0x852: {  	v3 =	vor.u32 v3, v4  }
0x853: {  	v4 =	vperm.xlane v3, v0;
	_ =	sdelay $0x1  }
0x854: {  	v4 =	vadd.s32 v1, v4;
	_ =	sdelay $0x1  }
0x855: {  	v3 =	vperm.xlane v3, v2;
	_ =	sdelay $0x1  }
0x856: {  	s8 =	simm.s32 $0xA800;
	v3 =	vadd.s32 v1, v3  }
0x857: {  	[tilespmem:s8], [sflag:$0x2] =	stream.indirect_vreg.gather [hbm4b:s1+s3], $0x80, v4, vm0, $0xb8;
	[tilespmem:$0x18800] =	vst v63  }
0x858: {  	s10 =	simm.s32 $0xB000  }
0x859: {  	[tilespmem:s10], [sflag:$0x2] =	stream.indirect_vreg.gather [hbm4b:s5+s3], $0x80, v4, vm0, $0xb8;
	[tilespmem:$0x18800] =	vst v63  }
0x85a: {  	s12 =	simm.s32 $0xB800  }
0x85b: {  	[tilespmem:s12], [sflag:$0x2] =	stream.indirect_vreg.gather [hbm4b:s1+s3], $0x80, v3, vm0, $0xb8;
	[tilespmem:$0x18800] =	vst v63  }
0x85c: {  	s9 =	simm.s32 $0xC000  }
0x85d: {  	[tilespmem:s9], [sflag:$0x2] =	stream.indirect_vreg.gather [hbm4b:s5+s3], $0x80, v3, vm0, $0xb8;
	[tilespmem:$0x18800] =	vst v63  }
0x85e: {  	v3 =	vld [tilespmem:$0x7E0];
	_ =	sdelay $0x4  }
0x85f: {  	v62 =	vshll.u32 v3, $0x2  }
0x860: {  	v3 =	vand.u32 $0x7, v3;
	v4 =	vand.u32 $0xFFFFFFE0, v62  }
0x861: {  	v3 =	vor.u32 v3, v4  }
0x862: {  	v4 =	vperm.xlane v3, v0;
	_ =	sdelay $0x1  }
0x863: {  	v4 =	vadd.s32 v1, v4;
	_ =	sdelay $0x1  }
0x864: {  	v3 =	vperm.xlane v3, v2;
	_ =	sdelay $0x1  }
0x865: {  	s13 =	simm.s32 $0xC800;
	v3 =	vadd.s32 v1, v3  }
0x866: {  	[tilespmem:s13], [sflag:$0x2] =	stream.indirect_vreg.gather [hbm4b:s1+s3], $0x80, v4, vm0, $0xb8;
	[tilespmem:$0x18800] =	vst v63  }
0x867: {  	s14 =	simm.s32 $0xD000  }
0x868: {  	[tilespmem:s14], [sflag:$0x2] =	stream.indirect_vreg.gather [hbm4b:s5+s3], $0x80, v4, vm0, $0xb8;
	[tilespmem:$0x18800] =	vst v63  }
0x869: {  	s21 =	simm.s32 $0xD800  }
0x86a: {  	[tilespmem:s21], [sflag:$0x2] =	stream.indirect_vreg.gather [hbm4b:s1+s3], $0x80, v3, vm0, $0xb8;
	[tilespmem:$0x18800] =	vst v63  }
0x86b: {  	s22 =	simm.s32 $0xE000  }
0x86c: {  	[tilespmem:s22], [sflag:$0x2] =	stream.indirect_vreg.gather [hbm4b:s5+s3], $0x80, v3, vm0, $0xb8;
	[tilespmem:$0x18800] =	vst v63  }
0x86d: {  	v3 =	vld [tilespmem:$0x7F0];
	_ =	sdelay $0x4  }
0x86e: {  	v63 =	vshll.u32 v3, $0x2  }
0x86f: {  	v3 =	vand.u32 $0x7, v3;
	v4 =	vand.u32 $0xFFFFFFE0, v63  }
0x870: {  	v3 =	vor.u32 v3, v4  }
0x871: {  	v4 =	vperm.xlane v3, v0;
	_ =	sdelay $0x1  }
0x872: {  	v4 =	vadd.s32 v1, v4;
	_ =	sdelay $0x1  }
0x873: {  	v3 =	vperm.xlane v3, v2;
	_ =	sdelay $0x1  }
0x874: {  	s23 =	simm.s32 $0xE800;
	v3 =	vadd.s32 v1, v3  }
0x875: {  	[tilespmem:s23], [sflag:$0x2] =	stream.indirect_vreg.gather [hbm4b:s1+s3], $0x80, v4, vm0, $0xb8;
	[tilespmem:$0x18800] =	vst v63  }
0x876: {  	s24 =	simm.s32 $0xF000  }
0x877: {  	[tilespmem:s24], [sflag:$0x2] =	stream.indirect_vreg.gather [hbm4b:s5+s3], $0x80, v4, vm0, $0xb8;
	[tilespmem:$0x18800] =	vst v63  }
0x878: {  	s25 =	simm.s32 $0xF800  }
0x879: {  	[tilespmem:s25], [sflag:$0x2] =	stream.indirect_vreg.gather [hbm4b:s1+s3], $0x80, v3, vm0, $0xb8;
	[tilespmem:$0x18800] =	vst v63  }
0x87a: {  	s26 =	simm.s32 $0x10000  }
0x87b: {  	[tilespmem:s26], [sflag:$0x2] =	stream.indirect_vreg.gather [hbm4b:s5+s3], $0x80, v3, vm0, $0xb8;
	[tilespmem:$0x18800] =	vst v63  }
0x87c: {  	_ =	swait.ge [sflag:s19], $0x8000  }
0x87d: {  	s28 =	sld [smem:$0x7FA]  }
0x87e: {  	[sflag:s19] =	ssyncset.done $0x0  }
0x87f: {  	s0 =	simm.s32 $0x10800;
	[sflag:s19] =	ssyncadd.s32 $0xFFFF8000  }
0x880: {  	[hbm4b:s28+s3] =	stream.linear.scatter [tilespmem:s0], [sflag:$0x6], $0x8000, $0x38;
	[tilespmem:$0x18800] =	vst v63  }
0x881: {  	_ =	swait.ge [sflag:s20], $0x8000  }
0x882: {  	[sflag:s20] =	ssyncset.done $0x0  }
0x883: {  	[sflag:s20] =	ssyncadd.s32 $0xFFFF8000  }
0x884: {  	_ =	swait.ge [sflag:s15], $0x8000  }
0x885: {  	s29 =	sld [smem:$0x7FB]  }
0x886: {  	[sflag:s15] =	ssyncset.done $0x0  }
0x887: {  	s7 =	simm.s32 $0x800;
	[sflag:s15] =	ssyncadd.s32 $0xFFFF8000  }
0x888: {  	[hbm4b:s29+s3] =	stream.linear.scatter [tilespmem:s7], [sflag:$0x4], $0x8000, $0x38;
	[tilespmem:$0x18800] =	vst v63  }
0x889: {  	_ =	swait.ge [sflag:s16], $0x8000  }
0x88a: {  	[sflag:s16] =	ssyncset.done $0x0  }
0x88b: {  	[sflag:s16] =	ssyncadd.s32 $0xFFFF8000  }
0x88c: {  	_ =	swait.ge [sflag:s17], $0x8000  }
0x88d: {  	s30 =	sld [smem:$0x7FD]  }
0x88e: {  	[sflag:s17] =	ssyncset.done $0x0  }
0x88f: {  	[sflag:s17] =	ssyncadd.s32 $0xFFFF8000  }
0x890: {  	[hbm4b:s30+s3] =	stream.linear.scatter [tilespmem:s11], [sflag:$0x5], $0x8000, $0x38;
	[tilespmem:$0x18800] =	vst v63  }
0x891: {  	_ =	swait.ge [sflag:s18], $0x8000  }
0x892: {  	s31 =	sld [smem:$0x7F8];
	_ =	sdelay $0x2  }
0x893: {  	p0 =	sne.s32 s31, $0x1  }
.Ltmp0:
0x894: {  	_ = 	snop;
	(pc) =	sbr.rel @p0 .LBB2_1-.Ltmp0, $3  }
0x895: {  	_ =	sdelay $0x1  }
0x896: {  	[sflag:s18] =	ssyncset.done $0x0  }
0x897: {  	[sflag:s18] =	ssyncadd.s32 $0xFFFF8000;
	s0 =	sadd.s32 $0xFFFFFFFF, s31  }
0x898: {  	_ =	sfence.sel $0x180000  }
0x899: {  	[bflag:$0x0] =	sbarrier.arrive $0xFFFF  }
0x89a: {  	_ =	strace $0x90000047  }
0x89b: {  	s0 =	stileid.u32;
	[bflag:$0x2] =	sbarrier.arrive $0xFFFF  }
0x89c: {  	p0 =	sne.s32 s0, $0x0;
	s0 =	rddreg [dreg:$0x3]  }
0x89d: {  	s0 =	sadd.s32 @!p0 $0x100000, s0  }
0x89e: {  	[sflag:s0] =	ssyncadd.tile.s32 @!p0 $0x1;
	_ =	shalt  }
.Lfunc_end2:
_tile_overlayer_lowered:
.L_overlay_start_2:
0x89f: {  	(tag) =	ssettag $0x2  }
0x8a0: {  	s0 =	rddreg [dreg:$0x0];
	s2 =	stileid.u32  }
0x8a1: {  	s1 =	rddreg [dreg:$0x1];
	p0 =	sne.s32 s2, $0x0  }
0x8a2: {  	s3 =	rddreg [dreg:$0x2];
	[bflag:$0x3] =	sbarrier.arrive $0xFFFF;
	s2 =	simm.s32 @!p0 $0x1C07  }
0x8a3: {  	[timem:s3], [sflag:s2] =	dma.local @!p0 [hbm:s0], s1  }
0x8a4: {  	s0 =	simm.s32 @!p0 $0x7  }
0x8a5: {  	_ =	swait.ge @!p0 [sflag:s0], s1  }
0x8a6: {  	s1 =	ssub.s32 @!p0 $0x0, s1;
	[sflag:s0] =	ssyncset.done @!p0 $0x0  }
0x8a7: {  	[sflag:s0] =	ssyncadd.s32 @!p0 s1  }
0x8a8: {  	[bflag:$0x3] =	sbarrier.arrive $0xFFFF  }
0x8a9: {  	_ =	shalt  }

</sc_bundles>
